<compile_context>
chip_gen: v7x
topology: tpu7x:2x2x1
jax: 0.10.2.dev20260603
libtpu: 0.0.44.dev20260713+nightly
codegen_flags: <defaults>
</compile_context>

<pallas_src>
import functools

import jax
import jax.numpy as jnp
from jax import lax
from jax.experimental import pallas as pl
from jax.experimental.pallas import tpu as pltpu
from jax.experimental.pallas import tpu_sc as plsc

D = 32
BLK = 128
NC, NS = 2, 16
NW = NC * NS
NSLAB = D // 8


@functools.lru_cache(maxsize=None)
def _make_convert(V: int):
  nq_full = V // BLK
  tail = V - nq_full * BLK
  assert tail % 8 == 0
  mesh = plsc.VectorSubcoreMesh(core_axis_name="c", subcore_axis_name="s")

  @functools.partial(
      pl.kernel,
      out_type=jax.ShapeDtypeStruct((V * D // 128, 128), jnp.float32),
      mesh=mesh,
      compiler_params=pltpu.CompilerParams(
          use_tc_tiling_on_sc=True, needs_layout_passes=False),
      scratch_types=[
          pltpu.VMEM((2, D, BLK), jnp.float32),
          pltpu.VMEM((2, D, BLK), jnp.float32),
          pltpu.SemaphoreType.DMA,
          pltpu.SemaphoreType.DMA,
      ],
  )
  def k(tt_hbm, tail_hbm, out_hbm, in_v, ob_v, gsem, psem):
    wid = lax.axis_index("s") * NC + lax.axis_index("c")
    lanes = lax.iota(jnp.int32, 16)

    def q_of(m):
      return wid + NW * m

    def start_in(q, slot):
      off = pl.multiple_of(q * BLK, BLK)
      for s in range(NSLAB):
        pltpu.async_copy(
            tt_hbm.at[pl.ds(s * 8, 8), pl.ds(off, BLK)],
            in_v.at[slot, pl.ds(s * 8, 8)], gsem)

    def wait_in(q, slot):
      off = pl.multiple_of(q * BLK, BLK)
      for s in range(NSLAB):
        pltpu.make_async_copy(
            tt_hbm.at[pl.ds(s * 8, 8), pl.ds(off, BLK)],
            in_v.at[slot, pl.ds(s * 8, 8)], gsem).wait()

    def start_out(q, slot):
      pltpu.async_copy(
          ob_v.at[slot], out_hbm.at[pl.ds(pl.multiple_of(q * D, D), D)],
          psem)

    def wait_out(q, slot):
      pltpu.make_async_copy(
          ob_v.at[slot], out_hbm.at[pl.ds(pl.multiple_of(q * D, D), D)],
          psem).wait()

    def transpose(slot):
      src = in_v.at[slot]

      @plsc.parallel_loop(0, D * (BLK // 16), unroll=16)
      def _(i):
        kk = lax.rem(i, D)
        m0 = lax.div(i, D) * 16
        m = m0 + lanes
        rw = lax.bitwise_and(lanes + kk, D - 1)
        vec = plsc.load_gather(src, [rw, m])
        dj = lax.div(m, 4)
        dw = lax.shift_left(lax.rem(m, 4), 5) + rw
        plsc.store_scatter(ob_v.at[slot], [dj, dw], vec)

    @pl.when(q_of(0) < nq_full)
    def _():
      start_in(q_of(0), 0)

    def body(m, _):
      q = q_of(m)
      qp = q - NW
      s = lax.rem(m, 2)
      p = 1 - s

      @pl.when(q < nq_full)
      def _():
        start_in(q, s)

      wait_in(qp, p)

      @pl.when(m >= 2)
      def _():
        wait_out(q_of(m - 2), p)

      transpose(p)
      start_out(qp, p)
      return 0

    def tail_m(m, last_q):
      s = lax.rem(m, 2)
      wait_in(last_q, s)
      transpose(s)
      start_out(last_q, s)

    n_own = (nq_full - wid + NW - 1) // NW
    lax.fori_loop(1, n_own, body, 0)
    tail_m(n_own - 1, q_of(n_own - 1))
    wait_out(q_of(n_own - 2), lax.rem(n_own, 2))
    wait_out(q_of(n_own - 1), lax.rem(n_own - 1, 2))

    @pl.when(wid == 0)
    def _():
      nr = tail * D // 128
      pltpu.sync_copy(tail_hbm, ob_v.at[0, pl.ds(0, nr)])
      pltpu.sync_copy(
          ob_v.at[0, pl.ds(0, nr)],
          out_hbm.at[pl.ds(nq_full * D, nr)])

  return k


@functools.lru_cache(maxsize=None)
def _make_gather(F: int, Bt: int, V: int):
  n_blocks = F * (Bt // BLK)
  assert n_blocks % NW == 0
  j_per_w = n_blocks // NW
  nbh = Bt // BLK
  nidx = j_per_w * BLK
  mesh = plsc.VectorSubcoreMesh(core_axis_name="c", subcore_axis_name="s")

  @functools.partial(
      pl.kernel,
      out_type=jax.ShapeDtypeStruct((F, NSLAB, nbh, 8, BLK), jnp.float32),
      mesh=mesh,
      compiler_params=pltpu.CompilerParams(
          use_tc_tiling_on_sc=False, needs_layout_passes=False),
      scratch_types=[
          pltpu.VMEM((nidx,), jnp.int32),
          pltpu.VMEM((2, BLK, D), jnp.float32),
          pltpu.VMEM((2, D, BLK), jnp.float32),
          pltpu.SemaphoreType.DMA,
          pltpu.SemaphoreType.DMA,
      ],
  )
  def k(idx_hbm, table_hbm, out_hbm, idx_v, rows_v, t_v, gsem, psem):
    wid = lax.axis_index("s") * NC + lax.axis_index("c")
    g0 = wid * j_per_w
    lanes = lax.iota(jnp.int32, 16)

    def blk_of(j):
      g = g0 + j
      f = g // nbh
      bh = g - f * nbh
      return f, bh

    def start_gather(j, slot):
      return pltpu.async_copy(
          table_hbm.at[idx_v.at[pl.ds(j * BLK, BLK)]],
          rows_v.at[slot], gsem)

    def wait_gather(j, slot):
      pltpu.make_async_copy(
          table_hbm.at[idx_v.at[pl.ds(j * BLK, BLK)]],
          rows_v.at[slot], gsem).wait()

    def start_puts(j, slot):
      f, bh = blk_of(j)
      for si in range(NSLAB):
        pltpu.async_copy(
            t_v.at[slot, pl.ds(si * 8, 8)], out_hbm.at[f, si, bh], psem)

    def wait_puts(j, slot):
      f, bh = blk_of(j)
      for si in range(NSLAB):
        pltpu.make_async_copy(
            t_v.at[slot, pl.ds(si * 8, 8)], out_hbm.at[f, si, bh],
            psem).wait()

    def transpose(slot):
      src = rows_v.at[slot]

      @plsc.parallel_loop(0, D * (BLK // 16), unroll=16)
      def _(i):
        kk = lax.rem(i, D)
        chunk = lax.div(i, D)
        bl = lanes + chunk * 16
        cvec = lax.bitwise_and(lanes + kk, D - 1)
        vec = plsc.load_gather(src, [bl, cvec])
        plsc.store_scatter(t_v.at[slot], [cvec, bl], vec)

    pltpu.sync_copy(idx_hbm.at[pl.ds(g0 * BLK, nidx)], idx_v)
    start_gather(0, 0)

    def body(j, _):
      s = lax.rem(j, 2)
      p = 1 - s
      wait_gather(j - 1, p)
      start_gather(j, s)

      @pl.when(j >= 2)
      def _():
        wait_puts(j - 2, p)

      transpose(p)
      start_puts(j - 1, p)
      return 0

    lax.fori_loop(1, j_per_w, body, 0)

    last = j_per_w - 1
    sl = last % 2
    wait_gather(last, sl)
    transpose(sl)
    start_puts(last, sl)
    wait_puts(last - 1, 1 - sl)
    wait_puts(last, sl)

  return k


def kernel(x, table):
  Bt, F = x.shape
  V, d = table.shape
  assert d == D and Bt % BLK == 0
  idx = jnp.swapaxes(x, 0, 1).reshape(F * Bt).astype(jnp.int32)
  nq_full = V // BLK
  tail16 = table[nq_full * BLK:, :].reshape(-1, 128)
  tconv = _make_convert(V)(jnp.swapaxes(table, 0, 1), tail16)
  table_rm = tconv.reshape(V, D)
  out5 = _make_gather(F, Bt, V)(idx, table_rm)
  return out5.transpose(2, 4, 0, 1, 3).reshape(Bt, F, D)

# --- scband reference (transcript-rebuilt; emitter-appended) ---
"""Pipeline reference for scband-embedding-90898687853246 (READ-ONLY COPY).

The authoritative reference and input builder live on the scoring server;
editing this copy changes nothing except your own understanding.
"""

import jax, jax.numpy as jnp
import numpy as np

NUM_EMBEDDINGS = 1000000
EMBEDDING_DIM = 32
BATCH = 16384
N_FIELDS = 26


def setup_inputs(seed: int = 0) -> dict:
    key = jax.random.key(seed)
    k_idx, k_tab = jax.random.split(key)
    x = jax.random.randint(k_idx, (BATCH, N_FIELDS), 0, NUM_EMBEDDINGS, dtype=jnp.int64 if jax.config.jax_enable_x64 else jnp.int32)
    # nn.Embedding default init: N(0, 1)
    table = jax.random.normal(k_tab, (NUM_EMBEDDINGS, EMBEDDING_DIM), dtype=jnp.float32)
    return {"x": x, "table": table}


def reference(x, table):
    # Faithful to nn.Embedding forward: gather rows of the table by index.
    return jnp.take(table, x, axis=0)

if __name__ == "__main__":
    import jax
    _d = setup_inputs()
    print(jax.jit(kernel)(*tuple(_d.values())))

</pallas_src>

<mosaic_0001>
#map = affine_map<(d0, d1) -> (0, 0)>
module attributes {stable_mosaic.version = 14 : i64} {
  func.func @k(%arg0: i32, %arg1: i32, %arg2: memref<32x1000000xf32, #tpu.memory_space<hbm>>, %arg3: memref<16x128xf32, #tpu.memory_space<hbm>>, %arg4: memref<250000x128xf32, #tpu.memory_space<hbm>>, %arg5: memref<2x32x128xf32, #tpu.memory_space<vmem>>, %arg6: memref<2x32x128xf32, #tpu.memory_space<vmem>>, %arg7: memref<!tpu.dma_semaphore, #tpu.memory_space<semaphore_mem>>, %arg8: memref<!tpu.dma_semaphore, #tpu.memory_space<semaphore_mem>>) attributes {dimension_semantics = [#tpu.dimension_semantics<core_parallel>, #tpu.dimension_semantics<subcore_parallel>], iteration_bounds = array<i64: 2, 16>, scalar_prefetch = 0 : i64, scratch_operands = 4 : i64, tpu.core_type = #tpu.core_type<sc_vector_subcore>, window_params = [{transform_indices = #map}, {transform_indices = #map}, {transform_indices = #map}]} {
    %mul3A = arith.constant 2 : i32
    %mul3A_0 = arith.muli %arg1, %mul3A : i32
    %add3A = arith.addi %mul3A_0, %arg0 : i32
    %iota3A = tpu.iota {dimensions = array<i32: 0>} : vector<16xi32>
    %add3A_1 = arith.constant 0 : i32
    %add3A_2 = arith.addi %add3A, %add3A_1 : i32
    %lt3A = arith.constant 7812 : i32
    %lt3A_3 = arith.cmpi slt, %add3A_2, %lt3A : i32
    %convert_element_type3A = arith.extui %lt3A_3 : i1 to i32
    %cond3A = arith.constant 0 : i32
    %cond3A_4 = arith.cmpi ne, %convert_element_type3A, %cond3A : i32
    scf.if %cond3A_4 {
      %add3A_162 = arith.constant 0 : i32
      %add3A_163 = arith.addi %add3A, %add3A_162 : i32
      %mul3A_164 = arith.constant 128 : i32
      %mul3A_165 = arith.muli %add3A_163, %mul3A_164 : i32
      %multiple_of3A_166 = tpu.assume_multiple %mul3A_165, 128 : i32
      %dma_start3A_167 = arith.constant 0 : i32
      %dma_start3A_168 = arith.constant 0 : i32
      %dma_start3A_169 = arith.constant 0 : i32
      %dma_start3A_170 = tpu.memref_slice %arg5[%dma_start3A_167, %dma_start3A_168, %dma_start3A_169] : memref<2x32x128xf32, #tpu.memory_space<vmem>> -> memref<1x8x128xf32, #tpu.memory_space<vmem>>
      %dma_start3A_171 = tpu.memref_squeeze %dma_start3A_170 : memref<1x8x128xf32, #tpu.memory_space<vmem>> -> memref<8x128xf32, #tpu.memory_space<vmem>>
      %dma_start3A_172 = arith.constant 0 : i32
      %dma_start3A_173 = tpu.memref_slice %arg2[%dma_start3A_172, %multiple_of3A_166] : memref<32x1000000xf32, #tpu.memory_space<hbm>> -> memref<8x128xf32, #tpu.memory_space<hbm>>
      %dma_start3A_174 = arith.constant 0 : i32
      %dma_start3A_175 = arith.constant 0 : i32
      %dma_start3A_176 = tpu.memref_slice %arg5[%dma_start3A_167, %dma_start3A_174, %dma_start3A_175] : memref<2x32x128xf32, #tpu.memory_space<vmem>> -> memref<1x8x128xf32, #tpu.memory_space<vmem>>
      %dma_start3A_177 = tpu.memref_squeeze %dma_start3A_176 : memref<1x8x128xf32, #tpu.memory_space<vmem>> -> memref<8x128xf32, #tpu.memory_space<vmem>>
      %dma_start3A_178 = arith.constant 0 : i32
      %dma_start3A_179 = tpu.memref_slice %arg2[%dma_start3A_178, %multiple_of3A_166] : memref<32x1000000xf32, #tpu.memory_space<hbm>> -> memref<8x128xf32, #tpu.memory_space<hbm>>
      tpu.enqueue_dma source(%dma_start3A_179 : memref<8x128xf32, #tpu.memory_space<hbm>>) target(%dma_start3A_177 : memref<8x128xf32, #tpu.memory_space<vmem>>) target_semaphore(%arg7 : memref<!tpu.dma_semaphore, #tpu.memory_space<semaphore_mem>>)
      %dma_start3A_180 = arith.constant 0 : i32
      %dma_start3A_181 = arith.constant 8 : i32
      %dma_start3A_182 = arith.constant 0 : i32
      %dma_start3A_183 = tpu.memref_slice %arg5[%dma_start3A_180, %dma_start3A_181, %dma_start3A_182] : memref<2x32x128xf32, #tpu.memory_space<vmem>> -> memref<1x8x128xf32, #tpu.memory_space<vmem>>
      %dma_start3A_184 = tpu.memref_squeeze %dma_start3A_183 : memref<1x8x128xf32, #tpu.memory_space<vmem>> -> memref<8x128xf32, #tpu.memory_space<vmem>>
      %dma_start3A_185 = arith.constant 8 : i32
      %dma_start3A_186 = tpu.memref_slice %arg2[%dma_start3A_185, %multiple_of3A_166] : memref<32x1000000xf32, #tpu.memory_space<hbm>> -> memref<8x128xf32, #tpu.memory_space<hbm>>
      %dma_start3A_187 = arith.constant 8 : i32
      %dma_start3A_188 = arith.constant 0 : i32
      %dma_start3A_189 = tpu.memref_slice %arg5[%dma_start3A_180, %dma_start3A_187, %dma_start3A_188] : memref<2x32x128xf32, #tpu.memory_space<vmem>> -> memref<1x8x128xf32, #tpu.memory_space<vmem>>
      %dma_start3A_190 = tpu.memref_squeeze %dma_start3A_189 : memref<1x8x128xf32, #tpu.memory_space<vmem>> -> memref<8x128xf32, #tpu.memory_space<vmem>>
      %dma_start3A_191 = arith.constant 8 : i32
      %dma_start3A_192 = tpu.memref_slice %arg2[%dma_start3A_191, %multiple_of3A_166] : memref<32x1000000xf32, #tpu.memory_space<hbm>> -> memref<8x128xf32, #tpu.memory_space<hbm>>
      tpu.enqueue_dma source(%dma_start3A_192 : memref<8x128xf32, #tpu.memory_space<hbm>>) target(%dma_start3A_190 : memref<8x128xf32, #tpu.memory_space<vmem>>) target_semaphore(%arg7 : memref<!tpu.dma_semaphore, #tpu.memory_space<semaphore_mem>>)
      %dma_start3A_193 = arith.constant 0 : i32
      %dma_start3A_194 = arith.constant 16 : i32
      %dma_start3A_195 = arith.constant 0 : i32
      %dma_start3A_196 = tpu.memref_slice %arg5[%dma_start3A_193, %dma_start3A_194, %dma_start3A_195] : memref<2x32x128xf32, #tpu.memory_space<vmem>> -> memref<1x8x128xf32, #tpu.memory_space<vmem>>
      %dma_start3A_197 = tpu.memref_squeeze %dma_start3A_196 : memref<1x8x128xf32, #tpu.memory_space<vmem>> -> memref<8x128xf32, #tpu.memory_space<vmem>>
      %dma_start3A_198 = arith.constant 16 : i32
      %dma_start3A_199 = tpu.memref_slice %arg2[%dma_start3A_198, %multiple_of3A_166] : memref<32x1000000xf32, #tpu.memory_space<hbm>> -> memref<8x128xf32, #tpu.memory_space<hbm>>
      %dma_start3A_200 = arith.constant 16 : i32
      %dma_start3A_201 = arith.constant 0 : i32
      %dma_start3A_202 = tpu.memref_slice %arg5[%dma_start3A_193, %dma_start3A_200, %dma_start3A_201] : memref<2x32x128xf32, #tpu.memory_space<vmem>> -> memref<1x8x128xf32, #tpu.memory_space<vmem>>
      %dma_start3A_203 = tpu.memref_squeeze %dma_start3A_202 : memref<1x8x128xf32, #tpu.memory_space<vmem>> -> memref<8x128xf32, #tpu.memory_space<vmem>>
      %dma_start3A_204 = arith.constant 16 : i32
      %dma_start3A_205 = tpu.memref_slice %arg2[%dma_start3A_204, %multiple_of3A_166] : memref<32x1000000xf32, #tpu.memory_space<hbm>> -> memref<8x128xf32, #tpu.memory_space<hbm>>
      tpu.enqueue_dma source(%dma_start3A_205 : memref<8x128xf32, #tpu.memory_space<hbm>>) target(%dma_start3A_203 : memref<8x128xf32, #tpu.memory_space<vmem>>) target_semaphore(%arg7 : memref<!tpu.dma_semaphore, #tpu.memory_space<semaphore_mem>>)
      %dma_start3A_206 = arith.constant 0 : i32
      %dma_start3A_207 = arith.constant 24 : i32
      %dma_start3A_208 = arith.constant 0 : i32
      %dma_start3A_209 = tpu.memref_slice %arg5[%dma_start3A_206, %dma_start3A_207, %dma_start3A_208] : memref<2x32x128xf32, #tpu.memory_space<vmem>> -> memref<1x8x128xf32, #tpu.memory_space<vmem>>
      %dma_start3A_210 = tpu.memref_squeeze %dma_start3A_209 : memref<1x8x128xf32, #tpu.memory_space<vmem>> -> memref<8x128xf32, #tpu.memory_space<vmem>>
      %dma_start3A_211 = arith.constant 24 : i32
      %dma_start3A_212 = tpu.memref_slice %arg2[%dma_start3A_211, %multiple_of3A_166] : memref<32x1000000xf32, #tpu.memory_space<hbm>> -> memref<8x128xf32, #tpu.memory_space<hbm>>
      %dma_start3A_213 = arith.constant 24 : i32
      %dma_start3A_214 = arith.constant 0 : i32
      %dma_start3A_215 = tpu.memref_slice %arg5[%dma_start3A_206, %dma_start3A_213, %dma_start3A_214] : memref<2x32x128xf32, #tpu.memory_space<vmem>> -> memref<1x8x128xf32, #tpu.memory_space<vmem>>
      %dma_start3A_216 = tpu.memref_squeeze %dma_start3A_215 : memref<1x8x128xf32, #tpu.memory_space<vmem>> -> memref<8x128xf32, #tpu.memory_space<vmem>>
      %dma_start3A_217 = arith.constant 24 : i32
      %dma_start3A_218 = tpu.memref_slice %arg2[%dma_start3A_217, %multiple_of3A_166] : memref<32x1000000xf32, #tpu.memory_space<hbm>> -> memref<8x128xf32, #tpu.memory_space<hbm>>
      tpu.enqueue_dma source(%dma_start3A_218 : memref<8x128xf32, #tpu.memory_space<hbm>>) target(%dma_start3A_216 : memref<8x128xf32, #tpu.memory_space<vmem>>) target_semaphore(%arg7 : memref<!tpu.dma_semaphore, #tpu.memory_space<semaphore_mem>>)
    } else {
    }
    %sub3A = arith.constant 7812 : i32
    %sub3A_5 = arith.subi %sub3A, %add3A : i32
    %add3A_6 = arith.constant 32 : i32
    %add3A_7 = arith.addi %sub3A_5, %add3A_6 : i32
    %sub3A_8 = arith.constant 1 : i32
    %sub3A_9 = arith.subi %add3A_7, %sub3A_8 : i32
    %jit3A = arith.constant 32 : i32
    %div3A = arith.divsi %sub3A_9, %jit3A : i32
    %sign3A = arith.constant 0 : i32
    %sign3A_10 = arith.cmpi sgt, %sub3A_9, %sign3A : i32
    %sign3A_11 = arith.extui %sign3A_10 : i1 to i32
    %sign3A_12 = arith.constant 0 : i32
    %sign3A_13 = arith.cmpi slt, %sub3A_9, %sign3A_12 : i32
    %sign3A_14 = arith.extui %sign3A_13 : i1 to i32
    %sign3A_15 = arith.subi %sign3A_11, %sign3A_14 : i32
    %sign3A_16 = arith.constant 0 : i32
    %sign3A_17 = arith.cmpi sgt, %jit3A, %sign3A_16 : i32
    %sign3A_18 = arith.extui %sign3A_17 : i1 to i32
    %sign3A_19 = arith.constant 0 : i32
    %sign3A_20 = arith.cmpi slt, %jit3A, %sign3A_19 : i32
    %sign3A_21 = arith.extui %sign3A_20 : i1 to i32
    %sign3A_22 = arith.subi %sign3A_18, %sign3A_21 : i32
    %ne3A = arith.cmpi ne, %sign3A_15, %sign3A_22 : i32
    %rem3A = arith.remsi %sub3A_9, %jit3A : i32
    %ne3A_23 = arith.constant 0 : i32
    %ne3A_24 = arith.cmpi ne, %rem3A, %ne3A_23 : i32
    %and3A = arith.andi %ne3A, %ne3A_24 : i1
    %sub3A_25 = arith.constant 1 : i32
    %sub3A_26 = arith.subi %div3A, %sub3A_25 : i32
    %select_n3A = arith.select %and3A, %sub3A_26, %div3A : i32
    %while3A = arith.constant 1 : i32
    %while3A_27 = arith.constant 0 : i32
    %while3A_28 = arith.subi %select_n3A, %while3A : i32
    %while3A_29 = arith.addi %while3A, %while3A_28 : i32
    %while3A_30 = arith.constant 1 : i32
    %while3A_31 = arith.divsi %while3A_28, %while3A_30 : i32
    %while3A_32 = arith.muli %while3A_31, %while3A_30 : i32
    %while3A_33 = arith.addi %while3A, %while3A_32 : i32
    %while3A_34 = arith.constant 1 : i32
    %while3A_35 = scf.for %while3A_162 = %while3A to %while3A_33 step %while3A_34 iter_args(%while3A_163 = %while3A_27) -> (i32)  : i32 {
      %mul3A_164 = arith.constant 32 : i32
      %mul3A_165 = arith.muli %mul3A_164, %while3A_162 : i32
      %add3A_166 = arith.addi %add3A, %mul3A_165 : i32
      %sub3A_167 = arith.constant 32 : i32
      %sub3A_168 = arith.subi %add3A_166, %sub3A_167 : i32
      %rem3A_169 = arith.constant 2 : i32
      %rem3A_170 = arith.remsi %while3A_162, %rem3A_169 : i32
      %sub3A_171 = arith.constant 1 : i32
      %sub3A_172 = arith.subi %sub3A_171, %rem3A_170 : i32
      %lt3A_173 = arith.constant 7812 : i32
      %lt3A_174 = arith.cmpi slt, %add3A_166, %lt3A_173 : i32
      %convert_element_type3A_175 = arith.extui %lt3A_174 : i1 to i32
      %cond3A_176 = arith.constant 0 : i32
      %cond3A_177 = arith.cmpi ne, %convert_element_type3A_175, %cond3A_176 : i32
      scf.if %cond3A_177 {
        %mul3A_252 = arith.constant 128 : i32
        %mul3A_253 = arith.muli %add3A_166, %mul3A_252 : i32
        %multiple_of3A_254 = tpu.assume_multiple %mul3A_253, 128 : i32
        %dma_start3A_255 = arith.constant 0 : i32
        %dma_start3A_256 = arith.constant 0 : i32
        %dma_start3A_257 = tpu.memref_slice %arg5[%rem3A_170, %dma_start3A_255, %dma_start3A_256] : memref<2x32x128xf32, #tpu.memory_space<vmem>> -> memref<1x8x128xf32, #tpu.memory_space<vmem>>
        %dma_start3A_258 = tpu.memref_squeeze %dma_start3A_257 : memref<1x8x128xf32, #tpu.memory_space<vmem>> -> memref<8x128xf32, #tpu.memory_space<vmem>>
        %dma_start3A_259 = arith.constant 0 : i32
        %dma_start3A_260 = tpu.memref_slice %arg2[%dma_start3A_259, %multiple_of3A_254] : memref<32x1000000xf32, #tpu.memory_space<hbm>> -> memref<8x128xf32, #tpu.memory_space<hbm>>
        %dma_start3A_261 = arith.constant 0 : i32
        %dma_start3A_262 = arith.constant 0 : i32
        %dma_start3A_263 = tpu.memref_slice %arg5[%rem3A_170, %dma_start3A_261, %dma_start3A_262] : memref<2x32x128xf32, #tpu.memory_space<vmem>> -> memref<1x8x128xf32, #tpu.memory_space<vmem>>
        %dma_start3A_264 = tpu.memref_squeeze %dma_start3A_263 : memref<1x8x128xf32, #tpu.memory_space<vmem>> -> memref<8x128xf32, #tpu.memory_space<vmem>>
        %dma_start3A_265 = arith.constant 0 : i32
        %dma_start3A_266 = tpu.memref_slice %arg2[%dma_start3A_265, %multiple_of3A_254] : memref<32x1000000xf32, #tpu.memory_space<hbm>> -> memref<8x128xf32, #tpu.memory_space<hbm>>
        tpu.enqueue_dma source(%dma_start3A_266 : memref<8x128xf32, #tpu.memory_space<hbm>>) target(%dma_start3A_264 : memref<8x128xf32, #tpu.memory_space<vmem>>) target_semaphore(%arg7 : memref<!tpu.dma_semaphore, #tpu.memory_space<semaphore_mem>>)
        %dma_start3A_267 = arith.constant 8 : i32
        %dma_start3A_268 = arith.constant 0 : i32
        %dma_start3A_269 = tpu.memref_slice %arg5[%rem3A_170, %dma_start3A_267, %dma_start3A_268] : memref<2x32x128xf32, #tpu.memory_space<vmem>> -> memref<1x8x128xf32, #tpu.memory_space<vmem>>
        %dma_start3A_270 = tpu.memref_squeeze %dma_start3A_269 : memref<1x8x128xf32, #tpu.memory_space<vmem>> -> memref<8x128xf32, #tpu.memory_space<vmem>>
        %dma_start3A_271 = arith.constant 8 : i32
        %dma_start3A_272 = tpu.memref_slice %arg2[%dma_start3A_271, %multiple_of3A_254] : memref<32x1000000xf32, #tpu.memory_space<hbm>> -> memref<8x128xf32, #tpu.memory_space<hbm>>
        %dma_start3A_273 = arith.constant 8 : i32
        %dma_start3A_274 = arith.constant 0 : i32
        %dma_start3A_275 = tpu.memref_slice %arg5[%rem3A_170, %dma_start3A_273, %dma_start3A_274] : memref<2x32x128xf32, #tpu.memory_space<vmem>> -> memref<1x8x128xf32, #tpu.memory_space<vmem>>
        %dma_start3A_276 = tpu.memref_squeeze %dma_start3A_275 : memref<1x8x128xf32, #tpu.memory_space<vmem>> -> memref<8x128xf32, #tpu.memory_space<vmem>>
        %dma_start3A_277 = arith.constant 8 : i32
        %dma_start3A_278 = tpu.memref_slice %arg2[%dma_start3A_277, %multiple_of3A_254] : memref<32x1000000xf32, #tpu.memory_space<hbm>> -> memref<8x128xf32, #tpu.memory_space<hbm>>
        tpu.enqueue_dma source(%dma_start3A_278 : memref<8x128xf32, #tpu.memory_space<hbm>>) target(%dma_start3A_276 : memref<8x128xf32, #tpu.memory_space<vmem>>) target_semaphore(%arg7 : memref<!tpu.dma_semaphore, #tpu.memory_space<semaphore_mem>>)
        %dma_start3A_279 = arith.constant 16 : i32
        %dma_start3A_280 = arith.constant 0 : i32
        %dma_start3A_281 = tpu.memref_slice %arg5[%rem3A_170, %dma_start3A_279, %dma_start3A_280] : memref<2x32x128xf32, #tpu.memory_space<vmem>> -> memref<1x8x128xf32, #tpu.memory_space<vmem>>
        %dma_start3A_282 = tpu.memref_squeeze %dma_start3A_281 : memref<1x8x128xf32, #tpu.memory_space<vmem>> -> memref<8x128xf32, #tpu.memory_space<vmem>>
        %dma_start3A_283 = arith.constant 16 : i32
        %dma_start3A_284 = tpu.memref_slice %arg2[%dma_start3A_283, %multiple_of3A_254] : memref<32x1000000xf32, #tpu.memory_space<hbm>> -> memref<8x128xf32, #tpu.memory_space<hbm>>
        %dma_start3A_285 = arith.constant 16 : i32
        %dma_start3A_286 = arith.constant 0 : i32
        %dma_start3A_287 = tpu.memref_slice %arg5[%rem3A_170, %dma_start3A_285, %dma_start3A_286] : memref<2x32x128xf32, #tpu.memory_space<vmem>> -> memref<1x8x128xf32, #tpu.memory_space<vmem>>
        %dma_start3A_288 = tpu.memref_squeeze %dma_start3A_287 : memref<1x8x128xf32, #tpu.memory_space<vmem>> -> memref<8x128xf32, #tpu.memory_space<vmem>>
        %dma_start3A_289 = arith.constant 16 : i32
        %dma_start3A_290 = tpu.memref_slice %arg2[%dma_start3A_289, %multiple_of3A_254] : memref<32x1000000xf32, #tpu.memory_space<hbm>> -> memref<8x128xf32, #tpu.memory_space<hbm>>
        tpu.enqueue_dma source(%dma_start3A_290 : memref<8x128xf32, #tpu.memory_space<hbm>>) target(%dma_start3A_288 : memref<8x128xf32, #tpu.memory_space<vmem>>) target_semaphore(%arg7 : memref<!tpu.dma_semaphore, #tpu.memory_space<semaphore_mem>>)
        %dma_start3A_291 = arith.constant 24 : i32
        %dma_start3A_292 = arith.constant 0 : i32
        %dma_start3A_293 = tpu.memref_slice %arg5[%rem3A_170, %dma_start3A_291, %dma_start3A_292] : memref<2x32x128xf32, #tpu.memory_space<vmem>> -> memref<1x8x128xf32, #tpu.memory_space<vmem>>
        %dma_start3A_294 = tpu.memref_squeeze %dma_start3A_293 : memref<1x8x128xf32, #tpu.memory_space<vmem>> -> memref<8x128xf32, #tpu.memory_space<vmem>>
        %dma_start3A_295 = arith.constant 24 : i32
        %dma_start3A_296 = tpu.memref_slice %arg2[%dma_start3A_295, %multiple_of3A_254] : memref<32x1000000xf32, #tpu.memory_space<hbm>> -> memref<8x128xf32, #tpu.memory_space<hbm>>
        %dma_start3A_297 = arith.constant 24 : i32
        %dma_start3A_298 = arith.constant 0 : i32
        %dma_start3A_299 = tpu.memref_slice %arg5[%rem3A_170, %dma_start3A_297, %dma_start3A_298] : memref<2x32x128xf32, #tpu.memory_space<vmem>> -> memref<1x8x128xf32, #tpu.memory_space<vmem>>
        %dma_start3A_300 = tpu.memref_squeeze %dma_start3A_299 : memref<1x8x128xf32, #tpu.memory_space<vmem>> -> memref<8x128xf32, #tpu.memory_space<vmem>>
        %dma_start3A_301 = arith.constant 24 : i32
        %dma_start3A_302 = tpu.memref_slice %arg2[%dma_start3A_301, %multiple_of3A_254] : memref<32x1000000xf32, #tpu.memory_space<hbm>> -> memref<8x128xf32, #tpu.memory_space<hbm>>
        tpu.enqueue_dma source(%dma_start3A_302 : memref<8x128xf32, #tpu.memory_space<hbm>>) target(%dma_start3A_300 : memref<8x128xf32, #tpu.memory_space<vmem>>) target_semaphore(%arg7 : memref<!tpu.dma_semaphore, #tpu.memory_space<semaphore_mem>>)
      } else {
      }
      %mul3A_178 = arith.constant 128 : i32
      %mul3A_179 = arith.muli %sub3A_168, %mul3A_178 : i32
      %multiple_of3A_180 = tpu.assume_multiple %mul3A_179, 128 : i32
      %dma_wait3A_181 = arith.constant 0 : i32
      %dma_wait3A_182 = arith.constant 0 : i32
      %dma_wait3A_183 = tpu.memref_slice %arg5[%sub3A_172, %dma_wait3A_181, %dma_wait3A_182] : memref<2x32x128xf32, #tpu.memory_space<vmem>> -> memref<1x8x128xf32, #tpu.memory_space<vmem>>
      %dma_wait3A_184 = tpu.memref_squeeze %dma_wait3A_183 : memref<1x8x128xf32, #tpu.memory_space<vmem>> -> memref<8x128xf32, #tpu.memory_space<vmem>>
      %dma_wait3A_185 = arith.constant 0 : i32
      %dma_wait3A_186 = tpu.memref_slice %arg2[%dma_wait3A_185, %multiple_of3A_180] : memref<32x1000000xf32, #tpu.memory_space<hbm>> -> memref<8x128xf32, #tpu.memory_space<hbm>>
      %dma_wait3A_187 = arith.constant 0 : i32
      %dma_wait3A_188 = arith.constant 0 : i32
      %dma_wait3A_189 = tpu.memref_slice %arg5[%sub3A_172, %dma_wait3A_187, %dma_wait3A_188] : memref<2x32x128xf32, #tpu.memory_space<vmem>> -> memref<1x8x128xf32, #tpu.memory_space<vmem>>
      %dma_wait3A_190 = tpu.memref_squeeze %dma_wait3A_189 : memref<1x8x128xf32, #tpu.memory_space<vmem>> -> memref<8x128xf32, #tpu.memory_space<vmem>>
      %dma_wait3A_191 = arith.constant 0 : i32
      %dma_wait3A_192 = tpu.memref_slice %arg2[%dma_wait3A_191, %multiple_of3A_180] : memref<32x1000000xf32, #tpu.memory_space<hbm>> -> memref<8x128xf32, #tpu.memory_space<hbm>>
      tpu.wait_dma2 semaphore(%arg7 : memref<!tpu.dma_semaphore, #tpu.memory_space<semaphore_mem>>) src(%dma_wait3A_192 : memref<8x128xf32, #tpu.memory_space<hbm>>) dst(%dma_wait3A_190 : memref<8x128xf32, #tpu.memory_space<vmem>>)
      %dma_wait3A_193 = arith.constant 8 : i32
      %dma_wait3A_194 = arith.constant 0 : i32
      %dma_wait3A_195 = tpu.memref_slice %arg5[%sub3A_172, %dma_wait3A_193, %dma_wait3A_194] : memref<2x32x128xf32, #tpu.memory_space<vmem>> -> memref<1x8x128xf32, #tpu.memory_space<vmem>>
      %dma_wait3A_196 = tpu.memref_squeeze %dma_wait3A_195 : memref<1x8x128xf32, #tpu.memory_space<vmem>> -> memref<8x128xf32, #tpu.memory_space<vmem>>
      %dma_wait3A_197 = arith.constant 8 : i32
      %dma_wait3A_198 = tpu.memref_slice %arg2[%dma_wait3A_197, %multiple_of3A_180] : memref<32x1000000xf32, #tpu.memory_space<hbm>> -> memref<8x128xf32, #tpu.memory_space<hbm>>
      %dma_wait3A_199 = arith.constant 8 : i32
      %dma_wait3A_200 = arith.constant 0 : i32
      %dma_wait3A_201 = tpu.memref_slice %arg5[%sub3A_172, %dma_wait3A_199, %dma_wait3A_200] : memref<2x32x128xf32, #tpu.memory_space<vmem>> -> memref<1x8x128xf32, #tpu.memory_space<vmem>>
      %dma_wait3A_202 = tpu.memref_squeeze %dma_wait3A_201 : memref<1x8x128xf32, #tpu.memory_space<vmem>> -> memref<8x128xf32, #tpu.memory_space<vmem>>
      %dma_wait3A_203 = arith.constant 8 : i32
      %dma_wait3A_204 = tpu.memref_slice %arg2[%dma_wait3A_203, %multiple_of3A_180] : memref<32x1000000xf32, #tpu.memory_space<hbm>> -> memref<8x128xf32, #tpu.memory_space<hbm>>
      tpu.wait_dma2 semaphore(%arg7 : memref<!tpu.dma_semaphore, #tpu.memory_space<semaphore_mem>>) src(%dma_wait3A_204 : memref<8x128xf32, #tpu.memory_space<hbm>>) dst(%dma_wait3A_202 : memref<8x128xf32, #tpu.memory_space<vmem>>)
      %dma_wait3A_205 = arith.constant 16 : i32
      %dma_wait3A_206 = arith.constant 0 : i32
      %dma_wait3A_207 = tpu.memref_slice %arg5[%sub3A_172, %dma_wait3A_205, %dma_wait3A_206] : memref<2x32x128xf32, #tpu.memory_space<vmem>> -> memref<1x8x128xf32, #tpu.memory_space<vmem>>
      %dma_wait3A_208 = tpu.memref_squeeze %dma_wait3A_207 : memref<1x8x128xf32, #tpu.memory_space<vmem>> -> memref<8x128xf32, #tpu.memory_space<vmem>>
      %dma_wait3A_209 = arith.constant 16 : i32
      %dma_wait3A_210 = tpu.memref_slice %arg2[%dma_wait3A_209, %multiple_of3A_180] : memref<32x1000000xf32, #tpu.memory_space<hbm>> -> memref<8x128xf32, #tpu.memory_space<hbm>>
      %dma_wait3A_211 = arith.constant 16 : i32
      %dma_wait3A_212 = arith.constant 0 : i32
      %dma_wait3A_213 = tpu.memref_slice %arg5[%sub3A_172, %dma_wait3A_211, %dma_wait3A_212] : memref<2x32x128xf32, #tpu.memory_space<vmem>> -> memref<1x8x128xf32, #tpu.memory_space<vmem>>
      %dma_wait3A_214 = tpu.memref_squeeze %dma_wait3A_213 : memref<1x8x128xf32, #tpu.memory_space<vmem>> -> memref<8x128xf32, #tpu.memory_space<vmem>>
      %dma_wait3A_215 = arith.constant 16 : i32
      %dma_wait3A_216 = tpu.memref_slice %arg2[%dma_wait3A_215, %multiple_of3A_180] : memref<32x1000000xf32, #tpu.memory_space<hbm>> -> memref<8x128xf32, #tpu.memory_space<hbm>>
      tpu.wait_dma2 semaphore(%arg7 : memref<!tpu.dma_semaphore, #tpu.memory_space<semaphore_mem>>) src(%dma_wait3A_216 : memref<8x128xf32, #tpu.memory_space<hbm>>) dst(%dma_wait3A_214 : memref<8x128xf32, #tpu.memory_space<vmem>>)
      %dma_wait3A_217 = arith.constant 24 : i32
      %dma_wait3A_218 = arith.constant 0 : i32
      %dma_wait3A_219 = tpu.memref_slice %arg5[%sub3A_172, %dma_wait3A_217, %dma_wait3A_218] : memref<2x32x128xf32, #tpu.memory_space<vmem>> -> memref<1x8x128xf32, #tpu.memory_space<vmem>>
      %dma_wait3A_220 = tpu.memref_squeeze %dma_wait3A_219 : memref<1x8x128xf32, #tpu.memory_space<vmem>> -> memref<8x128xf32, #tpu.memory_space<vmem>>
      %dma_wait3A_221 = arith.constant 24 : i32
      %dma_wait3A_222 = tpu.memref_slice %arg2[%dma_wait3A_221, %multiple_of3A_180] : memref<32x1000000xf32, #tpu.memory_space<hbm>> -> memref<8x128xf32, #tpu.memory_space<hbm>>
      %dma_wait3A_223 = arith.constant 24 : i32
      %dma_wait3A_224 = arith.constant 0 : i32
      %dma_wait3A_225 = tpu.memref_slice %arg5[%sub3A_172, %dma_wait3A_223, %dma_wait3A_224] : memref<2x32x128xf32, #tpu.memory_space<vmem>> -> memref<1x8x128xf32, #tpu.memory_space<vmem>>
      %dma_wait3A_226 = tpu.memref_squeeze %dma_wait3A_225 : memref<1x8x128xf32, #tpu.memory_space<vmem>> -> memref<8x128xf32, #tpu.memory_space<vmem>>
      %dma_wait3A_227 = arith.constant 24 : i32
      %dma_wait3A_228 = tpu.memref_slice %arg2[%dma_wait3A_227, %multiple_of3A_180] : memref<32x1000000xf32, #tpu.memory_space<hbm>> -> memref<8x128xf32, #tpu.memory_space<hbm>>
      tpu.wait_dma2 semaphore(%arg7 : memref<!tpu.dma_semaphore, #tpu.memory_space<semaphore_mem>>) src(%dma_wait3A_228 : memref<8x128xf32, #tpu.memory_space<hbm>>) dst(%dma_wait3A_226 : memref<8x128xf32, #tpu.memory_space<vmem>>)
      %ge3A = arith.constant 2 : i32
      %ge3A_229 = arith.cmpi sge, %while3A_162, %ge3A : i32
      %convert_element_type3A_230 = arith.extui %ge3A_229 : i1 to i32
      %cond3A_231 = arith.constant 0 : i32
      %cond3A_232 = arith.cmpi ne, %convert_element_type3A_230, %cond3A_231 : i32
      scf.if %cond3A_232 {
        %sub3A_252 = arith.constant 2 : i32
        %sub3A_253 = arith.subi %while3A_162, %sub3A_252 : i32
        %mul3A_254 = arith.constant 32 : i32
        %mul3A_255 = arith.muli %mul3A_254, %sub3A_253 : i32
        %add3A_256 = arith.addi %add3A, %mul3A_255 : i32
        %mul3A_257 = arith.constant 32 : i32
        %mul3A_258 = arith.muli %add3A_256, %mul3A_257 : i32
        %multiple_of3A_259 = tpu.assume_multiple %mul3A_258, 32 : i32
        %dma_wait3A_260 = arith.constant 0 : i32
        %dma_wait3A_261 = arith.constant 0 : i32
        %dma_wait3A_262 = tpu.memref_slice %arg6[%sub3A_172, %dma_wait3A_260, %dma_wait3A_261] : memref<2x32x128xf32, #tpu.memory_space<vmem>> -> memref<1x32x128xf32, #tpu.memory_space<vmem>>
        %dma_wait3A_263 = tpu.memref_squeeze %dma_wait3A_262 : memref<1x32x128xf32, #tpu.memory_space<vmem>> -> memref<32x128xf32, #tpu.memory_space<vmem>>
        %dma_wait3A_264 = arith.constant 0 : i32
        %dma_wait3A_265 = tpu.memref_slice %arg4[%multiple_of3A_259, %dma_wait3A_264] : memref<250000x128xf32, #tpu.memory_space<hbm>> -> memref<32x128xf32, #tpu.memory_space<hbm>>
        %dma_wait3A_266 = arith.constant 0 : i32
        %dma_wait3A_267 = tpu.memref_slice %arg4[%multiple_of3A_259, %dma_wait3A_266] : memref<250000x128xf32, #tpu.memory_space<hbm>> -> memref<32x128xf32, #tpu.memory_space<hbm>>
        %dma_wait3A_268 = arith.constant 0 : i32
        %dma_wait3A_269 = arith.constant 0 : i32
        %dma_wait3A_270 = tpu.memref_slice %arg6[%sub3A_172, %dma_wait3A_268, %dma_wait3A_269] : memref<2x32x128xf32, #tpu.memory_space<vmem>> -> memref<1x32x128xf32, #tpu.memory_space<vmem>>
        %dma_wait3A_271 = tpu.memref_squeeze %dma_wait3A_270 : memref<1x32x128xf32, #tpu.memory_space<vmem>> -> memref<32x128xf32, #tpu.memory_space<vmem>>
        tpu.wait_dma2 semaphore(%arg8 : memref<!tpu.dma_semaphore, #tpu.memory_space<semaphore_mem>>) src(%dma_wait3A_271 : memref<32x128xf32, #tpu.memory_space<vmem>>) dst(%dma_wait3A_267 : memref<32x128xf32, #tpu.memory_space<hbm>>)
      } else {
      }
      %parallel_loop3A_233 = arith.constant 0 : i32
      %parallel_loop3A_234 = arith.constant 256 : i32
      %parallel_loop3A_235 = arith.constant 1 : i32
      scf.for %parallel_loop3A_252 = %parallel_loop3A_233 to %parallel_loop3A_234 step %parallel_loop3A_235  : i32 {
        %parallel_loop3A_253 = arith.constant 32 : i32
        %parallel_loop3A_254 = arith.remsi %parallel_loop3A_252, %parallel_loop3A_253 : i32
        %parallel_loop3A_255 = arith.constant 32 : i32
        %parallel_loop3A_256 = arith.divsi %parallel_loop3A_252, %parallel_loop3A_255 : i32
        %parallel_loop3A_257 = arith.constant 16 : i32
        %parallel_loop3A_258 = arith.muli %parallel_loop3A_256, %parallel_loop3A_257 : i32
        %parallel_loop3A_259 = vector.broadcast %parallel_loop3A_258 : i32 to vector<16xi32>
        %parallel_loop3A_260 = arith.addi %parallel_loop3A_259, %iota3A : vector<16xi32>
        %parallel_loop3A_261 = vector.broadcast %parallel_loop3A_254 : i32 to vector<16xi32>
        %parallel_loop3A_262 = arith.addi %iota3A, %parallel_loop3A_261 : vector<16xi32>
        %parallel_loop3A_263 = arith.constant 31 : i32
        %parallel_loop3A_264 = vector.broadcast %parallel_loop3A_263 : i32 to vector<16xi32>
        %parallel_loop3A_265 = arith.andi %parallel_loop3A_262, %parallel_loop3A_264 : vector<16xi32>
        %parallel_loop3A_266 = arith.constant 0 : i32
        %parallel_loop3A_267 = arith.constant 0 : i32
        %parallel_loop3A_268 = tpu.memref_slice %arg5[%sub3A_172, %parallel_loop3A_266, %parallel_loop3A_267] : memref<2x32x128xf32, #tpu.memory_space<vmem>> -> memref<1x32x128xf32, #tpu.memory_space<vmem>>
        %parallel_loop3A_269 = tpu.memref_squeeze %parallel_loop3A_268 : memref<1x32x128xf32, #tpu.memory_space<vmem>> -> memref<32x128xf32, #tpu.memory_space<vmem>>
        %parallel_loop3A_270 = tpu.vector_load_idx %parallel_loop3A_269[%parallel_loop3A_265, %parallel_loop3A_260] : memref<32x128xf32, #tpu.memory_space<vmem>>[vector<16xi32>, vector<16xi32>], vector<16xf32>,
        %parallel_loop3A_271 = arith.constant 4 : i32
        %parallel_loop3A_272 = vector.broadcast %parallel_loop3A_271 : i32 to vector<16xi32>
        %parallel_loop3A_273 = arith.divsi %parallel_loop3A_260, %parallel_loop3A_272 : vector<16xi32>
        %parallel_loop3A_274 = arith.constant 4 : i32
        %parallel_loop3A_275 = vector.broadcast %parallel_loop3A_274 : i32 to vector<16xi32>
        %parallel_loop3A_276 = arith.remsi %parallel_loop3A_260, %parallel_loop3A_275 : vector<16xi32>
        %parallel_loop3A_277 = arith.constant 5 : i32
        %parallel_loop3A_278 = vector.broadcast %parallel_loop3A_277 : i32 to vector<16xi32>
        %parallel_loop3A_279 = arith.shli %parallel_loop3A_276, %parallel_loop3A_278 : vector<16xi32>
        %parallel_loop3A_280 = arith.addi %parallel_loop3A_279, %parallel_loop3A_265 : vector<16xi32>
        %parallel_loop3A_281 = arith.constant 0 : i32
        %parallel_loop3A_282 = arith.constant 0 : i32
        %parallel_loop3A_283 = tpu.memref_slice %arg6[%sub3A_172, %parallel_loop3A_281, %parallel_loop3A_282] : memref<2x32x128xf32, #tpu.memory_space<vmem>> -> memref<1x32x128xf32, #tpu.memory_space<vmem>>
        %parallel_loop3A_284 = tpu.memref_squeeze %parallel_loop3A_283 : memref<1x32x128xf32, #tpu.memory_space<vmem>> -> memref<32x128xf32, #tpu.memory_space<vmem>>
        tpu.vector_store_idx %parallel_loop3A_284[%parallel_loop3A_273, %parallel_loop3A_280], %parallel_loop3A_270 : memref<32x128xf32, #tpu.memory_space<vmem>>[vector<16xi32>, vector<16xi32>], vector<16xf32>,
      } {sc.loop_unroll_factor = 16 : i64, sc.parallel_access}
      %mul3A_236 = arith.constant 32 : i32
      %mul3A_237 = arith.muli %sub3A_168, %mul3A_236 : i32
      %multiple_of3A_238 = tpu.assume_multiple %mul3A_237, 32 : i32
      %dma_start3A_239 = arith.constant 0 : i32
      %dma_start3A_240 = arith.constant 0 : i32
      %dma_start3A_241 = tpu.memref_slice %arg6[%sub3A_172, %dma_start3A_239, %dma_start3A_240] : memref<2x32x128xf32, #tpu.memory_space<vmem>> -> memref<1x32x128xf32, #tpu.memory_space<vmem>>
      %dma_start3A_242 = tpu.memref_squeeze %dma_start3A_241 : memref<1x32x128xf32, #tpu.memory_space<vmem>> -> memref<32x128xf32, #tpu.memory_space<vmem>>
      %dma_start3A_243 = arith.constant 0 : i32
      %dma_start3A_244 = tpu.memref_slice %arg4[%multiple_of3A_238, %dma_start3A_243] : memref<250000x128xf32, #tpu.memory_space<hbm>> -> memref<32x128xf32, #tpu.memory_space<hbm>>
      %dma_start3A_245 = arith.constant 0 : i32
      %dma_start3A_246 = tpu.memref_slice %arg4[%multiple_of3A_238, %dma_start3A_245] : memref<250000x128xf32, #tpu.memory_space<hbm>> -> memref<32x128xf32, #tpu.memory_space<hbm>>
      %dma_start3A_247 = arith.constant 0 : i32
      %dma_start3A_248 = arith.constant 0 : i32
      %dma_start3A_249 = tpu.memref_slice %arg6[%sub3A_172, %dma_start3A_247, %dma_start3A_248] : memref<2x32x128xf32, #tpu.memory_space<vmem>> -> memref<1x32x128xf32, #tpu.memory_space<vmem>>
      %dma_start3A_250 = tpu.memref_squeeze %dma_start3A_249 : memref<1x32x128xf32, #tpu.memory_space<vmem>> -> memref<32x128xf32, #tpu.memory_space<vmem>>
      tpu.enqueue_dma source(%dma_start3A_250 : memref<32x128xf32, #tpu.memory_space<vmem>>) target(%dma_start3A_246 : memref<32x128xf32, #tpu.memory_space<hbm>>) target_semaphore(%arg8 : memref<!tpu.dma_semaphore, #tpu.memory_space<semaphore_mem>>)
      %while3A_251 = arith.constant 0 : i32
      scf.yield %while3A_251 : i32
    }
    %while3A_36 = arith.constant 1 : i32
    %while3A_37 = scf.for %while3A_162 = %while3A_33 to %while3A_29 step %while3A_36 iter_args(%while3A_163 = %while3A_35) -> (i32)  : i32 {
      %mul3A_164 = arith.constant 32 : i32
      %mul3A_165 = arith.muli %mul3A_164, %while3A_162 : i32
      %add3A_166 = arith.addi %add3A, %mul3A_165 : i32
      %sub3A_167 = arith.constant 32 : i32
      %sub3A_168 = arith.subi %add3A_166, %sub3A_167 : i32
      %rem3A_169 = arith.constant 2 : i32
      %rem3A_170 = arith.remsi %while3A_162, %rem3A_169 : i32
      %sub3A_171 = arith.constant 1 : i32
      %sub3A_172 = arith.subi %sub3A_171, %rem3A_170 : i32
      %lt3A_173 = arith.constant 7812 : i32
      %lt3A_174 = arith.cmpi slt, %add3A_166, %lt3A_173 : i32
      %convert_element_type3A_175 = arith.extui %lt3A_174 : i1 to i32
      %cond3A_176 = arith.constant 0 : i32
      %cond3A_177 = arith.cmpi ne, %convert_element_type3A_175, %cond3A_176 : i32
      scf.if %cond3A_177 {
        %mul3A_252 = arith.constant 128 : i32
        %mul3A_253 = arith.muli %add3A_166, %mul3A_252 : i32
        %multiple_of3A_254 = tpu.assume_multiple %mul3A_253, 128 : i32
        %dma_start3A_255 = arith.constant 0 : i32
        %dma_start3A_256 = arith.constant 0 : i32
        %dma_start3A_257 = tpu.memref_slice %arg5[%rem3A_170, %dma_start3A_255, %dma_start3A_256] : memref<2x32x128xf32, #tpu.memory_space<vmem>> -> memref<1x8x128xf32, #tpu.memory_space<vmem>>
        %dma_start3A_258 = tpu.memref_squeeze %dma_start3A_257 : memref<1x8x128xf32, #tpu.memory_space<vmem>> -> memref<8x128xf32, #tpu.memory_space<vmem>>
        %dma_start3A_259 = arith.constant 0 : i32
        %dma_start3A_260 = tpu.memref_slice %arg2[%dma_start3A_259, %multiple_of3A_254] : memref<32x1000000xf32, #tpu.memory_space<hbm>> -> memref<8x128xf32, #tpu.memory_space<hbm>>
        %dma_start3A_261 = arith.constant 0 : i32
        %dma_start3A_262 = arith.constant 0 : i32
        %dma_start3A_263 = tpu.memref_slice %arg5[%rem3A_170, %dma_start3A_261, %dma_start3A_262] : memref<2x32x128xf32, #tpu.memory_space<vmem>> -> memref<1x8x128xf32, #tpu.memory_space<vmem>>
        %dma_start3A_264 = tpu.memref_squeeze %dma_start3A_263 : memref<1x8x128xf32, #tpu.memory_space<vmem>> -> memref<8x128xf32, #tpu.memory_space<vmem>>
        %dma_start3A_265 = arith.constant 0 : i32
        %dma_start3A_266 = tpu.memref_slice %arg2[%dma_start3A_265, %multiple_of3A_254] : memref<32x1000000xf32, #tpu.memory_space<hbm>> -> memref<8x128xf32, #tpu.memory_space<hbm>>
        tpu.enqueue_dma source(%dma_start3A_266 : memref<8x128xf32, #tpu.memory_space<hbm>>) target(%dma_start3A_264 : memref<8x128xf32, #tpu.memory_space<vmem>>) target_semaphore(%arg7 : memref<!tpu.dma_semaphore, #tpu.memory_space<semaphore_mem>>)
        %dma_start3A_267 = arith.constant 8 : i32
        %dma_start3A_268 = arith.constant 0 : i32
        %dma_start3A_269 = tpu.memref_slice %arg5[%rem3A_170, %dma_start3A_267, %dma_start3A_268] : memref<2x32x128xf32, #tpu.memory_space<vmem>> -> memref<1x8x128xf32, #tpu.memory_space<vmem>>
        %dma_start3A_270 = tpu.memref_squeeze %dma_start3A_269 : memref<1x8x128xf32, #tpu.memory_space<vmem>> -> memref<8x128xf32, #tpu.memory_space<vmem>>
        %dma_start3A_271 = arith.constant 8 : i32
        %dma_start3A_272 = tpu.memref_slice %arg2[%dma_start3A_271, %multiple_of3A_254] : memref<32x1000000xf32, #tpu.memory_space<hbm>> -> memref<8x128xf32, #tpu.memory_space<hbm>>
        %dma_start3A_273 = arith.constant 8 : i32
        %dma_start3A_274 = arith.constant 0 : i32
        %dma_start3A_275 = tpu.memref_slice %arg5[%rem3A_170, %dma_start3A_273, %dma_start3A_274] : memref<2x32x128xf32, #tpu.memory_space<vmem>> -> memref<1x8x128xf32, #tpu.memory_space<vmem>>
        %dma_start3A_276 = tpu.memref_squeeze %dma_start3A_275 : memref<1x8x128xf32, #tpu.memory_space<vmem>> -> memref<8x128xf32, #tpu.memory_space<vmem>>
        %dma_start3A_277 = arith.constant 8 : i32
        %dma_start3A_278 = tpu.memref_slice %arg2[%dma_start3A_277, %multiple_of3A_254] : memref<32x1000000xf32, #tpu.memory_space<hbm>> -> memref<8x128xf32, #tpu.memory_space<hbm>>
        tpu.enqueue_dma source(%dma_start3A_278 : memref<8x128xf32, #tpu.memory_space<hbm>>) target(%dma_start3A_276 : memref<8x128xf32, #tpu.memory_space<vmem>>) target_semaphore(%arg7 : memref<!tpu.dma_semaphore, #tpu.memory_space<semaphore_mem>>)
        %dma_start3A_279 = arith.constant 16 : i32
        %dma_start3A_280 = arith.constant 0 : i32
        %dma_start3A_281 = tpu.memref_slice %arg5[%rem3A_170, %dma_start3A_279, %dma_start3A_280] : memref<2x32x128xf32, #tpu.memory_space<vmem>> -> memref<1x8x128xf32, #tpu.memory_space<vmem>>
        %dma_start3A_282 = tpu.memref_squeeze %dma_start3A_281 : memref<1x8x128xf32, #tpu.memory_space<vmem>> -> memref<8x128xf32, #tpu.memory_space<vmem>>
        %dma_start3A_283 = arith.constant 16 : i32
        %dma_start3A_284 = tpu.memref_slice %arg2[%dma_start3A_283, %multiple_of3A_254] : memref<32x1000000xf32, #tpu.memory_space<hbm>> -> memref<8x128xf32, #tpu.memory_space<hbm>>
        %dma_start3A_285 = arith.constant 16 : i32
        %dma_start3A_286 = arith.constant 0 : i32
        %dma_start3A_287 = tpu.memref_slice %arg5[%rem3A_170, %dma_start3A_285, %dma_start3A_286] : memref<2x32x128xf32, #tpu.memory_space<vmem>> -> memref<1x8x128xf32, #tpu.memory_space<vmem>>
        %dma_start3A_288 = tpu.memref_squeeze %dma_start3A_287 : memref<1x8x128xf32, #tpu.memory_space<vmem>> -> memref<8x128xf32, #tpu.memory_space<vmem>>
        %dma_start3A_289 = arith.constant 16 : i32
        %dma_start3A_290 = tpu.memref_slice %arg2[%dma_start3A_289, %multiple_of3A_254] : memref<32x1000000xf32, #tpu.memory_space<hbm>> -> memref<8x128xf32, #tpu.memory_space<hbm>>
        tpu.enqueue_dma source(%dma_start3A_290 : memref<8x128xf32, #tpu.memory_space<hbm>>) target(%dma_start3A_288 : memref<8x128xf32, #tpu.memory_space<vmem>>) target_semaphore(%arg7 : memref<!tpu.dma_semaphore, #tpu.memory_space<semaphore_mem>>)
        %dma_start3A_291 = arith.constant 24 : i32
        %dma_start3A_292 = arith.constant 0 : i32
        %dma_start3A_293 = tpu.memref_slice %arg5[%rem3A_170, %dma_start3A_291, %dma_start3A_292] : memref<2x32x128xf32, #tpu.memory_space<vmem>> -> memref<1x8x128xf32, #tpu.memory_space<vmem>>
        %dma_start3A_294 = tpu.memref_squeeze %dma_start3A_293 : memref<1x8x128xf32, #tpu.memory_space<vmem>> -> memref<8x128xf32, #tpu.memory_space<vmem>>
        %dma_start3A_295 = arith.constant 24 : i32
        %dma_start3A_296 = tpu.memref_slice %arg2[%dma_start3A_295, %multiple_of3A_254] : memref<32x1000000xf32, #tpu.memory_space<hbm>> -> memref<8x128xf32, #tpu.memory_space<hbm>>
        %dma_start3A_297 = arith.constant 24 : i32
        %dma_start3A_298 = arith.constant 0 : i32
        %dma_start3A_299 = tpu.memref_slice %arg5[%rem3A_170, %dma_start3A_297, %dma_start3A_298] : memref<2x32x128xf32, #tpu.memory_space<vmem>> -> memref<1x8x128xf32, #tpu.memory_space<vmem>>
        %dma_start3A_300 = tpu.memref_squeeze %dma_start3A_299 : memref<1x8x128xf32, #tpu.memory_space<vmem>> -> memref<8x128xf32, #tpu.memory_space<vmem>>
        %dma_start3A_301 = arith.constant 24 : i32
        %dma_start3A_302 = tpu.memref_slice %arg2[%dma_start3A_301, %multiple_of3A_254] : memref<32x1000000xf32, #tpu.memory_space<hbm>> -> memref<8x128xf32, #tpu.memory_space<hbm>>
        tpu.enqueue_dma source(%dma_start3A_302 : memref<8x128xf32, #tpu.memory_space<hbm>>) target(%dma_start3A_300 : memref<8x128xf32, #tpu.memory_space<vmem>>) target_semaphore(%arg7 : memref<!tpu.dma_semaphore, #tpu.memory_space<semaphore_mem>>)
      } else {
      }
      %mul3A_178 = arith.constant 128 : i32
      %mul3A_179 = arith.muli %sub3A_168, %mul3A_178 : i32
      %multiple_of3A_180 = tpu.assume_multiple %mul3A_179, 128 : i32
      %dma_wait3A_181 = arith.constant 0 : i32
      %dma_wait3A_182 = arith.constant 0 : i32
      %dma_wait3A_183 = tpu.memref_slice %arg5[%sub3A_172, %dma_wait3A_181, %dma_wait3A_182] : memref<2x32x128xf32, #tpu.memory_space<vmem>> -> memref<1x8x128xf32, #tpu.memory_space<vmem>>
      %dma_wait3A_184 = tpu.memref_squeeze %dma_wait3A_183 : memref<1x8x128xf32, #tpu.memory_space<vmem>> -> memref<8x128xf32, #tpu.memory_space<vmem>>
      %dma_wait3A_185 = arith.constant 0 : i32
      %dma_wait3A_186 = tpu.memref_slice %arg2[%dma_wait3A_185, %multiple_of3A_180] : memref<32x1000000xf32, #tpu.memory_space<hbm>> -> memref<8x128xf32, #tpu.memory_space<hbm>>
      %dma_wait3A_187 = arith.constant 0 : i32
      %dma_wait3A_188 = arith.constant 0 : i32
      %dma_wait3A_189 = tpu.memref_slice %arg5[%sub3A_172, %dma_wait3A_187, %dma_wait3A_188] : memref<2x32x128xf32, #tpu.memory_space<vmem>> -> memref<1x8x128xf32, #tpu.memory_space<vmem>>
      %dma_wait3A_190 = tpu.memref_squeeze %dma_wait3A_189 : memref<1x8x128xf32, #tpu.memory_space<vmem>> -> memref<8x128xf32, #tpu.memory_space<vmem>>
      %dma_wait3A_191 = arith.constant 0 : i32
      %dma_wait3A_192 = tpu.memref_slice %arg2[%dma_wait3A_191, %multiple_of3A_180] : memref<32x1000000xf32, #tpu.memory_space<hbm>> -> memref<8x128xf32, #tpu.memory_space<hbm>>
      tpu.wait_dma2 semaphore(%arg7 : memref<!tpu.dma_semaphore, #tpu.memory_space<semaphore_mem>>) src(%dma_wait3A_192 : memref<8x128xf32, #tpu.memory_space<hbm>>) dst(%dma_wait3A_190 : memref<8x128xf32, #tpu.memory_space<vmem>>)
      %dma_wait3A_193 = arith.constant 8 : i32
      %dma_wait3A_194 = arith.constant 0 : i32
      %dma_wait3A_195 = tpu.memref_slice %arg5[%sub3A_172, %dma_wait3A_193, %dma_wait3A_194] : memref<2x32x128xf32, #tpu.memory_space<vmem>> -> memref<1x8x128xf32, #tpu.memory_space<vmem>>
      %dma_wait3A_196 = tpu.memref_squeeze %dma_wait3A_195 : memref<1x8x128xf32, #tpu.memory_space<vmem>> -> memref<8x128xf32, #tpu.memory_space<vmem>>
      %dma_wait3A_197 = arith.constant 8 : i32
      %dma_wait3A_198 = tpu.memref_slice %arg2[%dma_wait3A_197, %multiple_of3A_180] : memref<32x1000000xf32, #tpu.memory_space<hbm>> -> memref<8x128xf32, #tpu.memory_space<hbm>>
      %dma_wait3A_199 = arith.constant 8 : i32
      %dma_wait3A_200 = arith.constant 0 : i32
      %dma_wait3A_201 = tpu.memref_slice %arg5[%sub3A_172, %dma_wait3A_199, %dma_wait3A_200] : memref<2x32x128xf32, #tpu.memory_space<vmem>> -> memref<1x8x128xf32, #tpu.memory_space<vmem>>
      %dma_wait3A_202 = tpu.memref_squeeze %dma_wait3A_201 : memref<1x8x128xf32, #tpu.memory_space<vmem>> -> memref<8x128xf32, #tpu.memory_space<vmem>>
      %dma_wait3A_203 = arith.constant 8 : i32
      %dma_wait3A_204 = tpu.memref_slice %arg2[%dma_wait3A_203, %multiple_of3A_180] : memref<32x1000000xf32, #tpu.memory_space<hbm>> -> memref<8x128xf32, #tpu.memory_space<hbm>>
      tpu.wait_dma2 semaphore(%arg7 : memref<!tpu.dma_semaphore, #tpu.memory_space<semaphore_mem>>) src(%dma_wait3A_204 : memref<8x128xf32, #tpu.memory_space<hbm>>) dst(%dma_wait3A_202 : memref<8x128xf32, #tpu.memory_space<vmem>>)
      %dma_wait3A_205 = arith.constant 16 : i32
      %dma_wait3A_206 = arith.constant 0 : i32
      %dma_wait3A_207 = tpu.memref_slice %arg5[%sub3A_172, %dma_wait3A_205, %dma_wait3A_206] : memref<2x32x128xf32, #tpu.memory_space<vmem>> -> memref<1x8x128xf32, #tpu.memory_space<vmem>>
      %dma_wait3A_208 = tpu.memref_squeeze %dma_wait3A_207 : memref<1x8x128xf32, #tpu.memory_space<vmem>> -> memref<8x128xf32, #tpu.memory_space<vmem>>
      %dma_wait3A_209 = arith.constant 16 : i32
      %dma_wait3A_210 = tpu.memref_slice %arg2[%dma_wait3A_209, %multiple_of3A_180] : memref<32x1000000xf32, #tpu.memory_space<hbm>> -> memref<8x128xf32, #tpu.memory_space<hbm>>
      %dma_wait3A_211 = arith.constant 16 : i32
      %dma_wait3A_212 = arith.constant 0 : i32
      %dma_wait3A_213 = tpu.memref_slice %arg5[%sub3A_172, %dma_wait3A_211, %dma_wait3A_212] : memref<2x32x128xf32, #tpu.memory_space<vmem>> -> memref<1x8x128xf32, #tpu.memory_space<vmem>>
      %dma_wait3A_214 = tpu.memref_squeeze %dma_wait3A_213 : memref<1x8x128xf32, #tpu.memory_space<vmem>> -> memref<8x128xf32, #tpu.memory_space<vmem>>
      %dma_wait3A_215 = arith.constant 16 : i32
      %dma_wait3A_216 = tpu.memref_slice %arg2[%dma_wait3A_215, %multiple_of3A_180] : memref<32x1000000xf32, #tpu.memory_space<hbm>> -> memref<8x128xf32, #tpu.memory_space<hbm>>
      tpu.wait_dma2 semaphore(%arg7 : memref<!tpu.dma_semaphore, #tpu.memory_space<semaphore_mem>>) src(%dma_wait3A_216 : memref<8x128xf32, #tpu.memory_space<hbm>>) dst(%dma_wait3A_214 : memref<8x128xf32, #tpu.memory_space<vmem>>)
      %dma_wait3A_217 = arith.constant 24 : i32
      %dma_wait3A_218 = arith.constant 0 : i32
      %dma_wait3A_219 = tpu.memref_slice %arg5[%sub3A_172, %dma_wait3A_217, %dma_wait3A_218] : memref<2x32x128xf32, #tpu.memory_space<vmem>> -> memref<1x8x128xf32, #tpu.memory_space<vmem>>
      %dma_wait3A_220 = tpu.memref_squeeze %dma_wait3A_219 : memref<1x8x128xf32, #tpu.memory_space<vmem>> -> memref<8x128xf32, #tpu.memory_space<vmem>>
      %dma_wait3A_221 = arith.constant 24 : i32
      %dma_wait3A_222 = tpu.memref_slice %arg2[%dma_wait3A_221, %multiple_of3A_180] : memref<32x1000000xf32, #tpu.memory_space<hbm>> -> memref<8x128xf32, #tpu.memory_space<hbm>>
      %dma_wait3A_223 = arith.constant 24 : i32
      %dma_wait3A_224 = arith.constant 0 : i32
      %dma_wait3A_225 = tpu.memref_slice %arg5[%sub3A_172, %dma_wait3A_223, %dma_wait3A_224] : memref<2x32x128xf32, #tpu.memory_space<vmem>> -> memref<1x8x128xf32, #tpu.memory_space<vmem>>
      %dma_wait3A_226 = tpu.memref_squeeze %dma_wait3A_225 : memref<1x8x128xf32, #tpu.memory_space<vmem>> -> memref<8x128xf32, #tpu.memory_space<vmem>>
      %dma_wait3A_227 = arith.constant 24 : i32
      %dma_wait3A_228 = tpu.memref_slice %arg2[%dma_wait3A_227, %multiple_of3A_180] : memref<32x1000000xf32, #tpu.memory_space<hbm>> -> memref<8x128xf32, #tpu.memory_space<hbm>>
      tpu.wait_dma2 semaphore(%arg7 : memref<!tpu.dma_semaphore, #tpu.memory_space<semaphore_mem>>) src(%dma_wait3A_228 : memref<8x128xf32, #tpu.memory_space<hbm>>) dst(%dma_wait3A_226 : memref<8x128xf32, #tpu.memory_space<vmem>>)
      %ge3A = arith.constant 2 : i32
      %ge3A_229 = arith.cmpi sge, %while3A_162, %ge3A : i32
      %convert_element_type3A_230 = arith.extui %ge3A_229 : i1 to i32
      %cond3A_231 = arith.constant 0 : i32
      %cond3A_232 = arith.cmpi ne, %convert_element_type3A_230, %cond3A_231 : i32
      scf.if %cond3A_232 {
        %sub3A_252 = arith.constant 2 : i32
        %sub3A_253 = arith.subi %while3A_162, %sub3A_252 : i32
        %mul3A_254 = arith.constant 32 : i32
        %mul3A_255 = arith.muli %mul3A_254, %sub3A_253 : i32
        %add3A_256 = arith.addi %add3A, %mul3A_255 : i32
        %mul3A_257 = arith.constant 32 : i32
        %mul3A_258 = arith.muli %add3A_256, %mul3A_257 : i32
        %multiple_of3A_259 = tpu.assume_multiple %mul3A_258, 32 : i32
        %dma_wait3A_260 = arith.constant 0 : i32
        %dma_wait3A_261 = arith.constant 0 : i32
        %dma_wait3A_262 = tpu.memref_slice %arg6[%sub3A_172, %dma_wait3A_260, %dma_wait3A_261] : memref<2x32x128xf32, #tpu.memory_space<vmem>> -> memref<1x32x128xf32, #tpu.memory_space<vmem>>
        %dma_wait3A_263 = tpu.memref_squeeze %dma_wait3A_262 : memref<1x32x128xf32, #tpu.memory_space<vmem>> -> memref<32x128xf32, #tpu.memory_space<vmem>>
        %dma_wait3A_264 = arith.constant 0 : i32
        %dma_wait3A_265 = tpu.memref_slice %arg4[%multiple_of3A_259, %dma_wait3A_264] : memref<250000x128xf32, #tpu.memory_space<hbm>> -> memref<32x128xf32, #tpu.memory_space<hbm>>
        %dma_wait3A_266 = arith.constant 0 : i32
        %dma_wait3A_267 = tpu.memref_slice %arg4[%multiple_of3A_259, %dma_wait3A_266] : memref<250000x128xf32, #tpu.memory_space<hbm>> -> memref<32x128xf32, #tpu.memory_space<hbm>>
        %dma_wait3A_268 = arith.constant 0 : i32
        %dma_wait3A_269 = arith.constant 0 : i32
        %dma_wait3A_270 = tpu.memref_slice %arg6[%sub3A_172, %dma_wait3A_268, %dma_wait3A_269] : memref<2x32x128xf32, #tpu.memory_space<vmem>> -> memref<1x32x128xf32, #tpu.memory_space<vmem>>
        %dma_wait3A_271 = tpu.memref_squeeze %dma_wait3A_270 : memref<1x32x128xf32, #tpu.memory_space<vmem>> -> memref<32x128xf32, #tpu.memory_space<vmem>>
        tpu.wait_dma2 semaphore(%arg8 : memref<!tpu.dma_semaphore, #tpu.memory_space<semaphore_mem>>) src(%dma_wait3A_271 : memref<32x128xf32, #tpu.memory_space<vmem>>) dst(%dma_wait3A_267 : memref<32x128xf32, #tpu.memory_space<hbm>>)
      } else {
      }
      %parallel_loop3A_233 = arith.constant 0 : i32
      %parallel_loop3A_234 = arith.constant 256 : i32
      %parallel_loop3A_235 = arith.constant 1 : i32
      scf.for %parallel_loop3A_252 = %parallel_loop3A_233 to %parallel_loop3A_234 step %parallel_loop3A_235  : i32 {
        %parallel_loop3A_253 = arith.constant 32 : i32
        %parallel_loop3A_254 = arith.remsi %parallel_loop3A_252, %parallel_loop3A_253 : i32
        %parallel_loop3A_255 = arith.constant 32 : i32
        %parallel_loop3A_256 = arith.divsi %parallel_loop3A_252, %parallel_loop3A_255 : i32
        %parallel_loop3A_257 = arith.constant 16 : i32
        %parallel_loop3A_258 = arith.muli %parallel_loop3A_256, %parallel_loop3A_257 : i32
        %parallel_loop3A_259 = vector.broadcast %parallel_loop3A_258 : i32 to vector<16xi32>
        %parallel_loop3A_260 = arith.addi %parallel_loop3A_259, %iota3A : vector<16xi32>
        %parallel_loop3A_261 = vector.broadcast %parallel_loop3A_254 : i32 to vector<16xi32>
        %parallel_loop3A_262 = arith.addi %iota3A, %parallel_loop3A_261 : vector<16xi32>
        %parallel_loop3A_263 = arith.constant 31 : i32
        %parallel_loop3A_264 = vector.broadcast %parallel_loop3A_263 : i32 to vector<16xi32>
        %parallel_loop3A_265 = arith.andi %parallel_loop3A_262, %parallel_loop3A_264 : vector<16xi32>
        %parallel_loop3A_266 = arith.constant 0 : i32
        %parallel_loop3A_267 = arith.constant 0 : i32
        %parallel_loop3A_268 = tpu.memref_slice %arg5[%sub3A_172, %parallel_loop3A_266, %parallel_loop3A_267] : memref<2x32x128xf32, #tpu.memory_space<vmem>> -> memref<1x32x128xf32, #tpu.memory_space<vmem>>
        %parallel_loop3A_269 = tpu.memref_squeeze %parallel_loop3A_268 : memref<1x32x128xf32, #tpu.memory_space<vmem>> -> memref<32x128xf32, #tpu.memory_space<vmem>>
        %parallel_loop3A_270 = tpu.vector_load_idx %parallel_loop3A_269[%parallel_loop3A_265, %parallel_loop3A_260] : memref<32x128xf32, #tpu.memory_space<vmem>>[vector<16xi32>, vector<16xi32>], vector<16xf32>,
        %parallel_loop3A_271 = arith.constant 4 : i32
        %parallel_loop3A_272 = vector.broadcast %parallel_loop3A_271 : i32 to vector<16xi32>
        %parallel_loop3A_273 = arith.divsi %parallel_loop3A_260, %parallel_loop3A_272 : vector<16xi32>
        %parallel_loop3A_274 = arith.constant 4 : i32
        %parallel_loop3A_275 = vector.broadcast %parallel_loop3A_274 : i32 to vector<16xi32>
        %parallel_loop3A_276 = arith.remsi %parallel_loop3A_260, %parallel_loop3A_275 : vector<16xi32>
        %parallel_loop3A_277 = arith.constant 5 : i32
        %parallel_loop3A_278 = vector.broadcast %parallel_loop3A_277 : i32 to vector<16xi32>
        %parallel_loop3A_279 = arith.shli %parallel_loop3A_276, %parallel_loop3A_278 : vector<16xi32>
        %parallel_loop3A_280 = arith.addi %parallel_loop3A_279, %parallel_loop3A_265 : vector<16xi32>
        %parallel_loop3A_281 = arith.constant 0 : i32
        %parallel_loop3A_282 = arith.constant 0 : i32
        %parallel_loop3A_283 = tpu.memref_slice %arg6[%sub3A_172, %parallel_loop3A_281, %parallel_loop3A_282] : memref<2x32x128xf32, #tpu.memory_space<vmem>> -> memref<1x32x128xf32, #tpu.memory_space<vmem>>
        %parallel_loop3A_284 = tpu.memref_squeeze %parallel_loop3A_283 : memref<1x32x128xf32, #tpu.memory_space<vmem>> -> memref<32x128xf32, #tpu.memory_space<vmem>>
        tpu.vector_store_idx %parallel_loop3A_284[%parallel_loop3A_273, %parallel_loop3A_280], %parallel_loop3A_270 : memref<32x128xf32, #tpu.memory_space<vmem>>[vector<16xi32>, vector<16xi32>], vector<16xf32>,
      } {sc.loop_unroll_factor = 16 : i64, sc.parallel_access}
      %mul3A_236 = arith.constant 32 : i32
      %mul3A_237 = arith.muli %sub3A_168, %mul3A_236 : i32
      %multiple_of3A_238 = tpu.assume_multiple %mul3A_237, 32 : i32
      %dma_start3A_239 = arith.constant 0 : i32
      %dma_start3A_240 = arith.constant 0 : i32
      %dma_start3A_241 = tpu.memref_slice %arg6[%sub3A_172, %dma_start3A_239, %dma_start3A_240] : memref<2x32x128xf32, #tpu.memory_space<vmem>> -> memref<1x32x128xf32, #tpu.memory_space<vmem>>
      %dma_start3A_242 = tpu.memref_squeeze %dma_start3A_241 : memref<1x32x128xf32, #tpu.memory_space<vmem>> -> memref<32x128xf32, #tpu.memory_space<vmem>>
      %dma_start3A_243 = arith.constant 0 : i32
      %dma_start3A_244 = tpu.memref_slice %arg4[%multiple_of3A_238, %dma_start3A_243] : memref<250000x128xf32, #tpu.memory_space<hbm>> -> memref<32x128xf32, #tpu.memory_space<hbm>>
      %dma_start3A_245 = arith.constant 0 : i32
      %dma_start3A_246 = tpu.memref_slice %arg4[%multiple_of3A_238, %dma_start3A_245] : memref<250000x128xf32, #tpu.memory_space<hbm>> -> memref<32x128xf32, #tpu.memory_space<hbm>>
      %dma_start3A_247 = arith.constant 0 : i32
      %dma_start3A_248 = arith.constant 0 : i32
      %dma_start3A_249 = tpu.memref_slice %arg6[%sub3A_172, %dma_start3A_247, %dma_start3A_248] : memref<2x32x128xf32, #tpu.memory_space<vmem>> -> memref<1x32x128xf32, #tpu.memory_space<vmem>>
      %dma_start3A_250 = tpu.memref_squeeze %dma_start3A_249 : memref<1x32x128xf32, #tpu.memory_space<vmem>> -> memref<32x128xf32, #tpu.memory_space<vmem>>
      tpu.enqueue_dma source(%dma_start3A_250 : memref<32x128xf32, #tpu.memory_space<vmem>>) target(%dma_start3A_246 : memref<32x128xf32, #tpu.memory_space<hbm>>) target_semaphore(%arg8 : memref<!tpu.dma_semaphore, #tpu.memory_space<semaphore_mem>>)
      %while3A_251 = arith.constant 0 : i32
      scf.yield %while3A_251 : i32
    }
    %sub3A_38 = arith.constant 1 : i32
    %sub3A_39 = arith.subi %select_n3A, %sub3A_38 : i32
    %sub3A_40 = arith.constant 1 : i32
    %sub3A_41 = arith.subi %select_n3A, %sub3A_40 : i32
    %mul3A_42 = arith.constant 32 : i32
    %mul3A_43 = arith.muli %mul3A_42, %sub3A_41 : i32
    %add3A_44 = arith.addi %add3A, %mul3A_43 : i32
    %rem3A_45 = arith.constant 2 : i32
    %rem3A_46 = arith.remsi %sub3A_39, %rem3A_45 : i32
    %mul3A_47 = arith.constant 128 : i32
    %mul3A_48 = arith.muli %add3A_44, %mul3A_47 : i32
    %multiple_of3A = tpu.assume_multiple %mul3A_48, 128 : i32
    %dma_wait3A = arith.constant 0 : i32
    %dma_wait3A_49 = arith.constant 0 : i32
    %dma_wait3A_50 = tpu.memref_slice %arg5[%rem3A_46, %dma_wait3A, %dma_wait3A_49] : memref<2x32x128xf32, #tpu.memory_space<vmem>> -> memref<1x8x128xf32, #tpu.memory_space<vmem>>
    %dma_wait3A_51 = tpu.memref_squeeze %dma_wait3A_50 : memref<1x8x128xf32, #tpu.memory_space<vmem>> -> memref<8x128xf32, #tpu.memory_space<vmem>>
    %dma_wait3A_52 = arith.constant 0 : i32
    %dma_wait3A_53 = tpu.memref_slice %arg2[%dma_wait3A_52, %multiple_of3A] : memref<32x1000000xf32, #tpu.memory_space<hbm>> -> memref<8x128xf32, #tpu.memory_space<hbm>>
    %dma_wait3A_54 = arith.constant 0 : i32
    %dma_wait3A_55 = arith.constant 0 : i32
    %dma_wait3A_56 = tpu.memref_slice %arg5[%rem3A_46, %dma_wait3A_54, %dma_wait3A_55] : memref<2x32x128xf32, #tpu.memory_space<vmem>> -> memref<1x8x128xf32, #tpu.memory_space<vmem>>
    %dma_wait3A_57 = tpu.memref_squeeze %dma_wait3A_56 : memref<1x8x128xf32, #tpu.memory_space<vmem>> -> memref<8x128xf32, #tpu.memory_space<vmem>>
    %dma_wait3A_58 = arith.constant 0 : i32
    %dma_wait3A_59 = tpu.memref_slice %arg2[%dma_wait3A_58, %multiple_of3A] : memref<32x1000000xf32, #tpu.memory_space<hbm>> -> memref<8x128xf32, #tpu.memory_space<hbm>>
    tpu.wait_dma2 semaphore(%arg7 : memref<!tpu.dma_semaphore, #tpu.memory_space<semaphore_mem>>) src(%dma_wait3A_59 : memref<8x128xf32, #tpu.memory_space<hbm>>) dst(%dma_wait3A_57 : memref<8x128xf32, #tpu.memory_space<vmem>>)
    %dma_wait3A_60 = arith.constant 8 : i32
    %dma_wait3A_61 = arith.constant 0 : i32
    %dma_wait3A_62 = tpu.memref_slice %arg5[%rem3A_46, %dma_wait3A_60, %dma_wait3A_61] : memref<2x32x128xf32, #tpu.memory_space<vmem>> -> memref<1x8x128xf32, #tpu.memory_space<vmem>>
    %dma_wait3A_63 = tpu.memref_squeeze %dma_wait3A_62 : memref<1x8x128xf32, #tpu.memory_space<vmem>> -> memref<8x128xf32, #tpu.memory_space<vmem>>
    %dma_wait3A_64 = arith.constant 8 : i32
    %dma_wait3A_65 = tpu.memref_slice %arg2[%dma_wait3A_64, %multiple_of3A] : memref<32x1000000xf32, #tpu.memory_space<hbm>> -> memref<8x128xf32, #tpu.memory_space<hbm>>
    %dma_wait3A_66 = arith.constant 8 : i32
    %dma_wait3A_67 = arith.constant 0 : i32
    %dma_wait3A_68 = tpu.memref_slice %arg5[%rem3A_46, %dma_wait3A_66, %dma_wait3A_67] : memref<2x32x128xf32, #tpu.memory_space<vmem>> -> memref<1x8x128xf32, #tpu.memory_space<vmem>>
    %dma_wait3A_69 = tpu.memref_squeeze %dma_wait3A_68 : memref<1x8x128xf32, #tpu.memory_space<vmem>> -> memref<8x128xf32, #tpu.memory_space<vmem>>
    %dma_wait3A_70 = arith.constant 8 : i32
    %dma_wait3A_71 = tpu.memref_slice %arg2[%dma_wait3A_70, %multiple_of3A] : memref<32x1000000xf32, #tpu.memory_space<hbm>> -> memref<8x128xf32, #tpu.memory_space<hbm>>
    tpu.wait_dma2 semaphore(%arg7 : memref<!tpu.dma_semaphore, #tpu.memory_space<semaphore_mem>>) src(%dma_wait3A_71 : memref<8x128xf32, #tpu.memory_space<hbm>>) dst(%dma_wait3A_69 : memref<8x128xf32, #tpu.memory_space<vmem>>)
    %dma_wait3A_72 = arith.constant 16 : i32
    %dma_wait3A_73 = arith.constant 0 : i32
    %dma_wait3A_74 = tpu.memref_slice %arg5[%rem3A_46, %dma_wait3A_72, %dma_wait3A_73] : memref<2x32x128xf32, #tpu.memory_space<vmem>> -> memref<1x8x128xf32, #tpu.memory_space<vmem>>
    %dma_wait3A_75 = tpu.memref_squeeze %dma_wait3A_74 : memref<1x8x128xf32, #tpu.memory_space<vmem>> -> memref<8x128xf32, #tpu.memory_space<vmem>>
    %dma_wait3A_76 = arith.constant 16 : i32
    %dma_wait3A_77 = tpu.memref_slice %arg2[%dma_wait3A_76, %multiple_of3A] : memref<32x1000000xf32, #tpu.memory_space<hbm>> -> memref<8x128xf32, #tpu.memory_space<hbm>>
    %dma_wait3A_78 = arith.constant 16 : i32
    %dma_wait3A_79 = arith.constant 0 : i32
    %dma_wait3A_80 = tpu.memref_slice %arg5[%rem3A_46, %dma_wait3A_78, %dma_wait3A_79] : memref<2x32x128xf32, #tpu.memory_space<vmem>> -> memref<1x8x128xf32, #tpu.memory_space<vmem>>
    %dma_wait3A_81 = tpu.memref_squeeze %dma_wait3A_80 : memref<1x8x128xf32, #tpu.memory_space<vmem>> -> memref<8x128xf32, #tpu.memory_space<vmem>>
    %dma_wait3A_82 = arith.constant 16 : i32
    %dma_wait3A_83 = tpu.memref_slice %arg2[%dma_wait3A_82, %multiple_of3A] : memref<32x1000000xf32, #tpu.memory_space<hbm>> -> memref<8x128xf32, #tpu.memory_space<hbm>>
    tpu.wait_dma2 semaphore(%arg7 : memref<!tpu.dma_semaphore, #tpu.memory_space<semaphore_mem>>) src(%dma_wait3A_83 : memref<8x128xf32, #tpu.memory_space<hbm>>) dst(%dma_wait3A_81 : memref<8x128xf32, #tpu.memory_space<vmem>>)
    %dma_wait3A_84 = arith.constant 24 : i32
    %dma_wait3A_85 = arith.constant 0 : i32
    %dma_wait3A_86 = tpu.memref_slice %arg5[%rem3A_46, %dma_wait3A_84, %dma_wait3A_85] : memref<2x32x128xf32, #tpu.memory_space<vmem>> -> memref<1x8x128xf32, #tpu.memory_space<vmem>>
    %dma_wait3A_87 = tpu.memref_squeeze %dma_wait3A_86 : memref<1x8x128xf32, #tpu.memory_space<vmem>> -> memref<8x128xf32, #tpu.memory_space<vmem>>
    %dma_wait3A_88 = arith.constant 24 : i32
    %dma_wait3A_89 = tpu.memref_slice %arg2[%dma_wait3A_88, %multiple_of3A] : memref<32x1000000xf32, #tpu.memory_space<hbm>> -> memref<8x128xf32, #tpu.memory_space<hbm>>
    %dma_wait3A_90 = arith.constant 24 : i32
    %dma_wait3A_91 = arith.constant 0 : i32
    %dma_wait3A_92 = tpu.memref_slice %arg5[%rem3A_46, %dma_wait3A_90, %dma_wait3A_91] : memref<2x32x128xf32, #tpu.memory_space<vmem>> -> memref<1x8x128xf32, #tpu.memory_space<vmem>>
    %dma_wait3A_93 = tpu.memref_squeeze %dma_wait3A_92 : memref<1x8x128xf32, #tpu.memory_space<vmem>> -> memref<8x128xf32, #tpu.memory_space<vmem>>
    %dma_wait3A_94 = arith.constant 24 : i32
    %dma_wait3A_95 = tpu.memref_slice %arg2[%dma_wait3A_94, %multiple_of3A] : memref<32x1000000xf32, #tpu.memory_space<hbm>> -> memref<8x128xf32, #tpu.memory_space<hbm>>
    tpu.wait_dma2 semaphore(%arg7 : memref<!tpu.dma_semaphore, #tpu.memory_space<semaphore_mem>>) src(%dma_wait3A_95 : memref<8x128xf32, #tpu.memory_space<hbm>>) dst(%dma_wait3A_93 : memref<8x128xf32, #tpu.memory_space<vmem>>)
    %parallel_loop3A = arith.constant 0 : i32
    %parallel_loop3A_96 = arith.constant 256 : i32
    %parallel_loop3A_97 = arith.constant 1 : i32
    scf.for %parallel_loop3A_162 = %parallel_loop3A to %parallel_loop3A_96 step %parallel_loop3A_97  : i32 {
      %parallel_loop3A_163 = arith.constant 32 : i32
      %parallel_loop3A_164 = arith.remsi %parallel_loop3A_162, %parallel_loop3A_163 : i32
      %parallel_loop3A_165 = arith.constant 32 : i32
      %parallel_loop3A_166 = arith.divsi %parallel_loop3A_162, %parallel_loop3A_165 : i32
      %parallel_loop3A_167 = arith.constant 16 : i32
      %parallel_loop3A_168 = arith.muli %parallel_loop3A_166, %parallel_loop3A_167 : i32
      %parallel_loop3A_169 = vector.broadcast %parallel_loop3A_168 : i32 to vector<16xi32>
      %parallel_loop3A_170 = arith.addi %parallel_loop3A_169, %iota3A : vector<16xi32>
      %parallel_loop3A_171 = vector.broadcast %parallel_loop3A_164 : i32 to vector<16xi32>
      %parallel_loop3A_172 = arith.addi %iota3A, %parallel_loop3A_171 : vector<16xi32>
      %parallel_loop3A_173 = arith.constant 31 : i32
      %parallel_loop3A_174 = vector.broadcast %parallel_loop3A_173 : i32 to vector<16xi32>
      %parallel_loop3A_175 = arith.andi %parallel_loop3A_172, %parallel_loop3A_174 : vector<16xi32>
      %parallel_loop3A_176 = arith.constant 0 : i32
      %parallel_loop3A_177 = arith.constant 0 : i32
      %parallel_loop3A_178 = tpu.memref_slice %arg5[%rem3A_46, %parallel_loop3A_176, %parallel_loop3A_177] : memref<2x32x128xf32, #tpu.memory_space<vmem>> -> memref<1x32x128xf32, #tpu.memory_space<vmem>>
      %parallel_loop3A_179 = tpu.memref_squeeze %parallel_loop3A_178 : memref<1x32x128xf32, #tpu.memory_space<vmem>> -> memref<32x128xf32, #tpu.memory_space<vmem>>
      %parallel_loop3A_180 = tpu.vector_load_idx %parallel_loop3A_179[%parallel_loop3A_175, %parallel_loop3A_170] : memref<32x128xf32, #tpu.memory_space<vmem>>[vector<16xi32>, vector<16xi32>], vector<16xf32>,
      %parallel_loop3A_181 = arith.constant 4 : i32
      %parallel_loop3A_182 = vector.broadcast %parallel_loop3A_181 : i32 to vector<16xi32>
      %parallel_loop3A_183 = arith.divsi %parallel_loop3A_170, %parallel_loop3A_182 : vector<16xi32>
      %parallel_loop3A_184 = arith.constant 4 : i32
      %parallel_loop3A_185 = vector.broadcast %parallel_loop3A_184 : i32 to vector<16xi32>
      %parallel_loop3A_186 = arith.remsi %parallel_loop3A_170, %parallel_loop3A_185 : vector<16xi32>
      %parallel_loop3A_187 = arith.constant 5 : i32
      %parallel_loop3A_188 = vector.broadcast %parallel_loop3A_187 : i32 to vector<16xi32>
      %parallel_loop3A_189 = arith.shli %parallel_loop3A_186, %parallel_loop3A_188 : vector<16xi32>
      %parallel_loop3A_190 = arith.addi %parallel_loop3A_189, %parallel_loop3A_175 : vector<16xi32>
      %parallel_loop3A_191 = arith.constant 0 : i32
      %parallel_loop3A_192 = arith.constant 0 : i32
      %parallel_loop3A_193 = tpu.memref_slice %arg6[%rem3A_46, %parallel_loop3A_191, %parallel_loop3A_192] : memref<2x32x128xf32, #tpu.memory_space<vmem>> -> memref<1x32x128xf32, #tpu.memory_space<vmem>>
      %parallel_loop3A_194 = tpu.memref_squeeze %parallel_loop3A_193 : memref<1x32x128xf32, #tpu.memory_space<vmem>> -> memref<32x128xf32, #tpu.memory_space<vmem>>
      tpu.vector_store_idx %parallel_loop3A_194[%parallel_loop3A_183, %parallel_loop3A_190], %parallel_loop3A_180 : memref<32x128xf32, #tpu.memory_space<vmem>>[vector<16xi32>, vector<16xi32>], vector<16xf32>,
    } {sc.loop_unroll_factor = 16 : i64, sc.parallel_access}
    %mul3A_98 = arith.constant 32 : i32
    %mul3A_99 = arith.muli %add3A_44, %mul3A_98 : i32
    %multiple_of3A_100 = tpu.assume_multiple %mul3A_99, 32 : i32
    %dma_start3A = arith.constant 0 : i32
    %dma_start3A_101 = arith.constant 0 : i32
    %dma_start3A_102 = tpu.memref_slice %arg6[%rem3A_46, %dma_start3A, %dma_start3A_101] : memref<2x32x128xf32, #tpu.memory_space<vmem>> -> memref<1x32x128xf32, #tpu.memory_space<vmem>>
    %dma_start3A_103 = tpu.memref_squeeze %dma_start3A_102 : memref<1x32x128xf32, #tpu.memory_space<vmem>> -> memref<32x128xf32, #tpu.memory_space<vmem>>
    %dma_start3A_104 = arith.constant 0 : i32
    %dma_start3A_105 = tpu.memref_slice %arg4[%multiple_of3A_100, %dma_start3A_104] : memref<250000x128xf32, #tpu.memory_space<hbm>> -> memref<32x128xf32, #tpu.memory_space<hbm>>
    %dma_start3A_106 = arith.constant 0 : i32
    %dma_start3A_107 = tpu.memref_slice %arg4[%multiple_of3A_100, %dma_start3A_106] : memref<250000x128xf32, #tpu.memory_space<hbm>> -> memref<32x128xf32, #tpu.memory_space<hbm>>
    %dma_start3A_108 = arith.constant 0 : i32
    %dma_start3A_109 = arith.constant 0 : i32
    %dma_start3A_110 = tpu.memref_slice %arg6[%rem3A_46, %dma_start3A_108, %dma_start3A_109] : memref<2x32x128xf32, #tpu.memory_space<vmem>> -> memref<1x32x128xf32, #tpu.memory_space<vmem>>
    %dma_start3A_111 = tpu.memref_squeeze %dma_start3A_110 : memref<1x32x128xf32, #tpu.memory_space<vmem>> -> memref<32x128xf32, #tpu.memory_space<vmem>>
    tpu.enqueue_dma source(%dma_start3A_111 : memref<32x128xf32, #tpu.memory_space<vmem>>) target(%dma_start3A_107 : memref<32x128xf32, #tpu.memory_space<hbm>>) target_semaphore(%arg8 : memref<!tpu.dma_semaphore, #tpu.memory_space<semaphore_mem>>)
    %sub3A_112 = arith.constant 2 : i32
    %sub3A_113 = arith.subi %select_n3A, %sub3A_112 : i32
    %mul3A_114 = arith.constant 32 : i32
    %mul3A_115 = arith.muli %mul3A_114, %sub3A_113 : i32
    %add3A_116 = arith.addi %add3A, %mul3A_115 : i32
    %rem3A_117 = arith.constant 2 : i32
    %rem3A_118 = arith.remsi %select_n3A, %rem3A_117 : i32
    %mul3A_119 = arith.constant 32 : i32
    %mul3A_120 = arith.muli %add3A_116, %mul3A_119 : i32
    %multiple_of3A_121 = tpu.assume_multiple %mul3A_120, 32 : i32
    %dma_wait3A_122 = arith.constant 0 : i32
    %dma_wait3A_123 = arith.constant 0 : i32
    %dma_wait3A_124 = tpu.memref_slice %arg6[%rem3A_118, %dma_wait3A_122, %dma_wait3A_123] : memref<2x32x128xf32, #tpu.memory_space<vmem>> -> memref<1x32x128xf32, #tpu.memory_space<vmem>>
    %dma_wait3A_125 = tpu.memref_squeeze %dma_wait3A_124 : memref<1x32x128xf32, #tpu.memory_space<vmem>> -> memref<32x128xf32, #tpu.memory_space<vmem>>
    %dma_wait3A_126 = arith.constant 0 : i32
    %dma_wait3A_127 = tpu.memref_slice %arg4[%multiple_of3A_121, %dma_wait3A_126] : memref<250000x128xf32, #tpu.memory_space<hbm>> -> memref<32x128xf32, #tpu.memory_space<hbm>>
    %dma_wait3A_128 = arith.constant 0 : i32
    %dma_wait3A_129 = tpu.memref_slice %arg4[%multiple_of3A_121, %dma_wait3A_128] : memref<250000x128xf32, #tpu.memory_space<hbm>> -> memref<32x128xf32, #tpu.memory_space<hbm>>
    %dma_wait3A_130 = arith.constant 0 : i32
    %dma_wait3A_131 = arith.constant 0 : i32
    %dma_wait3A_132 = tpu.memref_slice %arg6[%rem3A_118, %dma_wait3A_130, %dma_wait3A_131] : memref<2x32x128xf32, #tpu.memory_space<vmem>> -> memref<1x32x128xf32, #tpu.memory_space<vmem>>
    %dma_wait3A_133 = tpu.memref_squeeze %dma_wait3A_132 : memref<1x32x128xf32, #tpu.memory_space<vmem>> -> memref<32x128xf32, #tpu.memory_space<vmem>>
    tpu.wait_dma2 semaphore(%arg8 : memref<!tpu.dma_semaphore, #tpu.memory_space<semaphore_mem>>) src(%dma_wait3A_133 : memref<32x128xf32, #tpu.memory_space<vmem>>) dst(%dma_wait3A_129 : memref<32x128xf32, #tpu.memory_space<hbm>>)
    %sub3A_134 = arith.constant 1 : i32
    %sub3A_135 = arith.subi %select_n3A, %sub3A_134 : i32
    %mul3A_136 = arith.constant 32 : i32
    %mul3A_137 = arith.muli %mul3A_136, %sub3A_135 : i32
    %add3A_138 = arith.addi %add3A, %mul3A_137 : i32
    %sub3A_139 = arith.constant 1 : i32
    %sub3A_140 = arith.subi %select_n3A, %sub3A_139 : i32
    %rem3A_141 = arith.constant 2 : i32
    %rem3A_142 = arith.remsi %sub3A_140, %rem3A_141 : i32
    %mul3A_143 = arith.constant 32 : i32
    %mul3A_144 = arith.muli %add3A_138, %mul3A_143 : i32
    %multiple_of3A_145 = tpu.assume_multiple %mul3A_144, 32 : i32
    %dma_wait3A_146 = arith.constant 0 : i32
    %dma_wait3A_147 = arith.constant 0 : i32
    %dma_wait3A_148 = tpu.memref_slice %arg6[%rem3A_142, %dma_wait3A_146, %dma_wait3A_147] : memref<2x32x128xf32, #tpu.memory_space<vmem>> -> memref<1x32x128xf32, #tpu.memory_space<vmem>>
    %dma_wait3A_149 = tpu.memref_squeeze %dma_wait3A_148 : memref<1x32x128xf32, #tpu.memory_space<vmem>> -> memref<32x128xf32, #tpu.memory_space<vmem>>
    %dma_wait3A_150 = arith.constant 0 : i32
    %dma_wait3A_151 = tpu.memref_slice %arg4[%multiple_of3A_145, %dma_wait3A_150] : memref<250000x128xf32, #tpu.memory_space<hbm>> -> memref<32x128xf32, #tpu.memory_space<hbm>>
    %dma_wait3A_152 = arith.constant 0 : i32
    %dma_wait3A_153 = tpu.memref_slice %arg4[%multiple_of3A_145, %dma_wait3A_152] : memref<250000x128xf32, #tpu.memory_space<hbm>> -> memref<32x128xf32, #tpu.memory_space<hbm>>
    %dma_wait3A_154 = arith.constant 0 : i32
    %dma_wait3A_155 = arith.constant 0 : i32
    %dma_wait3A_156 = tpu.memref_slice %arg6[%rem3A_142, %dma_wait3A_154, %dma_wait3A_155] : memref<2x32x128xf32, #tpu.memory_space<vmem>> -> memref<1x32x128xf32, #tpu.memory_space<vmem>>
    %dma_wait3A_157 = tpu.memref_squeeze %dma_wait3A_156 : memref<1x32x128xf32, #tpu.memory_space<vmem>> -> memref<32x128xf32, #tpu.memory_space<vmem>>
    tpu.wait_dma2 semaphore(%arg8 : memref<!tpu.dma_semaphore, #tpu.memory_space<semaphore_mem>>) src(%dma_wait3A_157 : memref<32x128xf32, #tpu.memory_space<vmem>>) dst(%dma_wait3A_153 : memref<32x128xf32, #tpu.memory_space<hbm>>)
    %eq3A = arith.constant 0 : i32
    %eq3A_158 = arith.cmpi eq, %add3A, %eq3A : i32
    %convert_element_type3A_159 = arith.extui %eq3A_158 : i1 to i32
    %cond3A_160 = arith.constant 0 : i32
    %cond3A_161 = arith.cmpi ne, %convert_element_type3A_159, %cond3A_160 : i32
    scf.if %cond3A_161 {
      %run_scoped3A = arith.constant 0 : i32
      "tpu.region"() ({
        %run_scoped3A_163 = tpu.sem_alloc : memref<!tpu.dma_semaphore, #tpu.memory_space<semaphore_mem>>
        %dma_start3A_164 = arith.constant 0 : i32
        %dma_start3A_165 = arith.constant 0 : i32
        %dma_start3A_166 = tpu.memref_slice %arg6[%run_scoped3A, %dma_start3A_164, %dma_start3A_165] : memref<2x32x128xf32, #tpu.memory_space<vmem>> -> memref<1x16x128xf32, #tpu.memory_space<vmem>>
        %dma_start3A_167 = tpu.memref_squeeze %dma_start3A_166 : memref<1x16x128xf32, #tpu.memory_space<vmem>> -> memref<16x128xf32, #tpu.memory_space<vmem>>
        %dma_start3A_168 = arith.constant 0 : i32
        %dma_start3A_169 = arith.constant 0 : i32
        %dma_start3A_170 = tpu.memref_slice %arg6[%run_scoped3A, %dma_start3A_168, %dma_start3A_169] : memref<2x32x128xf32, #tpu.memory_space<vmem>> -> memref<1x16x128xf32, #tpu.memory_space<vmem>>
        %dma_start3A_171 = tpu.memref_squeeze %dma_start3A_170 : memref<1x16x128xf32, #tpu.memory_space<vmem>> -> memref<16x128xf32, #tpu.memory_space<vmem>>
        tpu.enqueue_dma source(%arg3 : memref<16x128xf32, #tpu.memory_space<hbm>>) target(%dma_start3A_171 : memref<16x128xf32, #tpu.memory_space<vmem>>) target_semaphore(%run_scoped3A_163 : memref<!tpu.dma_semaphore, #tpu.memory_space<semaphore_mem>>)
        %dma_wait3A_172 = arith.constant 0 : i32
        %dma_wait3A_173 = arith.constant 0 : i32
        %dma_wait3A_174 = tpu.memref_slice %arg6[%run_scoped3A, %dma_wait3A_172, %dma_wait3A_173] : memref<2x32x128xf32, #tpu.memory_space<vmem>> -> memref<1x16x128xf32, #tpu.memory_space<vmem>>
        %dma_wait3A_175 = tpu.memref_squeeze %dma_wait3A_174 : memref<1x16x128xf32, #tpu.memory_space<vmem>> -> memref<16x128xf32, #tpu.memory_space<vmem>>
        %dma_wait3A_176 = arith.constant 0 : i32
        %dma_wait3A_177 = arith.constant 0 : i32
        %dma_wait3A_178 = tpu.memref_slice %arg6[%run_scoped3A, %dma_wait3A_176, %dma_wait3A_177] : memref<2x32x128xf32, #tpu.memory_space<vmem>> -> memref<1x16x128xf32, #tpu.memory_space<vmem>>
        %dma_wait3A_179 = tpu.memref_squeeze %dma_wait3A_178 : memref<1x16x128xf32, #tpu.memory_space<vmem>> -> memref<16x128xf32, #tpu.memory_space<vmem>>
        tpu.wait_dma2 semaphore(%run_scoped3A_163 : memref<!tpu.dma_semaphore, #tpu.memory_space<semaphore_mem>>) src(%arg3 : memref<16x128xf32, #tpu.memory_space<hbm>>) dst(%dma_wait3A_179 : memref<16x128xf32, #tpu.memory_space<vmem>>)
        tpu.yield
      }) : () -> ()
      %run_scoped3A_162 = arith.constant 0 : i32
      "tpu.region"() ({
        %run_scoped3A_163 = tpu.sem_alloc : memref<!tpu.dma_semaphore, #tpu.memory_space<semaphore_mem>>
        %dma_start3A_164 = arith.constant 0 : i32
        %dma_start3A_165 = arith.constant 0 : i32
        %dma_start3A_166 = tpu.memref_slice %arg6[%run_scoped3A_162, %dma_start3A_164, %dma_start3A_165] : memref<2x32x128xf32, #tpu.memory_space<vmem>> -> memref<1x16x128xf32, #tpu.memory_space<vmem>>
        %dma_start3A_167 = tpu.memref_squeeze %dma_start3A_166 : memref<1x16x128xf32, #tpu.memory_space<vmem>> -> memref<16x128xf32, #tpu.memory_space<vmem>>
        %dma_start3A_168 = arith.constant 249984 : i32
        %dma_start3A_169 = arith.constant 0 : i32
        %dma_start3A_170 = tpu.memref_slice %arg4[%dma_start3A_168, %dma_start3A_169] : memref<250000x128xf32, #tpu.memory_space<hbm>> -> memref<16x128xf32, #tpu.memory_space<hbm>>
        %dma_start3A_171 = arith.constant 249984 : i32
        %dma_start3A_172 = arith.constant 0 : i32
        %dma_start3A_173 = tpu.memref_slice %arg4[%dma_start3A_171, %dma_start3A_172] : memref<250000x128xf32, #tpu.memory_space<hbm>> -> memref<16x128xf32, #tpu.memory_space<hbm>>
        %dma_start3A_174 = arith.constant 0 : i32
        %dma_start3A_175 = arith.constant 0 : i32
        %dma_start3A_176 = tpu.memref_slice %arg6[%run_scoped3A_162, %dma_start3A_174, %dma_start3A_175] : memref<2x32x128xf32, #tpu.memory_space<vmem>> -> memref<1x16x128xf32, #tpu.memory_space<vmem>>
        %dma_start3A_177 = tpu.memref_squeeze %dma_start3A_176 : memref<1x16x128xf32, #tpu.memory_space<vmem>> -> memref<16x128xf32, #tpu.memory_space<vmem>>
        tpu.enqueue_dma source(%dma_start3A_177 : memref<16x128xf32, #tpu.memory_space<vmem>>) target(%dma_start3A_173 : memref<16x128xf32, #tpu.memory_space<hbm>>) target_semaphore(%run_scoped3A_163 : memref<!tpu.dma_semaphore, #tpu.memory_space<semaphore_mem>>)
        %dma_wait3A_178 = arith.constant 0 : i32
        %dma_wait3A_179 = arith.constant 0 : i32
        %dma_wait3A_180 = tpu.memref_slice %arg6[%run_scoped3A_162, %dma_wait3A_178, %dma_wait3A_179] : memref<2x32x128xf32, #tpu.memory_space<vmem>> -> memref<1x16x128xf32, #tpu.memory_space<vmem>>
        %dma_wait3A_181 = tpu.memref_squeeze %dma_wait3A_180 : memref<1x16x128xf32, #tpu.memory_space<vmem>> -> memref<16x128xf32, #tpu.memory_space<vmem>>
        %dma_wait3A_182 = arith.constant 249984 : i32
        %dma_wait3A_183 = arith.constant 0 : i32
        %dma_wait3A_184 = tpu.memref_slice %arg4[%dma_wait3A_182, %dma_wait3A_183] : memref<250000x128xf32, #tpu.memory_space<hbm>> -> memref<16x128xf32, #tpu.memory_space<hbm>>
        %dma_wait3A_185 = arith.constant 249984 : i32
        %dma_wait3A_186 = arith.constant 0 : i32
        %dma_wait3A_187 = tpu.memref_slice %arg4[%dma_wait3A_185, %dma_wait3A_186] : memref<250000x128xf32, #tpu.memory_space<hbm>> -> memref<16x128xf32, #tpu.memory_space<hbm>>
        %dma_wait3A_188 = arith.constant 0 : i32
        %dma_wait3A_189 = arith.constant 0 : i32
        %dma_wait3A_190 = tpu.memref_slice %arg6[%run_scoped3A_162, %dma_wait3A_188, %dma_wait3A_189] : memref<2x32x128xf32, #tpu.memory_space<vmem>> -> memref<1x16x128xf32, #tpu.memory_space<vmem>>
        %dma_wait3A_191 = tpu.memref_squeeze %dma_wait3A_190 : memref<1x16x128xf32, #tpu.memory_space<vmem>> -> memref<16x128xf32, #tpu.memory_space<vmem>>
        tpu.wait_dma2 semaphore(%run_scoped3A_163 : memref<!tpu.dma_semaphore, #tpu.memory_space<semaphore_mem>>) src(%dma_wait3A_191 : memref<16x128xf32, #tpu.memory_space<vmem>>) dst(%dma_wait3A_187 : memref<16x128xf32, #tpu.memory_space<hbm>>)
        tpu.yield
      }) : () -> ()
    } else {
    }
    return
  }
}

#map = affine_map<(d0, d1) -> (0)>
#map1 = affine_map<(d0, d1) -> (0, 0)>
#map2 = affine_map<(d0, d1) -> (0, 0, 0, 0, 0)>
module attributes {stable_mosaic.version = 14 : i64} {
  func.func @k(%arg0: i32, %arg1: i32, %arg2: memref<425984xi32, #tpu.memory_space<hbm>>, %arg3: memref<1000000x32xf32, #tpu.memory_space<hbm>>, %arg4: memref<26x4x128x8x128xf32, #tpu.memory_space<hbm>>, %arg5: memref<13312xi32, #tpu.memory_space<vmem>>, %arg6: memref<2x128x32xf32, #tpu.memory_space<vmem>>, %arg7: memref<2x32x128xf32, #tpu.memory_space<vmem>>, %arg8: memref<!tpu.dma_semaphore, #tpu.memory_space<semaphore_mem>>, %arg9: memref<!tpu.dma_semaphore, #tpu.memory_space<semaphore_mem>>) attributes {dimension_semantics = [#tpu.dimension_semantics<core_parallel>, #tpu.dimension_semantics<subcore_parallel>], iteration_bounds = array<i64: 2, 16>, scalar_prefetch = 0 : i64, scratch_operands = 5 : i64, tpu.core_type = #tpu.core_type<sc_vector_subcore>, window_params = [{transform_indices = #map}, {transform_indices = #map1}, {transform_indices = #map2}]} {
    %mul3A = arith.constant 2 : i32
    %mul3A_0 = arith.muli %arg1, %mul3A : i32
    %add3A = arith.addi %mul3A_0, %arg0 : i32
    %mul3A_1 = arith.constant 104 : i32
    %mul3A_2 = arith.muli %add3A, %mul3A_1 : i32
    %iota3A = tpu.iota {dimensions = array<i32: 0>} : vector<16xi32>
    %mul3A_3 = arith.constant 128 : i32
    %mul3A_4 = arith.muli %mul3A_2, %mul3A_3 : i32
    "tpu.region"() ({
      %run_scoped3A = tpu.sem_alloc : memref<!tpu.dma_semaphore, #tpu.memory_space<semaphore_mem>>
      %dma_start3A_327 = tpu.memref_slice %arg2[%mul3A_4] : memref<425984xi32, #tpu.memory_space<hbm>> -> memref<13312xi32, #tpu.memory_space<hbm>>
      %dma_start3A_328 = tpu.memref_slice %arg2[%mul3A_4] : memref<425984xi32, #tpu.memory_space<hbm>> -> memref<13312xi32, #tpu.memory_space<hbm>>
      tpu.enqueue_dma source(%dma_start3A_328 : memref<13312xi32, #tpu.memory_space<hbm>>) target(%arg5 : memref<13312xi32, #tpu.memory_space<vmem>>) target_semaphore(%run_scoped3A : memref<!tpu.dma_semaphore, #tpu.memory_space<semaphore_mem>>)
      %dma_wait3A_329 = tpu.memref_slice %arg2[%mul3A_4] : memref<425984xi32, #tpu.memory_space<hbm>> -> memref<13312xi32, #tpu.memory_space<hbm>>
      %dma_wait3A_330 = tpu.memref_slice %arg2[%mul3A_4] : memref<425984xi32, #tpu.memory_space<hbm>> -> memref<13312xi32, #tpu.memory_space<hbm>>
      tpu.wait_dma2 semaphore(%run_scoped3A : memref<!tpu.dma_semaphore, #tpu.memory_space<semaphore_mem>>) src(%dma_wait3A_330 : memref<13312xi32, #tpu.memory_space<hbm>>) dst(%arg5 : memref<13312xi32, #tpu.memory_space<vmem>>)
      tpu.yield
    }) : () -> ()
    %dma_start3A = arith.constant 0 : i32
    %dma_start3A_5 = arith.constant 0 : i32
    %dma_start3A_6 = arith.constant 0 : i32
    %dma_start3A_7 = tpu.memref_slice %arg6[%dma_start3A, %dma_start3A_5, %dma_start3A_6] : memref<2x128x32xf32, #tpu.memory_space<vmem>> -> memref<1x128x32xf32, #tpu.memory_space<vmem>>
    %dma_start3A_8 = tpu.memref_squeeze %dma_start3A_7 : memref<1x128x32xf32, #tpu.memory_space<vmem>> -> memref<128x32xf32, #tpu.memory_space<vmem>>
    %dma_start3A_9 = arith.constant 0 : i32
    %dma_start3A_10 = tpu.memref_slice %arg5[%dma_start3A_9] : memref<13312xi32, #tpu.memory_space<vmem>> -> memref<128xi32, #tpu.memory_space<vmem>>
    %dma_start3A_11 = arith.constant 0 : i32
    %dma_start3A_12 = arith.constant 0 : i32
    %dma_start3A_13 = tpu.memref_slice %arg3[%dma_start3A_11, %dma_start3A_12] : memref<1000000x32xf32, #tpu.memory_space<hbm>> -> memref<1000000x32xf32, #tpu.memory_space<hbm>>
    tpu.enqueue_indirect_dma source(%dma_start3A_13 : memref<1000000x32xf32, #tpu.memory_space<hbm>>) target(%dma_start3A_8 : memref<128x32xf32, #tpu.memory_space<vmem>>) offsets(%dma_start3A_10 : memref<128xi32, #tpu.memory_space<vmem>>) semaphore(%arg8 : memref<!tpu.dma_semaphore, #tpu.memory_space<semaphore_mem>>)
    %scan3A = arith.constant 0 : i32
    %scan3A_14 = arith.constant 1 : i32
    %scan3A_15 = arith.constant 103 : i32
    %scan3A_16 = arith.addi %scan3A_14, %scan3A_15 : i32
    %scan3A_17 = arith.constant 1 : i32
    %scan3A_18 = scf.for %scan3A_327 = %scan3A_14 to %scan3A_16 step %scan3A_17 iter_args(%scan3A_328 = %scan3A) -> (i32)  : i32 {
      %rem3A_329 = arith.constant 2 : i32
      %rem3A_330 = arith.remsi %scan3A_327, %rem3A_329 : i32
      %sub3A_331 = arith.constant 1 : i32
      %sub3A_332 = arith.subi %sub3A_331, %rem3A_330 : i32
      %sub3A_333 = arith.constant 1 : i32
      %sub3A_334 = arith.subi %scan3A_327, %sub3A_333 : i32
      %mul3A_335 = arith.constant 128 : i32
      %mul3A_336 = arith.muli %sub3A_334, %mul3A_335 : i32
      %dma_wait3A_337 = arith.constant 0 : i32
      %dma_wait3A_338 = arith.constant 0 : i32
      %dma_wait3A_339 = tpu.memref_slice %arg6[%sub3A_332, %dma_wait3A_337, %dma_wait3A_338] : memref<2x128x32xf32, #tpu.memory_space<vmem>> -> memref<1x128x32xf32, #tpu.memory_space<vmem>>
      %dma_wait3A_340 = tpu.memref_squeeze %dma_wait3A_339 : memref<1x128x32xf32, #tpu.memory_space<vmem>> -> memref<128x32xf32, #tpu.memory_space<vmem>>
      %dma_wait3A_341 = tpu.memref_slice %arg5[%mul3A_336] : memref<13312xi32, #tpu.memory_space<vmem>> -> memref<128xi32, #tpu.memory_space<vmem>>
      %dma_wait3A_342 = arith.constant 0 : i32
      %dma_wait3A_343 = arith.constant 0 : i32
      %dma_wait3A_344 = tpu.memref_slice %arg3[%dma_wait3A_342, %dma_wait3A_343] : memref<1000000x32xf32, #tpu.memory_space<hbm>> -> memref<1000000x32xf32, #tpu.memory_space<hbm>>
      tpu.wait_indirect_dma semaphore(%arg8 : memref<!tpu.dma_semaphore, #tpu.memory_space<semaphore_mem>>) src(%dma_wait3A_344 : memref<1000000x32xf32, #tpu.memory_space<hbm>>) dst(%dma_wait3A_340 : memref<128x32xf32, #tpu.memory_space<vmem>>)
      %mul3A_345 = arith.constant 128 : i32
      %mul3A_346 = arith.muli %scan3A_327, %mul3A_345 : i32
      %dma_start3A_347 = arith.constant 0 : i32
      %dma_start3A_348 = arith.constant 0 : i32
      %dma_start3A_349 = tpu.memref_slice %arg6[%rem3A_330, %dma_start3A_347, %dma_start3A_348] : memref<2x128x32xf32, #tpu.memory_space<vmem>> -> memref<1x128x32xf32, #tpu.memory_space<vmem>>
      %dma_start3A_350 = tpu.memref_squeeze %dma_start3A_349 : memref<1x128x32xf32, #tpu.memory_space<vmem>> -> memref<128x32xf32, #tpu.memory_space<vmem>>
      %dma_start3A_351 = tpu.memref_slice %arg5[%mul3A_346] : memref<13312xi32, #tpu.memory_space<vmem>> -> memref<128xi32, #tpu.memory_space<vmem>>
      %dma_start3A_352 = arith.constant 0 : i32
      %dma_start3A_353 = arith.constant 0 : i32
      %dma_start3A_354 = tpu.memref_slice %arg3[%dma_start3A_352, %dma_start3A_353] : memref<1000000x32xf32, #tpu.memory_space<hbm>> -> memref<1000000x32xf32, #tpu.memory_space<hbm>>
      tpu.enqueue_indirect_dma source(%dma_start3A_354 : memref<1000000x32xf32, #tpu.memory_space<hbm>>) target(%dma_start3A_350 : memref<128x32xf32, #tpu.memory_space<vmem>>) offsets(%dma_start3A_351 : memref<128xi32, #tpu.memory_space<vmem>>) semaphore(%arg8 : memref<!tpu.dma_semaphore, #tpu.memory_space<semaphore_mem>>)
      %ge3A = arith.constant 2 : i32
      %ge3A_355 = arith.cmpi sge, %scan3A_327, %ge3A : i32
      %convert_element_type3A = arith.extui %ge3A_355 : i1 to i32
      %cond3A = arith.constant 0 : i32
      %cond3A_356 = arith.cmpi ne, %convert_element_type3A, %cond3A : i32
      scf.if %cond3A_356 {
        %sub3A_459 = arith.constant 2 : i32
        %sub3A_460 = arith.subi %scan3A_327, %sub3A_459 : i32
        %add3A_461 = arith.addi %mul3A_2, %sub3A_460 : i32
        %jit3A_462 = arith.constant 128 : i32
        %div3A_463 = arith.divsi %add3A_461, %jit3A_462 : i32
        %sign3A_464 = arith.constant 0 : i32
        %sign3A_465 = arith.cmpi sgt, %add3A_461, %sign3A_464 : i32
        %sign3A_466 = arith.extui %sign3A_465 : i1 to i32
        %sign3A_467 = arith.constant 0 : i32
        %sign3A_468 = arith.cmpi slt, %add3A_461, %sign3A_467 : i32
        %sign3A_469 = arith.extui %sign3A_468 : i1 to i32
        %sign3A_470 = arith.subi %sign3A_466, %sign3A_469 : i32
        %sign3A_471 = arith.constant 0 : i32
        %sign3A_472 = arith.cmpi sgt, %jit3A_462, %sign3A_471 : i32
        %sign3A_473 = arith.extui %sign3A_472 : i1 to i32
        %sign3A_474 = arith.constant 0 : i32
        %sign3A_475 = arith.cmpi slt, %jit3A_462, %sign3A_474 : i32
        %sign3A_476 = arith.extui %sign3A_475 : i1 to i32
        %sign3A_477 = arith.subi %sign3A_473, %sign3A_476 : i32
        %ne3A_478 = arith.cmpi ne, %sign3A_470, %sign3A_477 : i32
        %rem3A_479 = arith.remsi %add3A_461, %jit3A_462 : i32
        %ne3A_480 = arith.constant 0 : i32
        %ne3A_481 = arith.cmpi ne, %rem3A_479, %ne3A_480 : i32
        %and3A_482 = arith.andi %ne3A_478, %ne3A_481 : i1
        %sub3A_483 = arith.constant 1 : i32
        %sub3A_484 = arith.subi %div3A_463, %sub3A_483 : i32
        %select_n3A_485 = arith.select %and3A_482, %sub3A_484, %div3A_463 : i32
        %mul3A_486 = arith.constant 128 : i32
        %mul3A_487 = arith.muli %select_n3A_485, %mul3A_486 : i32
        %sub3A_488 = arith.subi %add3A_461, %mul3A_487 : i32
        %dma_wait3A_489 = arith.constant 0 : i32
        %dma_wait3A_490 = arith.constant 0 : i32
        %dma_wait3A_491 = arith.constant 0 : i32
        %dma_wait3A_492 = tpu.memref_slice %arg7[%sub3A_332, %dma_wait3A_490, %dma_wait3A_491] : memref<2x32x128xf32, #tpu.memory_space<vmem>> -> memref<1x8x128xf32, #tpu.memory_space<vmem>>
        %dma_wait3A_493 = tpu.memref_squeeze %dma_wait3A_492 : memref<1x8x128xf32, #tpu.memory_space<vmem>> -> memref<8x128xf32, #tpu.memory_space<vmem>>
        %dma_wait3A_494 = arith.constant 0 : i32
        %dma_wait3A_495 = arith.constant 0 : i32
        %dma_wait3A_496 = tpu.memref_slice %arg4[%select_n3A_485, %dma_wait3A_489, %sub3A_488, %dma_wait3A_494, %dma_wait3A_495] : memref<26x4x128x8x128xf32, #tpu.memory_space<hbm>> -> memref<1x1x1x8x128xf32, #tpu.memory_space<hbm>>
        %dma_wait3A_497 = tpu.memref_squeeze %dma_wait3A_496 : memref<1x1x1x8x128xf32, #tpu.memory_space<hbm>> -> memref<8x128xf32, #tpu.memory_space<hbm>>
        %dma_wait3A_498 = arith.constant 0 : i32
        %dma_wait3A_499 = arith.constant 0 : i32
        %dma_wait3A_500 = tpu.memref_slice %arg4[%select_n3A_485, %dma_wait3A_489, %sub3A_488, %dma_wait3A_498, %dma_wait3A_499] : memref<26x4x128x8x128xf32, #tpu.memory_space<hbm>> -> memref<1x1x1x8x128xf32, #tpu.memory_space<hbm>>
        %dma_wait3A_501 = tpu.memref_squeeze %dma_wait3A_500 : memref<1x1x1x8x128xf32, #tpu.memory_space<hbm>> -> memref<8x128xf32, #tpu.memory_space<hbm>>
        %dma_wait3A_502 = arith.constant 0 : i32
        %dma_wait3A_503 = arith.constant 0 : i32
        %dma_wait3A_504 = tpu.memref_slice %arg7[%sub3A_332, %dma_wait3A_502, %dma_wait3A_503] : memref<2x32x128xf32, #tpu.memory_space<vmem>> -> memref<1x8x128xf32, #tpu.memory_space<vmem>>
        %dma_wait3A_505 = tpu.memref_squeeze %dma_wait3A_504 : memref<1x8x128xf32, #tpu.memory_space<vmem>> -> memref<8x128xf32, #tpu.memory_space<vmem>>
        tpu.wait_dma2 semaphore(%arg9 : memref<!tpu.dma_semaphore, #tpu.memory_space<semaphore_mem>>) src(%dma_wait3A_505 : memref<8x128xf32, #tpu.memory_space<vmem>>) dst(%dma_wait3A_501 : memref<8x128xf32, #tpu.memory_space<hbm>>)
        %dma_wait3A_506 = arith.constant 1 : i32
        %dma_wait3A_507 = arith.constant 8 : i32
        %dma_wait3A_508 = arith.constant 0 : i32
        %dma_wait3A_509 = tpu.memref_slice %arg7[%sub3A_332, %dma_wait3A_507, %dma_wait3A_508] : memref<2x32x128xf32, #tpu.memory_space<vmem>> -> memref<1x8x128xf32, #tpu.memory_space<vmem>>
        %dma_wait3A_510 = tpu.memref_squeeze %dma_wait3A_509 : memref<1x8x128xf32, #tpu.memory_space<vmem>> -> memref<8x128xf32, #tpu.memory_space<vmem>>
        %dma_wait3A_511 = arith.constant 0 : i32
        %dma_wait3A_512 = arith.constant 0 : i32
        %dma_wait3A_513 = tpu.memref_slice %arg4[%select_n3A_485, %dma_wait3A_506, %sub3A_488, %dma_wait3A_511, %dma_wait3A_512] : memref<26x4x128x8x128xf32, #tpu.memory_space<hbm>> -> memref<1x1x1x8x128xf32, #tpu.memory_space<hbm>>
        %dma_wait3A_514 = tpu.memref_squeeze %dma_wait3A_513 : memref<1x1x1x8x128xf32, #tpu.memory_space<hbm>> -> memref<8x128xf32, #tpu.memory_space<hbm>>
        %dma_wait3A_515 = arith.constant 0 : i32
        %dma_wait3A_516 = arith.constant 0 : i32
        %dma_wait3A_517 = tpu.memref_slice %arg4[%select_n3A_485, %dma_wait3A_506, %sub3A_488, %dma_wait3A_515, %dma_wait3A_516] : memref<26x4x128x8x128xf32, #tpu.memory_space<hbm>> -> memref<1x1x1x8x128xf32, #tpu.memory_space<hbm>>
        %dma_wait3A_518 = tpu.memref_squeeze %dma_wait3A_517 : memref<1x1x1x8x128xf32, #tpu.memory_space<hbm>> -> memref<8x128xf32, #tpu.memory_space<hbm>>
        %dma_wait3A_519 = arith.constant 8 : i32
        %dma_wait3A_520 = arith.constant 0 : i32
        %dma_wait3A_521 = tpu.memref_slice %arg7[%sub3A_332, %dma_wait3A_519, %dma_wait3A_520] : memref<2x32x128xf32, #tpu.memory_space<vmem>> -> memref<1x8x128xf32, #tpu.memory_space<vmem>>
        %dma_wait3A_522 = tpu.memref_squeeze %dma_wait3A_521 : memref<1x8x128xf32, #tpu.memory_space<vmem>> -> memref<8x128xf32, #tpu.memory_space<vmem>>
        tpu.wait_dma2 semaphore(%arg9 : memref<!tpu.dma_semaphore, #tpu.memory_space<semaphore_mem>>) src(%dma_wait3A_522 : memref<8x128xf32, #tpu.memory_space<vmem>>) dst(%dma_wait3A_518 : memref<8x128xf32, #tpu.memory_space<hbm>>)
        %dma_wait3A_523 = arith.constant 2 : i32
        %dma_wait3A_524 = arith.constant 16 : i32
        %dma_wait3A_525 = arith.constant 0 : i32
        %dma_wait3A_526 = tpu.memref_slice %arg7[%sub3A_332, %dma_wait3A_524, %dma_wait3A_525] : memref<2x32x128xf32, #tpu.memory_space<vmem>> -> memref<1x8x128xf32, #tpu.memory_space<vmem>>
        %dma_wait3A_527 = tpu.memref_squeeze %dma_wait3A_526 : memref<1x8x128xf32, #tpu.memory_space<vmem>> -> memref<8x128xf32, #tpu.memory_space<vmem>>
        %dma_wait3A_528 = arith.constant 0 : i32
        %dma_wait3A_529 = arith.constant 0 : i32
        %dma_wait3A_530 = tpu.memref_slice %arg4[%select_n3A_485, %dma_wait3A_523, %sub3A_488, %dma_wait3A_528, %dma_wait3A_529] : memref<26x4x128x8x128xf32, #tpu.memory_space<hbm>> -> memref<1x1x1x8x128xf32, #tpu.memory_space<hbm>>
        %dma_wait3A_531 = tpu.memref_squeeze %dma_wait3A_530 : memref<1x1x1x8x128xf32, #tpu.memory_space<hbm>> -> memref<8x128xf32, #tpu.memory_space<hbm>>
        %dma_wait3A_532 = arith.constant 0 : i32
        %dma_wait3A_533 = arith.constant 0 : i32
        %dma_wait3A_534 = tpu.memref_slice %arg4[%select_n3A_485, %dma_wait3A_523, %sub3A_488, %dma_wait3A_532, %dma_wait3A_533] : memref<26x4x128x8x128xf32, #tpu.memory_space<hbm>> -> memref<1x1x1x8x128xf32, #tpu.memory_space<hbm>>
        %dma_wait3A_535 = tpu.memref_squeeze %dma_wait3A_534 : memref<1x1x1x8x128xf32, #tpu.memory_space<hbm>> -> memref<8x128xf32, #tpu.memory_space<hbm>>
        %dma_wait3A_536 = arith.constant 16 : i32
        %dma_wait3A_537 = arith.constant 0 : i32
        %dma_wait3A_538 = tpu.memref_slice %arg7[%sub3A_332, %dma_wait3A_536, %dma_wait3A_537] : memref<2x32x128xf32, #tpu.memory_space<vmem>> -> memref<1x8x128xf32, #tpu.memory_space<vmem>>
        %dma_wait3A_539 = tpu.memref_squeeze %dma_wait3A_538 : memref<1x8x128xf32, #tpu.memory_space<vmem>> -> memref<8x128xf32, #tpu.memory_space<vmem>>
        tpu.wait_dma2 semaphore(%arg9 : memref<!tpu.dma_semaphore, #tpu.memory_space<semaphore_mem>>) src(%dma_wait3A_539 : memref<8x128xf32, #tpu.memory_space<vmem>>) dst(%dma_wait3A_535 : memref<8x128xf32, #tpu.memory_space<hbm>>)
        %dma_wait3A_540 = arith.constant 3 : i32
        %dma_wait3A_541 = arith.constant 24 : i32
        %dma_wait3A_542 = arith.constant 0 : i32
        %dma_wait3A_543 = tpu.memref_slice %arg7[%sub3A_332, %dma_wait3A_541, %dma_wait3A_542] : memref<2x32x128xf32, #tpu.memory_space<vmem>> -> memref<1x8x128xf32, #tpu.memory_space<vmem>>
        %dma_wait3A_544 = tpu.memref_squeeze %dma_wait3A_543 : memref<1x8x128xf32, #tpu.memory_space<vmem>> -> memref<8x128xf32, #tpu.memory_space<vmem>>
        %dma_wait3A_545 = arith.constant 0 : i32
        %dma_wait3A_546 = arith.constant 0 : i32
        %dma_wait3A_547 = tpu.memref_slice %arg4[%select_n3A_485, %dma_wait3A_540, %sub3A_488, %dma_wait3A_545, %dma_wait3A_546] : memref<26x4x128x8x128xf32, #tpu.memory_space<hbm>> -> memref<1x1x1x8x128xf32, #tpu.memory_space<hbm>>
        %dma_wait3A_548 = tpu.memref_squeeze %dma_wait3A_547 : memref<1x1x1x8x128xf32, #tpu.memory_space<hbm>> -> memref<8x128xf32, #tpu.memory_space<hbm>>
        %dma_wait3A_549 = arith.constant 0 : i32
        %dma_wait3A_550 = arith.constant 0 : i32
        %dma_wait3A_551 = tpu.memref_slice %arg4[%select_n3A_485, %dma_wait3A_540, %sub3A_488, %dma_wait3A_549, %dma_wait3A_550] : memref<26x4x128x8x128xf32, #tpu.memory_space<hbm>> -> memref<1x1x1x8x128xf32, #tpu.memory_space<hbm>>
        %dma_wait3A_552 = tpu.memref_squeeze %dma_wait3A_551 : memref<1x1x1x8x128xf32, #tpu.memory_space<hbm>> -> memref<8x128xf32, #tpu.memory_space<hbm>>
        %dma_wait3A_553 = arith.constant 24 : i32
        %dma_wait3A_554 = arith.constant 0 : i32
        %dma_wait3A_555 = tpu.memref_slice %arg7[%sub3A_332, %dma_wait3A_553, %dma_wait3A_554] : memref<2x32x128xf32, #tpu.memory_space<vmem>> -> memref<1x8x128xf32, #tpu.memory_space<vmem>>
        %dma_wait3A_556 = tpu.memref_squeeze %dma_wait3A_555 : memref<1x8x128xf32, #tpu.memory_space<vmem>> -> memref<8x128xf32, #tpu.memory_space<vmem>>
        tpu.wait_dma2 semaphore(%arg9 : memref<!tpu.dma_semaphore, #tpu.memory_space<semaphore_mem>>) src(%dma_wait3A_556 : memref<8x128xf32, #tpu.memory_space<vmem>>) dst(%dma_wait3A_552 : memref<8x128xf32, #tpu.memory_space<hbm>>)
      } else {
      }
      %parallel_loop3A_357 = arith.constant 0 : i32
      %parallel_loop3A_358 = arith.constant 256 : i32
      %parallel_loop3A_359 = arith.constant 1 : i32
      scf.for %parallel_loop3A_459 = %parallel_loop3A_357 to %parallel_loop3A_358 step %parallel_loop3A_359  : i32 {
        %parallel_loop3A_460 = arith.constant 32 : i32
        %parallel_loop3A_461 = arith.remsi %parallel_loop3A_459, %parallel_loop3A_460 : i32
        %parallel_loop3A_462 = arith.constant 32 : i32
        %parallel_loop3A_463 = arith.divsi %parallel_loop3A_459, %parallel_loop3A_462 : i32
        %parallel_loop3A_464 = arith.constant 16 : i32
        %parallel_loop3A_465 = arith.muli %parallel_loop3A_463, %parallel_loop3A_464 : i32
        %parallel_loop3A_466 = vector.broadcast %parallel_loop3A_465 : i32 to vector<16xi32>
        %parallel_loop3A_467 = arith.addi %iota3A, %parallel_loop3A_466 : vector<16xi32>
        %parallel_loop3A_468 = vector.broadcast %parallel_loop3A_461 : i32 to vector<16xi32>
        %parallel_loop3A_469 = arith.addi %iota3A, %parallel_loop3A_468 : vector<16xi32>
        %parallel_loop3A_470 = arith.constant 31 : i32
        %parallel_loop3A_471 = vector.broadcast %parallel_loop3A_470 : i32 to vector<16xi32>
        %parallel_loop3A_472 = arith.andi %parallel_loop3A_469, %parallel_loop3A_471 : vector<16xi32>
        %parallel_loop3A_473 = arith.constant 0 : i32
        %parallel_loop3A_474 = arith.constant 0 : i32
        %parallel_loop3A_475 = tpu.memref_slice %arg6[%sub3A_332, %parallel_loop3A_473, %parallel_loop3A_474] : memref<2x128x32xf32, #tpu.memory_space<vmem>> -> memref<1x128x32xf32, #tpu.memory_space<vmem>>
        %parallel_loop3A_476 = tpu.memref_squeeze %parallel_loop3A_475 : memref<1x128x32xf32, #tpu.memory_space<vmem>> -> memref<128x32xf32, #tpu.memory_space<vmem>>
        %parallel_loop3A_477 = tpu.vector_load_idx %parallel_loop3A_476[%parallel_loop3A_467, %parallel_loop3A_472] : memref<128x32xf32, #tpu.memory_space<vmem>>[vector<16xi32>, vector<16xi32>], vector<16xf32>,
        %parallel_loop3A_478 = arith.constant 0 : i32
        %parallel_loop3A_479 = arith.constant 0 : i32
        %parallel_loop3A_480 = tpu.memref_slice %arg7[%sub3A_332, %parallel_loop3A_478, %parallel_loop3A_479] : memref<2x32x128xf32, #tpu.memory_space<vmem>> -> memref<1x32x128xf32, #tpu.memory_space<vmem>>
        %parallel_loop3A_481 = tpu.memref_squeeze %parallel_loop3A_480 : memref<1x32x128xf32, #tpu.memory_space<vmem>> -> memref<32x128xf32, #tpu.memory_space<vmem>>
        tpu.vector_store_idx %parallel_loop3A_481[%parallel_loop3A_472, %parallel_loop3A_467], %parallel_loop3A_477 : memref<32x128xf32, #tpu.memory_space<vmem>>[vector<16xi32>, vector<16xi32>], vector<16xf32>,
      } {sc.loop_unroll_factor = 16 : i64, sc.parallel_access}
      %sub3A_360 = arith.constant 1 : i32
      %sub3A_361 = arith.subi %scan3A_327, %sub3A_360 : i32
      %add3A_362 = arith.addi %mul3A_2, %sub3A_361 : i32
      %jit3A_363 = arith.constant 128 : i32
      %div3A_364 = arith.divsi %add3A_362, %jit3A_363 : i32
      %sign3A_365 = arith.constant 0 : i32
      %sign3A_366 = arith.cmpi sgt, %add3A_362, %sign3A_365 : i32
      %sign3A_367 = arith.extui %sign3A_366 : i1 to i32
      %sign3A_368 = arith.constant 0 : i32
      %sign3A_369 = arith.cmpi slt, %add3A_362, %sign3A_368 : i32
      %sign3A_370 = arith.extui %sign3A_369 : i1 to i32
      %sign3A_371 = arith.subi %sign3A_367, %sign3A_370 : i32
      %sign3A_372 = arith.constant 0 : i32
      %sign3A_373 = arith.cmpi sgt, %jit3A_363, %sign3A_372 : i32
      %sign3A_374 = arith.extui %sign3A_373 : i1 to i32
      %sign3A_375 = arith.constant 0 : i32
      %sign3A_376 = arith.cmpi slt, %jit3A_363, %sign3A_375 : i32
      %sign3A_377 = arith.extui %sign3A_376 : i1 to i32
      %sign3A_378 = arith.subi %sign3A_374, %sign3A_377 : i32
      %ne3A_379 = arith.cmpi ne, %sign3A_371, %sign3A_378 : i32
      %rem3A_380 = arith.remsi %add3A_362, %jit3A_363 : i32
      %ne3A_381 = arith.constant 0 : i32
      %ne3A_382 = arith.cmpi ne, %rem3A_380, %ne3A_381 : i32
      %and3A_383 = arith.andi %ne3A_379, %ne3A_382 : i1
      %sub3A_384 = arith.constant 1 : i32
      %sub3A_385 = arith.subi %div3A_364, %sub3A_384 : i32
      %select_n3A_386 = arith.select %and3A_383, %sub3A_385, %div3A_364 : i32
      %mul3A_387 = arith.constant 128 : i32
      %mul3A_388 = arith.muli %select_n3A_386, %mul3A_387 : i32
      %sub3A_389 = arith.subi %add3A_362, %mul3A_388 : i32
      %dma_start3A_390 = arith.constant 0 : i32
      %dma_start3A_391 = arith.constant 0 : i32
      %dma_start3A_392 = arith.constant 0 : i32
      %dma_start3A_393 = tpu.memref_slice %arg7[%sub3A_332, %dma_start3A_391, %dma_start3A_392] : memref<2x32x128xf32, #tpu.memory_space<vmem>> -> memref<1x8x128xf32, #tpu.memory_space<vmem>>
      %dma_start3A_394 = tpu.memref_squeeze %dma_start3A_393 : memref<1x8x128xf32, #tpu.memory_space<vmem>> -> memref<8x128xf32, #tpu.memory_space<vmem>>
      %dma_start3A_395 = arith.constant 0 : i32
      %dma_start3A_396 = arith.constant 0 : i32
      %dma_start3A_397 = tpu.memref_slice %arg4[%select_n3A_386, %dma_start3A_390, %sub3A_389, %dma_start3A_395, %dma_start3A_396] : memref<26x4x128x8x128xf32, #tpu.memory_space<hbm>> -> memref<1x1x1x8x128xf32, #tpu.memory_space<hbm>>
      %dma_start3A_398 = tpu.memref_squeeze %dma_start3A_397 : memref<1x1x1x8x128xf32, #tpu.memory_space<hbm>> -> memref<8x128xf32, #tpu.memory_space<hbm>>
      %dma_start3A_399 = arith.constant 0 : i32
      %dma_start3A_400 = arith.constant 0 : i32
      %dma_start3A_401 = tpu.memref_slice %arg4[%select_n3A_386, %dma_start3A_390, %sub3A_389, %dma_start3A_399, %dma_start3A_400] : memref<26x4x128x8x128xf32, #tpu.memory_space<hbm>> -> memref<1x1x1x8x128xf32, #tpu.memory_space<hbm>>
      %dma_start3A_402 = tpu.memref_squeeze %dma_start3A_401 : memref<1x1x1x8x128xf32, #tpu.memory_space<hbm>> -> memref<8x128xf32, #tpu.memory_space<hbm>>
      %dma_start3A_403 = arith.constant 0 : i32
      %dma_start3A_404 = arith.constant 0 : i32
      %dma_start3A_405 = tpu.memref_slice %arg7[%sub3A_332, %dma_start3A_403, %dma_start3A_404] : memref<2x32x128xf32, #tpu.memory_space<vmem>> -> memref<1x8x128xf32, #tpu.memory_space<vmem>>
      %dma_start3A_406 = tpu.memref_squeeze %dma_start3A_405 : memref<1x8x128xf32, #tpu.memory_space<vmem>> -> memref<8x128xf32, #tpu.memory_space<vmem>>
      tpu.enqueue_dma source(%dma_start3A_406 : memref<8x128xf32, #tpu.memory_space<vmem>>) target(%dma_start3A_402 : memref<8x128xf32, #tpu.memory_space<hbm>>) target_semaphore(%arg9 : memref<!tpu.dma_semaphore, #tpu.memory_space<semaphore_mem>>)
      %dma_start3A_407 = arith.constant 1 : i32
      %dma_start3A_408 = arith.constant 8 : i32
      %dma_start3A_409 = arith.constant 0 : i32
      %dma_start3A_410 = tpu.memref_slice %arg7[%sub3A_332, %dma_start3A_408, %dma_start3A_409] : memref<2x32x128xf32, #tpu.memory_space<vmem>> -> memref<1x8x128xf32, #tpu.memory_space<vmem>>
      %dma_start3A_411 = tpu.memref_squeeze %dma_start3A_410 : memref<1x8x128xf32, #tpu.memory_space<vmem>> -> memref<8x128xf32, #tpu.memory_space<vmem>>
      %dma_start3A_412 = arith.constant 0 : i32
      %dma_start3A_413 = arith.constant 0 : i32
      %dma_start3A_414 = tpu.memref_slice %arg4[%select_n3A_386, %dma_start3A_407, %sub3A_389, %dma_start3A_412, %dma_start3A_413] : memref<26x4x128x8x128xf32, #tpu.memory_space<hbm>> -> memref<1x1x1x8x128xf32, #tpu.memory_space<hbm>>
      %dma_start3A_415 = tpu.memref_squeeze %dma_start3A_414 : memref<1x1x1x8x128xf32, #tpu.memory_space<hbm>> -> memref<8x128xf32, #tpu.memory_space<hbm>>
      %dma_start3A_416 = arith.constant 0 : i32
      %dma_start3A_417 = arith.constant 0 : i32
      %dma_start3A_418 = tpu.memref_slice %arg4[%select_n3A_386, %dma_start3A_407, %sub3A_389, %dma_start3A_416, %dma_start3A_417] : memref<26x4x128x8x128xf32, #tpu.memory_space<hbm>> -> memref<1x1x1x8x128xf32, #tpu.memory_space<hbm>>
      %dma_start3A_419 = tpu.memref_squeeze %dma_start3A_418 : memref<1x1x1x8x128xf32, #tpu.memory_space<hbm>> -> memref<8x128xf32, #tpu.memory_space<hbm>>
      %dma_start3A_420 = arith.constant 8 : i32
      %dma_start3A_421 = arith.constant 0 : i32
      %dma_start3A_422 = tpu.memref_slice %arg7[%sub3A_332, %dma_start3A_420, %dma_start3A_421] : memref<2x32x128xf32, #tpu.memory_space<vmem>> -> memref<1x8x128xf32, #tpu.memory_space<vmem>>
      %dma_start3A_423 = tpu.memref_squeeze %dma_start3A_422 : memref<1x8x128xf32, #tpu.memory_space<vmem>> -> memref<8x128xf32, #tpu.memory_space<vmem>>
      tpu.enqueue_dma source(%dma_start3A_423 : memref<8x128xf32, #tpu.memory_space<vmem>>) target(%dma_start3A_419 : memref<8x128xf32, #tpu.memory_space<hbm>>) target_semaphore(%arg9 : memref<!tpu.dma_semaphore, #tpu.memory_space<semaphore_mem>>)
      %dma_start3A_424 = arith.constant 2 : i32
      %dma_start3A_425 = arith.constant 16 : i32
      %dma_start3A_426 = arith.constant 0 : i32
      %dma_start3A_427 = tpu.memref_slice %arg7[%sub3A_332, %dma_start3A_425, %dma_start3A_426] : memref<2x32x128xf32, #tpu.memory_space<vmem>> -> memref<1x8x128xf32, #tpu.memory_space<vmem>>
      %dma_start3A_428 = tpu.memref_squeeze %dma_start3A_427 : memref<1x8x128xf32, #tpu.memory_space<vmem>> -> memref<8x128xf32, #tpu.memory_space<vmem>>
      %dma_start3A_429 = arith.constant 0 : i32
      %dma_start3A_430 = arith.constant 0 : i32
      %dma_start3A_431 = tpu.memref_slice %arg4[%select_n3A_386, %dma_start3A_424, %sub3A_389, %dma_start3A_429, %dma_start3A_430] : memref<26x4x128x8x128xf32, #tpu.memory_space<hbm>> -> memref<1x1x1x8x128xf32, #tpu.memory_space<hbm>>
      %dma_start3A_432 = tpu.memref_squeeze %dma_start3A_431 : memref<1x1x1x8x128xf32, #tpu.memory_space<hbm>> -> memref<8x128xf32, #tpu.memory_space<hbm>>
      %dma_start3A_433 = arith.constant 0 : i32
      %dma_start3A_434 = arith.constant 0 : i32
      %dma_start3A_435 = tpu.memref_slice %arg4[%select_n3A_386, %dma_start3A_424, %sub3A_389, %dma_start3A_433, %dma_start3A_434] : memref<26x4x128x8x128xf32, #tpu.memory_space<hbm>> -> memref<1x1x1x8x128xf32, #tpu.memory_space<hbm>>
      %dma_start3A_436 = tpu.memref_squeeze %dma_start3A_435 : memref<1x1x1x8x128xf32, #tpu.memory_space<hbm>> -> memref<8x128xf32, #tpu.memory_space<hbm>>
      %dma_start3A_437 = arith.constant 16 : i32
      %dma_start3A_438 = arith.constant 0 : i32
      %dma_start3A_439 = tpu.memref_slice %arg7[%sub3A_332, %dma_start3A_437, %dma_start3A_438] : memref<2x32x128xf32, #tpu.memory_space<vmem>> -> memref<1x8x128xf32, #tpu.memory_space<vmem>>
      %dma_start3A_440 = tpu.memref_squeeze %dma_start3A_439 : memref<1x8x128xf32, #tpu.memory_space<vmem>> -> memref<8x128xf32, #tpu.memory_space<vmem>>
      tpu.enqueue_dma source(%dma_start3A_440 : memref<8x128xf32, #tpu.memory_space<vmem>>) target(%dma_start3A_436 : memref<8x128xf32, #tpu.memory_space<hbm>>) target_semaphore(%arg9 : memref<!tpu.dma_semaphore, #tpu.memory_space<semaphore_mem>>)
      %dma_start3A_441 = arith.constant 3 : i32
      %dma_start3A_442 = arith.constant 24 : i32
      %dma_start3A_443 = arith.constant 0 : i32
      %dma_start3A_444 = tpu.memref_slice %arg7[%sub3A_332, %dma_start3A_442, %dma_start3A_443] : memref<2x32x128xf32, #tpu.memory_space<vmem>> -> memref<1x8x128xf32, #tpu.memory_space<vmem>>
      %dma_start3A_445 = tpu.memref_squeeze %dma_start3A_444 : memref<1x8x128xf32, #tpu.memory_space<vmem>> -> memref<8x128xf32, #tpu.memory_space<vmem>>
      %dma_start3A_446 = arith.constant 0 : i32
      %dma_start3A_447 = arith.constant 0 : i32
      %dma_start3A_448 = tpu.memref_slice %arg4[%select_n3A_386, %dma_start3A_441, %sub3A_389, %dma_start3A_446, %dma_start3A_447] : memref<26x4x128x8x128xf32, #tpu.memory_space<hbm>> -> memref<1x1x1x8x128xf32, #tpu.memory_space<hbm>>
      %dma_start3A_449 = tpu.memref_squeeze %dma_start3A_448 : memref<1x1x1x8x128xf32, #tpu.memory_space<hbm>> -> memref<8x128xf32, #tpu.memory_space<hbm>>
      %dma_start3A_450 = arith.constant 0 : i32
      %dma_start3A_451 = arith.constant 0 : i32
      %dma_start3A_452 = tpu.memref_slice %arg4[%select_n3A_386, %dma_start3A_441, %sub3A_389, %dma_start3A_450, %dma_start3A_451] : memref<26x4x128x8x128xf32, #tpu.memory_space<hbm>> -> memref<1x1x1x8x128xf32, #tpu.memory_space<hbm>>
      %dma_start3A_453 = tpu.memref_squeeze %dma_start3A_452 : memref<1x1x1x8x128xf32, #tpu.memory_space<hbm>> -> memref<8x128xf32, #tpu.memory_space<hbm>>
      %dma_start3A_454 = arith.constant 24 : i32
      %dma_start3A_455 = arith.constant 0 : i32
      %dma_start3A_456 = tpu.memref_slice %arg7[%sub3A_332, %dma_start3A_454, %dma_start3A_455] : memref<2x32x128xf32, #tpu.memory_space<vmem>> -> memref<1x8x128xf32, #tpu.memory_space<vmem>>
      %dma_start3A_457 = tpu.memref_squeeze %dma_start3A_456 : memref<1x8x128xf32, #tpu.memory_space<vmem>> -> memref<8x128xf32, #tpu.memory_space<vmem>>
      tpu.enqueue_dma source(%dma_start3A_457 : memref<8x128xf32, #tpu.memory_space<vmem>>) target(%dma_start3A_453 : memref<8x128xf32, #tpu.memory_space<hbm>>) target_semaphore(%arg9 : memref<!tpu.dma_semaphore, #tpu.memory_space<semaphore_mem>>)
      %scan3A_458 = arith.constant 0 : i32
      scf.yield %scan3A_458 : i32
    }
    %scan3A_19 = arith.constant 103 : i32
    %dma_wait3A = arith.constant 1 : i32
    %dma_wait3A_20 = arith.constant 0 : i32
    %dma_wait3A_21 = arith.constant 0 : i32
    %dma_wait3A_22 = tpu.memref_slice %arg6[%dma_wait3A, %dma_wait3A_20, %dma_wait3A_21] : memref<2x128x32xf32, #tpu.memory_space<vmem>> -> memref<1x128x32xf32, #tpu.memory_space<vmem>>
    %dma_wait3A_23 = tpu.memref_squeeze %dma_wait3A_22 : memref<1x128x32xf32, #tpu.memory_space<vmem>> -> memref<128x32xf32, #tpu.memory_space<vmem>>
    %dma_wait3A_24 = arith.constant 13184 : i32
    %dma_wait3A_25 = tpu.memref_slice %arg5[%dma_wait3A_24] : memref<13312xi32, #tpu.memory_space<vmem>> -> memref<128xi32, #tpu.memory_space<vmem>>
    %dma_wait3A_26 = arith.constant 0 : i32
    %dma_wait3A_27 = arith.constant 0 : i32
    %dma_wait3A_28 = tpu.memref_slice %arg3[%dma_wait3A_26, %dma_wait3A_27] : memref<1000000x32xf32, #tpu.memory_space<hbm>> -> memref<1000000x32xf32, #tpu.memory_space<hbm>>
    tpu.wait_indirect_dma semaphore(%arg8 : memref<!tpu.dma_semaphore, #tpu.memory_space<semaphore_mem>>) src(%dma_wait3A_28 : memref<1000000x32xf32, #tpu.memory_space<hbm>>) dst(%dma_wait3A_23 : memref<128x32xf32, #tpu.memory_space<vmem>>)
    %parallel_loop3A = arith.constant 0 : i32
    %parallel_loop3A_29 = arith.constant 256 : i32
    %parallel_loop3A_30 = arith.constant 1 : i32
    %parallel_loop3A_31 = arith.constant 1 : i32
    scf.for %parallel_loop3A_327 = %parallel_loop3A to %parallel_loop3A_29 step %parallel_loop3A_30  : i32 {
      %parallel_loop3A_328 = arith.constant 32 : i32
      %parallel_loop3A_329 = arith.remsi %parallel_loop3A_327, %parallel_loop3A_328 : i32
      %parallel_loop3A_330 = arith.constant 32 : i32
      %parallel_loop3A_331 = arith.divsi %parallel_loop3A_327, %parallel_loop3A_330 : i32
      %parallel_loop3A_332 = arith.constant 16 : i32
      %parallel_loop3A_333 = arith.muli %parallel_loop3A_331, %parallel_loop3A_332 : i32
      %parallel_loop3A_334 = vector.broadcast %parallel_loop3A_333 : i32 to vector<16xi32>
      %parallel_loop3A_335 = arith.addi %iota3A, %parallel_loop3A_334 : vector<16xi32>
      %parallel_loop3A_336 = vector.broadcast %parallel_loop3A_329 : i32 to vector<16xi32>
      %parallel_loop3A_337 = arith.addi %iota3A, %parallel_loop3A_336 : vector<16xi32>
      %parallel_loop3A_338 = arith.constant 31 : i32
      %parallel_loop3A_339 = vector.broadcast %parallel_loop3A_338 : i32 to vector<16xi32>
      %parallel_loop3A_340 = arith.andi %parallel_loop3A_337, %parallel_loop3A_339 : vector<16xi32>
      %parallel_loop3A_341 = arith.constant 0 : i32
      %parallel_loop3A_342 = arith.constant 0 : i32
      %parallel_loop3A_343 = tpu.memref_slice %arg6[%parallel_loop3A_31, %parallel_loop3A_341, %parallel_loop3A_342] : memref<2x128x32xf32, #tpu.memory_space<vmem>> -> memref<1x128x32xf32, #tpu.memory_space<vmem>>
      %parallel_loop3A_344 = tpu.memref_squeeze %parallel_loop3A_343 : memref<1x128x32xf32, #tpu.memory_space<vmem>> -> memref<128x32xf32, #tpu.memory_space<vmem>>
      %parallel_loop3A_345 = tpu.vector_load_idx %parallel_loop3A_344[%parallel_loop3A_335, %parallel_loop3A_340] : memref<128x32xf32, #tpu.memory_space<vmem>>[vector<16xi32>, vector<16xi32>], vector<16xf32>,
      %parallel_loop3A_346 = arith.constant 1 : i32
      %parallel_loop3A_347 = arith.constant 0 : i32
      %parallel_loop3A_348 = arith.constant 0 : i32
      %parallel_loop3A_349 = tpu.memref_slice %arg7[%parallel_loop3A_346, %parallel_loop3A_347, %parallel_loop3A_348] : memref<2x32x128xf32, #tpu.memory_space<vmem>> -> memref<1x32x128xf32, #tpu.memory_space<vmem>>
      %parallel_loop3A_350 = tpu.memref_squeeze %parallel_loop3A_349 : memref<1x32x128xf32, #tpu.memory_space<vmem>> -> memref<32x128xf32, #tpu.memory_space<vmem>>
      tpu.vector_store_idx %parallel_loop3A_350[%parallel_loop3A_340, %parallel_loop3A_335], %parallel_loop3A_345 : memref<32x128xf32, #tpu.memory_space<vmem>>[vector<16xi32>, vector<16xi32>], vector<16xf32>,
    } {sc.loop_unroll_factor = 16 : i64, sc.parallel_access}
    %add3A_32 = arith.constant 103 : i32
    %add3A_33 = arith.addi %mul3A_2, %add3A_32 : i32
    %jit3A = arith.constant 128 : i32
    %div3A = arith.divsi %add3A_33, %jit3A : i32
    %sign3A = arith.constant 0 : i32
    %sign3A_34 = arith.cmpi sgt, %add3A_33, %sign3A : i32
    %sign3A_35 = arith.extui %sign3A_34 : i1 to i32
    %sign3A_36 = arith.constant 0 : i32
    %sign3A_37 = arith.cmpi slt, %add3A_33, %sign3A_36 : i32
    %sign3A_38 = arith.extui %sign3A_37 : i1 to i32
    %sign3A_39 = arith.subi %sign3A_35, %sign3A_38 : i32
    %sign3A_40 = arith.constant 0 : i32
    %sign3A_41 = arith.cmpi sgt, %jit3A, %sign3A_40 : i32
    %sign3A_42 = arith.extui %sign3A_41 : i1 to i32
    %sign3A_43 = arith.constant 0 : i32
    %sign3A_44 = arith.cmpi slt, %jit3A, %sign3A_43 : i32
    %sign3A_45 = arith.extui %sign3A_44 : i1 to i32
    %sign3A_46 = arith.subi %sign3A_42, %sign3A_45 : i32
    %ne3A = arith.cmpi ne, %sign3A_39, %sign3A_46 : i32
    %rem3A = arith.remsi %add3A_33, %jit3A : i32
    %ne3A_47 = arith.constant 0 : i32
    %ne3A_48 = arith.cmpi ne, %rem3A, %ne3A_47 : i32
    %and3A = arith.andi %ne3A, %ne3A_48 : i1
    %sub3A = arith.constant 1 : i32
    %sub3A_49 = arith.subi %div3A, %sub3A : i32
    %select_n3A = arith.select %and3A, %sub3A_49, %div3A : i32
    %mul3A_50 = arith.constant 128 : i32
    %mul3A_51 = arith.muli %select_n3A, %mul3A_50 : i32
    %sub3A_52 = arith.subi %add3A_33, %mul3A_51 : i32
    %dma_start3A_53 = arith.constant 1 : i32
    %dma_start3A_54 = arith.constant 0 : i32
    %dma_start3A_55 = arith.constant 0 : i32
    %dma_start3A_56 = arith.constant 0 : i32
    %dma_start3A_57 = tpu.memref_slice %arg7[%dma_start3A_53, %dma_start3A_55, %dma_start3A_56] : memref<2x32x128xf32, #tpu.memory_space<vmem>> -> memref<1x8x128xf32, #tpu.memory_space<vmem>>
    %dma_start3A_58 = tpu.memref_squeeze %dma_start3A_57 : memref<1x8x128xf32, #tpu.memory_space<vmem>> -> memref<8x128xf32, #tpu.memory_space<vmem>>
    %dma_start3A_59 = arith.constant 0 : i32
    %dma_start3A_60 = arith.constant 0 : i32
    %dma_start3A_61 = tpu.memref_slice %arg4[%select_n3A, %dma_start3A_54, %sub3A_52, %dma_start3A_59, %dma_start3A_60] : memref<26x4x128x8x128xf32, #tpu.memory_space<hbm>> -> memref<1x1x1x8x128xf32, #tpu.memory_space<hbm>>
    %dma_start3A_62 = tpu.memref_squeeze %dma_start3A_61 : memref<1x1x1x8x128xf32, #tpu.memory_space<hbm>> -> memref<8x128xf32, #tpu.memory_space<hbm>>
    %dma_start3A_63 = arith.constant 0 : i32
    %dma_start3A_64 = arith.constant 0 : i32
    %dma_start3A_65 = tpu.memref_slice %arg4[%select_n3A, %dma_start3A_54, %sub3A_52, %dma_start3A_63, %dma_start3A_64] : memref<26x4x128x8x128xf32, #tpu.memory_space<hbm>> -> memref<1x1x1x8x128xf32, #tpu.memory_space<hbm>>
    %dma_start3A_66 = tpu.memref_squeeze %dma_start3A_65 : memref<1x1x1x8x128xf32, #tpu.memory_space<hbm>> -> memref<8x128xf32, #tpu.memory_space<hbm>>
    %dma_start3A_67 = arith.constant 0 : i32
    %dma_start3A_68 = arith.constant 0 : i32
    %dma_start3A_69 = tpu.memref_slice %arg7[%dma_start3A_53, %dma_start3A_67, %dma_start3A_68] : memref<2x32x128xf32, #tpu.memory_space<vmem>> -> memref<1x8x128xf32, #tpu.memory_space<vmem>>
    %dma_start3A_70 = tpu.memref_squeeze %dma_start3A_69 : memref<1x8x128xf32, #tpu.memory_space<vmem>> -> memref<8x128xf32, #tpu.memory_space<vmem>>
    tpu.enqueue_dma source(%dma_start3A_70 : memref<8x128xf32, #tpu.memory_space<vmem>>) target(%dma_start3A_66 : memref<8x128xf32, #tpu.memory_space<hbm>>) target_semaphore(%arg9 : memref<!tpu.dma_semaphore, #tpu.memory_space<semaphore_mem>>)
    %dma_start3A_71 = arith.constant 1 : i32
    %dma_start3A_72 = arith.constant 1 : i32
    %dma_start3A_73 = arith.constant 8 : i32
    %dma_start3A_74 = arith.constant 0 : i32
    %dma_start3A_75 = tpu.memref_slice %arg7[%dma_start3A_71, %dma_start3A_73, %dma_start3A_74] : memref<2x32x128xf32, #tpu.memory_space<vmem>> -> memref<1x8x128xf32, #tpu.memory_space<vmem>>
    %dma_start3A_76 = tpu.memref_squeeze %dma_start3A_75 : memref<1x8x128xf32, #tpu.memory_space<vmem>> -> memref<8x128xf32, #tpu.memory_space<vmem>>
    %dma_start3A_77 = arith.constant 0 : i32
    %dma_start3A_78 = arith.constant 0 : i32
    %dma_start3A_79 = tpu.memref_slice %arg4[%select_n3A, %dma_start3A_72, %sub3A_52, %dma_start3A_77, %dma_start3A_78] : memref<26x4x128x8x128xf32, #tpu.memory_space<hbm>> -> memref<1x1x1x8x128xf32, #tpu.memory_space<hbm>>
    %dma_start3A_80 = tpu.memref_squeeze %dma_start3A_79 : memref<1x1x1x8x128xf32, #tpu.memory_space<hbm>> -> memref<8x128xf32, #tpu.memory_space<hbm>>
    %dma_start3A_81 = arith.constant 0 : i32
    %dma_start3A_82 = arith.constant 0 : i32
    %dma_start3A_83 = tpu.memref_slice %arg4[%select_n3A, %dma_start3A_72, %sub3A_52, %dma_start3A_81, %dma_start3A_82] : memref<26x4x128x8x128xf32, #tpu.memory_space<hbm>> -> memref<1x1x1x8x128xf32, #tpu.memory_space<hbm>>
    %dma_start3A_84 = tpu.memref_squeeze %dma_start3A_83 : memref<1x1x1x8x128xf32, #tpu.memory_space<hbm>> -> memref<8x128xf32, #tpu.memory_space<hbm>>
    %dma_start3A_85 = arith.constant 8 : i32
    %dma_start3A_86 = arith.constant 0 : i32
    %dma_start3A_87 = tpu.memref_slice %arg7[%dma_start3A_71, %dma_start3A_85, %dma_start3A_86] : memref<2x32x128xf32, #tpu.memory_space<vmem>> -> memref<1x8x128xf32, #tpu.memory_space<vmem>>
    %dma_start3A_88 = tpu.memref_squeeze %dma_start3A_87 : memref<1x8x128xf32, #tpu.memory_space<vmem>> -> memref<8x128xf32, #tpu.memory_space<vmem>>
    tpu.enqueue_dma source(%dma_start3A_88 : memref<8x128xf32, #tpu.memory_space<vmem>>) target(%dma_start3A_84 : memref<8x128xf32, #tpu.memory_space<hbm>>) target_semaphore(%arg9 : memref<!tpu.dma_semaphore, #tpu.memory_space<semaphore_mem>>)
    %dma_start3A_89 = arith.constant 1 : i32
    %dma_start3A_90 = arith.constant 2 : i32
    %dma_start3A_91 = arith.constant 16 : i32
    %dma_start3A_92 = arith.constant 0 : i32
    %dma_start3A_93 = tpu.memref_slice %arg7[%dma_start3A_89, %dma_start3A_91, %dma_start3A_92] : memref<2x32x128xf32, #tpu.memory_space<vmem>> -> memref<1x8x128xf32, #tpu.memory_space<vmem>>
    %dma_start3A_94 = tpu.memref_squeeze %dma_start3A_93 : memref<1x8x128xf32, #tpu.memory_space<vmem>> -> memref<8x128xf32, #tpu.memory_space<vmem>>
    %dma_start3A_95 = arith.constant 0 : i32
    %dma_start3A_96 = arith.constant 0 : i32
    %dma_start3A_97 = tpu.memref_slice %arg4[%select_n3A, %dma_start3A_90, %sub3A_52, %dma_start3A_95, %dma_start3A_96] : memref<26x4x128x8x128xf32, #tpu.memory_space<hbm>> -> memref<1x1x1x8x128xf32, #tpu.memory_space<hbm>>
    %dma_start3A_98 = tpu.memref_squeeze %dma_start3A_97 : memref<1x1x1x8x128xf32, #tpu.memory_space<hbm>> -> memref<8x128xf32, #tpu.memory_space<hbm>>
    %dma_start3A_99 = arith.constant 0 : i32
    %dma_start3A_100 = arith.constant 0 : i32
    %dma_start3A_101 = tpu.memref_slice %arg4[%select_n3A, %dma_start3A_90, %sub3A_52, %dma_start3A_99, %dma_start3A_100] : memref<26x4x128x8x128xf32, #tpu.memory_space<hbm>> -> memref<1x1x1x8x128xf32, #tpu.memory_space<hbm>>
    %dma_start3A_102 = tpu.memref_squeeze %dma_start3A_101 : memref<1x1x1x8x128xf32, #tpu.memory_space<hbm>> -> memref<8x128xf32, #tpu.memory_space<hbm>>
    %dma_start3A_103 = arith.constant 16 : i32
    %dma_start3A_104 = arith.constant 0 : i32
    %dma_start3A_105 = tpu.memref_slice %arg7[%dma_start3A_89, %dma_start3A_103, %dma_start3A_104] : memref<2x32x128xf32, #tpu.memory_space<vmem>> -> memref<1x8x128xf32, #tpu.memory_space<vmem>>
    %dma_start3A_106 = tpu.memref_squeeze %dma_start3A_105 : memref<1x8x128xf32, #tpu.memory_space<vmem>> -> memref<8x128xf32, #tpu.memory_space<vmem>>
    tpu.enqueue_dma source(%dma_start3A_106 : memref<8x128xf32, #tpu.memory_space<vmem>>) target(%dma_start3A_102 : memref<8x128xf32, #tpu.memory_space<hbm>>) target_semaphore(%arg9 : memref<!tpu.dma_semaphore, #tpu.memory_space<semaphore_mem>>)
    %dma_start3A_107 = arith.constant 1 : i32
    %dma_start3A_108 = arith.constant 3 : i32
    %dma_start3A_109 = arith.constant 24 : i32
    %dma_start3A_110 = arith.constant 0 : i32
    %dma_start3A_111 = tpu.memref_slice %arg7[%dma_start3A_107, %dma_start3A_109, %dma_start3A_110] : memref<2x32x128xf32, #tpu.memory_space<vmem>> -> memref<1x8x128xf32, #tpu.memory_space<vmem>>
    %dma_start3A_112 = tpu.memref_squeeze %dma_start3A_111 : memref<1x8x128xf32, #tpu.memory_space<vmem>> -> memref<8x128xf32, #tpu.memory_space<vmem>>
    %dma_start3A_113 = arith.constant 0 : i32
    %dma_start3A_114 = arith.constant 0 : i32
    %dma_start3A_115 = tpu.memref_slice %arg4[%select_n3A, %dma_start3A_108, %sub3A_52, %dma_start3A_113, %dma_start3A_114] : memref<26x4x128x8x128xf32, #tpu.memory_space<hbm>> -> memref<1x1x1x8x128xf32, #tpu.memory_space<hbm>>
    %dma_start3A_116 = tpu.memref_squeeze %dma_start3A_115 : memref<1x1x1x8x128xf32, #tpu.memory_space<hbm>> -> memref<8x128xf32, #tpu.memory_space<hbm>>
    %dma_start3A_117 = arith.constant 0 : i32
    %dma_start3A_118 = arith.constant 0 : i32
    %dma_start3A_119 = tpu.memref_slice %arg4[%select_n3A, %dma_start3A_108, %sub3A_52, %dma_start3A_117, %dma_start3A_118] : memref<26x4x128x8x128xf32, #tpu.memory_space<hbm>> -> memref<1x1x1x8x128xf32, #tpu.memory_space<hbm>>
    %dma_start3A_120 = tpu.memref_squeeze %dma_start3A_119 : memref<1x1x1x8x128xf32, #tpu.memory_space<hbm>> -> memref<8x128xf32, #tpu.memory_space<hbm>>
    %dma_start3A_121 = arith.constant 24 : i32
    %dma_start3A_122 = arith.constant 0 : i32
    %dma_start3A_123 = tpu.memref_slice %arg7[%dma_start3A_107, %dma_start3A_121, %dma_start3A_122] : memref<2x32x128xf32, #tpu.memory_space<vmem>> -> memref<1x8x128xf32, #tpu.memory_space<vmem>>
    %dma_start3A_124 = tpu.memref_squeeze %dma_start3A_123 : memref<1x8x128xf32, #tpu.memory_space<vmem>> -> memref<8x128xf32, #tpu.memory_space<vmem>>
    tpu.enqueue_dma source(%dma_start3A_124 : memref<8x128xf32, #tpu.memory_space<vmem>>) target(%dma_start3A_120 : memref<8x128xf32, #tpu.memory_space<hbm>>) target_semaphore(%arg9 : memref<!tpu.dma_semaphore, #tpu.memory_space<semaphore_mem>>)
    %add3A_125 = arith.constant 102 : i32
    %add3A_126 = arith.addi %mul3A_2, %add3A_125 : i32
    %jit3A_127 = arith.constant 128 : i32
    %div3A_128 = arith.divsi %add3A_126, %jit3A_127 : i32
    %sign3A_129 = arith.constant 0 : i32
    %sign3A_130 = arith.cmpi sgt, %add3A_126, %sign3A_129 : i32
    %sign3A_131 = arith.extui %sign3A_130 : i1 to i32
    %sign3A_132 = arith.constant 0 : i32
    %sign3A_133 = arith.cmpi slt, %add3A_126, %sign3A_132 : i32
    %sign3A_134 = arith.extui %sign3A_133 : i1 to i32
    %sign3A_135 = arith.subi %sign3A_131, %sign3A_134 : i32
    %sign3A_136 = arith.constant 0 : i32
    %sign3A_137 = arith.cmpi sgt, %jit3A_127, %sign3A_136 : i32
    %sign3A_138 = arith.extui %sign3A_137 : i1 to i32
    %sign3A_139 = arith.constant 0 : i32
    %sign3A_140 = arith.cmpi slt, %jit3A_127, %sign3A_139 : i32
    %sign3A_141 = arith.extui %sign3A_140 : i1 to i32
    %sign3A_142 = arith.subi %sign3A_138, %sign3A_141 : i32
    %ne3A_143 = arith.cmpi ne, %sign3A_135, %sign3A_142 : i32
    %rem3A_144 = arith.remsi %add3A_126, %jit3A_127 : i32
    %ne3A_145 = arith.constant 0 : i32
    %ne3A_146 = arith.cmpi ne, %rem3A_144, %ne3A_145 : i32
    %and3A_147 = arith.andi %ne3A_143, %ne3A_146 : i1
    %sub3A_148 = arith.constant 1 : i32
    %sub3A_149 = arith.subi %div3A_128, %sub3A_148 : i32
    %select_n3A_150 = arith.select %and3A_147, %sub3A_149, %div3A_128 : i32
    %mul3A_151 = arith.constant 128 : i32
    %mul3A_152 = arith.muli %select_n3A_150, %mul3A_151 : i32
    %sub3A_153 = arith.subi %add3A_126, %mul3A_152 : i32
    %dma_wait3A_154 = arith.constant 0 : i32
    %dma_wait3A_155 = arith.constant 0 : i32
    %dma_wait3A_156 = arith.constant 0 : i32
    %dma_wait3A_157 = arith.constant 0 : i32
    %dma_wait3A_158 = tpu.memref_slice %arg7[%dma_wait3A_154, %dma_wait3A_156, %dma_wait3A_157] : memref<2x32x128xf32, #tpu.memory_space<vmem>> -> memref<1x8x128xf32, #tpu.memory_space<vmem>>
    %dma_wait3A_159 = tpu.memref_squeeze %dma_wait3A_158 : memref<1x8x128xf32, #tpu.memory_space<vmem>> -> memref<8x128xf32, #tpu.memory_space<vmem>>
    %dma_wait3A_160 = arith.constant 0 : i32
    %dma_wait3A_161 = arith.constant 0 : i32
    %dma_wait3A_162 = tpu.memref_slice %arg4[%select_n3A_150, %dma_wait3A_155, %sub3A_153, %dma_wait3A_160, %dma_wait3A_161] : memref<26x4x128x8x128xf32, #tpu.memory_space<hbm>> -> memref<1x1x1x8x128xf32, #tpu.memory_space<hbm>>
    %dma_wait3A_163 = tpu.memref_squeeze %dma_wait3A_162 : memref<1x1x1x8x128xf32, #tpu.memory_space<hbm>> -> memref<8x128xf32, #tpu.memory_space<hbm>>
    %dma_wait3A_164 = arith.constant 0 : i32
    %dma_wait3A_165 = arith.constant 0 : i32
    %dma_wait3A_166 = tpu.memref_slice %arg4[%select_n3A_150, %dma_wait3A_155, %sub3A_153, %dma_wait3A_164, %dma_wait3A_165] : memref<26x4x128x8x128xf32, #tpu.memory_space<hbm>> -> memref<1x1x1x8x128xf32, #tpu.memory_space<hbm>>
    %dma_wait3A_167 = tpu.memref_squeeze %dma_wait3A_166 : memref<1x1x1x8x128xf32, #tpu.memory_space<hbm>> -> memref<8x128xf32, #tpu.memory_space<hbm>>
    %dma_wait3A_168 = arith.constant 0 : i32
    %dma_wait3A_169 = arith.constant 0 : i32
    %dma_wait3A_170 = tpu.memref_slice %arg7[%dma_wait3A_154, %dma_wait3A_168, %dma_wait3A_169] : memref<2x32x128xf32, #tpu.memory_space<vmem>> -> memref<1x8x128xf32, #tpu.memory_space<vmem>>
    %dma_wait3A_171 = tpu.memref_squeeze %dma_wait3A_170 : memref<1x8x128xf32, #tpu.memory_space<vmem>> -> memref<8x128xf32, #tpu.memory_space<vmem>>
    tpu.wait_dma2 semaphore(%arg9 : memref<!tpu.dma_semaphore, #tpu.memory_space<semaphore_mem>>) src(%dma_wait3A_171 : memref<8x128xf32, #tpu.memory_space<vmem>>) dst(%dma_wait3A_167 : memref<8x128xf32, #tpu.memory_space<hbm>>)
    %dma_wait3A_172 = arith.constant 0 : i32
    %dma_wait3A_173 = arith.constant 1 : i32
    %dma_wait3A_174 = arith.constant 8 : i32
    %dma_wait3A_175 = arith.constant 0 : i32
    %dma_wait3A_176 = tpu.memref_slice %arg7[%dma_wait3A_172, %dma_wait3A_174, %dma_wait3A_175] : memref<2x32x128xf32, #tpu.memory_space<vmem>> -> memref<1x8x128xf32, #tpu.memory_space<vmem>>
    %dma_wait3A_177 = tpu.memref_squeeze %dma_wait3A_176 : memref<1x8x128xf32, #tpu.memory_space<vmem>> -> memref<8x128xf32, #tpu.memory_space<vmem>>
    %dma_wait3A_178 = arith.constant 0 : i32
    %dma_wait3A_179 = arith.constant 0 : i32
    %dma_wait3A_180 = tpu.memref_slice %arg4[%select_n3A_150, %dma_wait3A_173, %sub3A_153, %dma_wait3A_178, %dma_wait3A_179] : memref<26x4x128x8x128xf32, #tpu.memory_space<hbm>> -> memref<1x1x1x8x128xf32, #tpu.memory_space<hbm>>
    %dma_wait3A_181 = tpu.memref_squeeze %dma_wait3A_180 : memref<1x1x1x8x128xf32, #tpu.memory_space<hbm>> -> memref<8x128xf32, #tpu.memory_space<hbm>>
    %dma_wait3A_182 = arith.constant 0 : i32
    %dma_wait3A_183 = arith.constant 0 : i32
    %dma_wait3A_184 = tpu.memref_slice %arg4[%select_n3A_150, %dma_wait3A_173, %sub3A_153, %dma_wait3A_182, %dma_wait3A_183] : memref<26x4x128x8x128xf32, #tpu.memory_space<hbm>> -> memref<1x1x1x8x128xf32, #tpu.memory_space<hbm>>
    %dma_wait3A_185 = tpu.memref_squeeze %dma_wait3A_184 : memref<1x1x1x8x128xf32, #tpu.memory_space<hbm>> -> memref<8x128xf32, #tpu.memory_space<hbm>>
    %dma_wait3A_186 = arith.constant 8 : i32
    %dma_wait3A_187 = arith.constant 0 : i32
    %dma_wait3A_188 = tpu.memref_slice %arg7[%dma_wait3A_172, %dma_wait3A_186, %dma_wait3A_187] : memref<2x32x128xf32, #tpu.memory_space<vmem>> -> memref<1x8x128xf32, #tpu.memory_space<vmem>>
    %dma_wait3A_189 = tpu.memref_squeeze %dma_wait3A_188 : memref<1x8x128xf32, #tpu.memory_space<vmem>> -> memref<8x128xf32, #tpu.memory_space<vmem>>
    tpu.wait_dma2 semaphore(%arg9 : memref<!tpu.dma_semaphore, #tpu.memory_space<semaphore_mem>>) src(%dma_wait3A_189 : memref<8x128xf32, #tpu.memory_space<vmem>>) dst(%dma_wait3A_185 : memref<8x128xf32, #tpu.memory_space<hbm>>)
    %dma_wait3A_190 = arith.constant 0 : i32
    %dma_wait3A_191 = arith.constant 2 : i32
    %dma_wait3A_192 = arith.constant 16 : i32
    %dma_wait3A_193 = arith.constant 0 : i32
    %dma_wait3A_194 = tpu.memref_slice %arg7[%dma_wait3A_190, %dma_wait3A_192, %dma_wait3A_193] : memref<2x32x128xf32, #tpu.memory_space<vmem>> -> memref<1x8x128xf32, #tpu.memory_space<vmem>>
    %dma_wait3A_195 = tpu.memref_squeeze %dma_wait3A_194 : memref<1x8x128xf32, #tpu.memory_space<vmem>> -> memref<8x128xf32, #tpu.memory_space<vmem>>
    %dma_wait3A_196 = arith.constant 0 : i32
    %dma_wait3A_197 = arith.constant 0 : i32
    %dma_wait3A_198 = tpu.memref_slice %arg4[%select_n3A_150, %dma_wait3A_191, %sub3A_153, %dma_wait3A_196, %dma_wait3A_197] : memref<26x4x128x8x128xf32, #tpu.memory_space<hbm>> -> memref<1x1x1x8x128xf32, #tpu.memory_space<hbm>>
    %dma_wait3A_199 = tpu.memref_squeeze %dma_wait3A_198 : memref<1x1x1x8x128xf32, #tpu.memory_space<hbm>> -> memref<8x128xf32, #tpu.memory_space<hbm>>
    %dma_wait3A_200 = arith.constant 0 : i32
    %dma_wait3A_201 = arith.constant 0 : i32
    %dma_wait3A_202 = tpu.memref_slice %arg4[%select_n3A_150, %dma_wait3A_191, %sub3A_153, %dma_wait3A_200, %dma_wait3A_201] : memref<26x4x128x8x128xf32, #tpu.memory_space<hbm>> -> memref<1x1x1x8x128xf32, #tpu.memory_space<hbm>>
    %dma_wait3A_203 = tpu.memref_squeeze %dma_wait3A_202 : memref<1x1x1x8x128xf32, #tpu.memory_space<hbm>> -> memref<8x128xf32, #tpu.memory_space<hbm>>
    %dma_wait3A_204 = arith.constant 16 : i32
    %dma_wait3A_205 = arith.constant 0 : i32
    %dma_wait3A_206 = tpu.memref_slice %arg7[%dma_wait3A_190, %dma_wait3A_204, %dma_wait3A_205] : memref<2x32x128xf32, #tpu.memory_space<vmem>> -> memref<1x8x128xf32, #tpu.memory_space<vmem>>
    %dma_wait3A_207 = tpu.memref_squeeze %dma_wait3A_206 : memref<1x8x128xf32, #tpu.memory_space<vmem>> -> memref<8x128xf32, #tpu.memory_space<vmem>>
    tpu.wait_dma2 semaphore(%arg9 : memref<!tpu.dma_semaphore, #tpu.memory_space<semaphore_mem>>) src(%dma_wait3A_207 : memref<8x128xf32, #tpu.memory_space<vmem>>) dst(%dma_wait3A_203 : memref<8x128xf32, #tpu.memory_space<hbm>>)
    %dma_wait3A_208 = arith.constant 0 : i32
    %dma_wait3A_209 = arith.constant 3 : i32
    %dma_wait3A_210 = arith.constant 24 : i32
    %dma_wait3A_211 = arith.constant 0 : i32
    %dma_wait3A_212 = tpu.memref_slice %arg7[%dma_wait3A_208, %dma_wait3A_210, %dma_wait3A_211] : memref<2x32x128xf32, #tpu.memory_space<vmem>> -> memref<1x8x128xf32, #tpu.memory_space<vmem>>
    %dma_wait3A_213 = tpu.memref_squeeze %dma_wait3A_212 : memref<1x8x128xf32, #tpu.memory_space<vmem>> -> memref<8x128xf32, #tpu.memory_space<vmem>>
    %dma_wait3A_214 = arith.constant 0 : i32
    %dma_wait3A_215 = arith.constant 0 : i32
    %dma_wait3A_216 = tpu.memref_slice %arg4[%select_n3A_150, %dma_wait3A_209, %sub3A_153, %dma_wait3A_214, %dma_wait3A_215] : memref<26x4x128x8x128xf32, #tpu.memory_space<hbm>> -> memref<1x1x1x8x128xf32, #tpu.memory_space<hbm>>
    %dma_wait3A_217 = tpu.memref_squeeze %dma_wait3A_216 : memref<1x1x1x8x128xf32, #tpu.memory_space<hbm>> -> memref<8x128xf32, #tpu.memory_space<hbm>>
    %dma_wait3A_218 = arith.constant 0 : i32
    %dma_wait3A_219 = arith.constant 0 : i32
    %dma_wait3A_220 = tpu.memref_slice %arg4[%select_n3A_150, %dma_wait3A_209, %sub3A_153, %dma_wait3A_218, %dma_wait3A_219] : memref<26x4x128x8x128xf32, #tpu.memory_space<hbm>> -> memref<1x1x1x8x128xf32, #tpu.memory_space<hbm>>
    %dma_wait3A_221 = tpu.memref_squeeze %dma_wait3A_220 : memref<1x1x1x8x128xf32, #tpu.memory_space<hbm>> -> memref<8x128xf32, #tpu.memory_space<hbm>>
    %dma_wait3A_222 = arith.constant 24 : i32
    %dma_wait3A_223 = arith.constant 0 : i32
    %dma_wait3A_224 = tpu.memref_slice %arg7[%dma_wait3A_208, %dma_wait3A_222, %dma_wait3A_223] : memref<2x32x128xf32, #tpu.memory_space<vmem>> -> memref<1x8x128xf32, #tpu.memory_space<vmem>>
    %dma_wait3A_225 = tpu.memref_squeeze %dma_wait3A_224 : memref<1x8x128xf32, #tpu.memory_space<vmem>> -> memref<8x128xf32, #tpu.memory_space<vmem>>
    tpu.wait_dma2 semaphore(%arg9 : memref<!tpu.dma_semaphore, #tpu.memory_space<semaphore_mem>>) src(%dma_wait3A_225 : memref<8x128xf32, #tpu.memory_space<vmem>>) dst(%dma_wait3A_221 : memref<8x128xf32, #tpu.memory_space<hbm>>)
    %add3A_226 = arith.constant 103 : i32
    %add3A_227 = arith.addi %mul3A_2, %add3A_226 : i32
    %jit3A_228 = arith.constant 128 : i32
    %div3A_229 = arith.divsi %add3A_227, %jit3A_228 : i32
    %sign3A_230 = arith.constant 0 : i32
    %sign3A_231 = arith.cmpi sgt, %add3A_227, %sign3A_230 : i32
    %sign3A_232 = arith.extui %sign3A_231 : i1 to i32
    %sign3A_233 = arith.constant 0 : i32
    %sign3A_234 = arith.cmpi slt, %add3A_227, %sign3A_233 : i32
    %sign3A_235 = arith.extui %sign3A_234 : i1 to i32
    %sign3A_236 = arith.subi %sign3A_232, %sign3A_235 : i32
    %sign3A_237 = arith.constant 0 : i32
    %sign3A_238 = arith.cmpi sgt, %jit3A_228, %sign3A_237 : i32
    %sign3A_239 = arith.extui %sign3A_238 : i1 to i32
    %sign3A_240 = arith.constant 0 : i32
    %sign3A_241 = arith.cmpi slt, %jit3A_228, %sign3A_240 : i32
    %sign3A_242 = arith.extui %sign3A_241 : i1 to i32
    %sign3A_243 = arith.subi %sign3A_239, %sign3A_242 : i32
    %ne3A_244 = arith.cmpi ne, %sign3A_236, %sign3A_243 : i32
    %rem3A_245 = arith.remsi %add3A_227, %jit3A_228 : i32
    %ne3A_246 = arith.constant 0 : i32
    %ne3A_247 = arith.cmpi ne, %rem3A_245, %ne3A_246 : i32
    %and3A_248 = arith.andi %ne3A_244, %ne3A_247 : i1
    %sub3A_249 = arith.constant 1 : i32
    %sub3A_250 = arith.subi %div3A_229, %sub3A_249 : i32
    %select_n3A_251 = arith.select %and3A_248, %sub3A_250, %div3A_229 : i32
    %mul3A_252 = arith.constant 128 : i32
    %mul3A_253 = arith.muli %select_n3A_251, %mul3A_252 : i32
    %sub3A_254 = arith.subi %add3A_227, %mul3A_253 : i32
    %dma_wait3A_255 = arith.constant 1 : i32
    %dma_wait3A_256 = arith.constant 0 : i32
    %dma_wait3A_257 = arith.constant 0 : i32
    %dma_wait3A_258 = arith.constant 0 : i32
    %dma_wait3A_259 = tpu.memref_slice %arg7[%dma_wait3A_255, %dma_wait3A_257, %dma_wait3A_258] : memref<2x32x128xf32, #tpu.memory_space<vmem>> -> memref<1x8x128xf32, #tpu.memory_space<vmem>>
    %dma_wait3A_260 = tpu.memref_squeeze %dma_wait3A_259 : memref<1x8x128xf32, #tpu.memory_space<vmem>> -> memref<8x128xf32, #tpu.memory_space<vmem>>
    %dma_wait3A_261 = arith.constant 0 : i32
    %dma_wait3A_262 = arith.constant 0 : i32
    %dma_wait3A_263 = tpu.memref_slice %arg4[%select_n3A_251, %dma_wait3A_256, %sub3A_254, %dma_wait3A_261, %dma_wait3A_262] : memref<26x4x128x8x128xf32, #tpu.memory_space<hbm>> -> memref<1x1x1x8x128xf32, #tpu.memory_space<hbm>>
    %dma_wait3A_264 = tpu.memref_squeeze %dma_wait3A_263 : memref<1x1x1x8x128xf32, #tpu.memory_space<hbm>> -> memref<8x128xf32, #tpu.memory_space<hbm>>
    %dma_wait3A_265 = arith.constant 0 : i32
    %dma_wait3A_266 = arith.constant 0 : i32
    %dma_wait3A_267 = tpu.memref_slice %arg4[%select_n3A_251, %dma_wait3A_256, %sub3A_254, %dma_wait3A_265, %dma_wait3A_266] : memref<26x4x128x8x128xf32, #tpu.memory_space<hbm>> -> memref<1x1x1x8x128xf32, #tpu.memory_space<hbm>>
    %dma_wait3A_268 = tpu.memref_squeeze %dma_wait3A_267 : memref<1x1x1x8x128xf32, #tpu.memory_space<hbm>> -> memref<8x128xf32, #tpu.memory_space<hbm>>
    %dma_wait3A_269 = arith.constant 0 : i32
    %dma_wait3A_270 = arith.constant 0 : i32
    %dma_wait3A_271 = tpu.memref_slice %arg7[%dma_wait3A_255, %dma_wait3A_269, %dma_wait3A_270] : memref<2x32x128xf32, #tpu.memory_space<vmem>> -> memref<1x8x128xf32, #tpu.memory_space<vmem>>
    %dma_wait3A_272 = tpu.memref_squeeze %dma_wait3A_271 : memref<1x8x128xf32, #tpu.memory_space<vmem>> -> memref<8x128xf32, #tpu.memory_space<vmem>>
    tpu.wait_dma2 semaphore(%arg9 : memref<!tpu.dma_semaphore, #tpu.memory_space<semaphore_mem>>) src(%dma_wait3A_272 : memref<8x128xf32, #tpu.memory_space<vmem>>) dst(%dma_wait3A_268 : memref<8x128xf32, #tpu.memory_space<hbm>>)
    %dma_wait3A_273 = arith.constant 1 : i32
    %dma_wait3A_274 = arith.constant 1 : i32
    %dma_wait3A_275 = arith.constant 8 : i32
    %dma_wait3A_276 = arith.constant 0 : i32
    %dma_wait3A_277 = tpu.memref_slice %arg7[%dma_wait3A_273, %dma_wait3A_275, %dma_wait3A_276] : memref<2x32x128xf32, #tpu.memory_space<vmem>> -> memref<1x8x128xf32, #tpu.memory_space<vmem>>
    %dma_wait3A_278 = tpu.memref_squeeze %dma_wait3A_277 : memref<1x8x128xf32, #tpu.memory_space<vmem>> -> memref<8x128xf32, #tpu.memory_space<vmem>>
    %dma_wait3A_279 = arith.constant 0 : i32
    %dma_wait3A_280 = arith.constant 0 : i32
    %dma_wait3A_281 = tpu.memref_slice %arg4[%select_n3A_251, %dma_wait3A_274, %sub3A_254, %dma_wait3A_279, %dma_wait3A_280] : memref<26x4x128x8x128xf32, #tpu.memory_space<hbm>> -> memref<1x1x1x8x128xf32, #tpu.memory_space<hbm>>
    %dma_wait3A_282 = tpu.memref_squeeze %dma_wait3A_281 : memref<1x1x1x8x128xf32, #tpu.memory_space<hbm>> -> memref<8x128xf32, #tpu.memory_space<hbm>>
    %dma_wait3A_283 = arith.constant 0 : i32
    %dma_wait3A_284 = arith.constant 0 : i32
    %dma_wait3A_285 = tpu.memref_slice %arg4[%select_n3A_251, %dma_wait3A_274, %sub3A_254, %dma_wait3A_283, %dma_wait3A_284] : memref<26x4x128x8x128xf32, #tpu.memory_space<hbm>> -> memref<1x1x1x8x128xf32, #tpu.memory_space<hbm>>
    %dma_wait3A_286 = tpu.memref_squeeze %dma_wait3A_285 : memref<1x1x1x8x128xf32, #tpu.memory_space<hbm>> -> memref<8x128xf32, #tpu.memory_space<hbm>>
    %dma_wait3A_287 = arith.constant 8 : i32
    %dma_wait3A_288 = arith.constant 0 : i32
    %dma_wait3A_289 = tpu.memref_slice %arg7[%dma_wait3A_273, %dma_wait3A_287, %dma_wait3A_288] : memref<2x32x128xf32, #tpu.memory_space<vmem>> -> memref<1x8x128xf32, #tpu.memory_space<vmem>>
    %dma_wait3A_290 = tpu.memref_squeeze %dma_wait3A_289 : memref<1x8x128xf32, #tpu.memory_space<vmem>> -> memref<8x128xf32, #tpu.memory_space<vmem>>
    tpu.wait_dma2 semaphore(%arg9 : memref<!tpu.dma_semaphore, #tpu.memory_space<semaphore_mem>>) src(%dma_wait3A_290 : memref<8x128xf32, #tpu.memory_space<vmem>>) dst(%dma_wait3A_286 : memref<8x128xf32, #tpu.memory_space<hbm>>)
    %dma_wait3A_291 = arith.constant 1 : i32
    %dma_wait3A_292 = arith.constant 2 : i32
    %dma_wait3A_293 = arith.constant 16 : i32
    %dma_wait3A_294 = arith.constant 0 : i32
    %dma_wait3A_295 = tpu.memref_slice %arg7[%dma_wait3A_291, %dma_wait3A_293, %dma_wait3A_294] : memref<2x32x128xf32, #tpu.memory_space<vmem>> -> memref<1x8x128xf32, #tpu.memory_space<vmem>>
    %dma_wait3A_296 = tpu.memref_squeeze %dma_wait3A_295 : memref<1x8x128xf32, #tpu.memory_space<vmem>> -> memref<8x128xf32, #tpu.memory_space<vmem>>
    %dma_wait3A_297 = arith.constant 0 : i32
    %dma_wait3A_298 = arith.constant 0 : i32
    %dma_wait3A_299 = tpu.memref_slice %arg4[%select_n3A_251, %dma_wait3A_292, %sub3A_254, %dma_wait3A_297, %dma_wait3A_298] : memref<26x4x128x8x128xf32, #tpu.memory_space<hbm>> -> memref<1x1x1x8x128xf32, #tpu.memory_space<hbm>>
    %dma_wait3A_300 = tpu.memref_squeeze %dma_wait3A_299 : memref<1x1x1x8x128xf32, #tpu.memory_space<hbm>> -> memref<8x128xf32, #tpu.memory_space<hbm>>
    %dma_wait3A_301 = arith.constant 0 : i32
    %dma_wait3A_302 = arith.constant 0 : i32
    %dma_wait3A_303 = tpu.memref_slice %arg4[%select_n3A_251, %dma_wait3A_292, %sub3A_254, %dma_wait3A_301, %dma_wait3A_302] : memref<26x4x128x8x128xf32, #tpu.memory_space<hbm>> -> memref<1x1x1x8x128xf32, #tpu.memory_space<hbm>>
    %dma_wait3A_304 = tpu.memref_squeeze %dma_wait3A_303 : memref<1x1x1x8x128xf32, #tpu.memory_space<hbm>> -> memref<8x128xf32, #tpu.memory_space<hbm>>
    %dma_wait3A_305 = arith.constant 16 : i32
    %dma_wait3A_306 = arith.constant 0 : i32
    %dma_wait3A_307 = tpu.memref_slice %arg7[%dma_wait3A_291, %dma_wait3A_305, %dma_wait3A_306] : memref<2x32x128xf32, #tpu.memory_space<vmem>> -> memref<1x8x128xf32, #tpu.memory_space<vmem>>
    %dma_wait3A_308 = tpu.memref_squeeze %dma_wait3A_307 : memref<1x8x128xf32, #tpu.memory_space<vmem>> -> memref<8x128xf32, #tpu.memory_space<vmem>>
    tpu.wait_dma2 semaphore(%arg9 : memref<!tpu.dma_semaphore, #tpu.memory_space<semaphore_mem>>) src(%dma_wait3A_308 : memref<8x128xf32, #tpu.memory_space<vmem>>) dst(%dma_wait3A_304 : memref<8x128xf32, #tpu.memory_space<hbm>>)
    %dma_wait3A_309 = arith.constant 1 : i32
    %dma_wait3A_310 = arith.constant 3 : i32
    %dma_wait3A_311 = arith.constant 24 : i32
    %dma_wait3A_312 = arith.constant 0 : i32
    %dma_wait3A_313 = tpu.memref_slice %arg7[%dma_wait3A_309, %dma_wait3A_311, %dma_wait3A_312] : memref<2x32x128xf32, #tpu.memory_space<vmem>> -> memref<1x8x128xf32, #tpu.memory_space<vmem>>
    %dma_wait3A_314 = tpu.memref_squeeze %dma_wait3A_313 : memref<1x8x128xf32, #tpu.memory_space<vmem>> -> memref<8x128xf32, #tpu.memory_space<vmem>>
    %dma_wait3A_315 = arith.constant 0 : i32
    %dma_wait3A_316 = arith.constant 0 : i32
    %dma_wait3A_317 = tpu.memref_slice %arg4[%select_n3A_251, %dma_wait3A_310, %sub3A_254, %dma_wait3A_315, %dma_wait3A_316] : memref<26x4x128x8x128xf32, #tpu.memory_space<hbm>> -> memref<1x1x1x8x128xf32, #tpu.memory_space<hbm>>
    %dma_wait3A_318 = tpu.memref_squeeze %dma_wait3A_317 : memref<1x1x1x8x128xf32, #tpu.memory_space<hbm>> -> memref<8x128xf32, #tpu.memory_space<hbm>>
    %dma_wait3A_319 = arith.constant 0 : i32
    %dma_wait3A_320 = arith.constant 0 : i32
    %dma_wait3A_321 = tpu.memref_slice %arg4[%select_n3A_251, %dma_wait3A_310, %sub3A_254, %dma_wait3A_319, %dma_wait3A_320] : memref<26x4x128x8x128xf32, #tpu.memory_space<hbm>> -> memref<1x1x1x8x128xf32, #tpu.memory_space<hbm>>
    %dma_wait3A_322 = tpu.memref_squeeze %dma_wait3A_321 : memref<1x1x1x8x128xf32, #tpu.memory_space<hbm>> -> memref<8x128xf32, #tpu.memory_space<hbm>>
    %dma_wait3A_323 = arith.constant 24 : i32
    %dma_wait3A_324 = arith.constant 0 : i32
    %dma_wait3A_325 = tpu.memref_slice %arg7[%dma_wait3A_309, %dma_wait3A_323, %dma_wait3A_324] : memref<2x32x128xf32, #tpu.memory_space<vmem>> -> memref<1x8x128xf32, #tpu.memory_space<vmem>>
    %dma_wait3A_326 = tpu.memref_squeeze %dma_wait3A_325 : memref<1x8x128xf32, #tpu.memory_space<vmem>> -> memref<8x128xf32, #tpu.memory_space<vmem>>
    tpu.wait_dma2 semaphore(%arg9 : memref<!tpu.dma_semaphore, #tpu.memory_space<semaphore_mem>>) src(%dma_wait3A_326 : memref<8x128xf32, #tpu.memory_space<vmem>>) dst(%dma_wait3A_322 : memref<8x128xf32, #tpu.memory_space<hbm>>)
    return
  }
}

</mosaic_0001>

<sc_bundles>
// kernel: kernel.4.cloned.1.call-start
scs
__scs_entry_jumppad:
0x0: {  	(pc) =	sbr.rel $0x88, $3  }
0x1: {  	(tag) =	ssettag $0x0;
	lr =	simm.s32 $0x1  }
0x2: {  	[smem:$0x3F9F] =	sst lr;
	_ =	strace $0xD0000000  }
0x3: {  	_ = 	snop  }
0x4: {  	_ = 	snop  }
0x5: {  	_ = 	snop  }
0x6: {  	_ = 	snop  }
0x7: {  	_ = 	snop  }
__scs_overlays_trampoline_lowered:
0x8: {  	[smem:$0x3FAE] =	sst s0  }
0x9: {  	[smem:$0x3FAF] =	sst s1  }
0xa: {  	[smem:$0x3FB0] =	sst s2  }
0xb: {  	[smem:$0x3FB1] =	sst s3  }
0xc: {  	[smem:$0x3FB2] =	sst s4  }
0xd: {  	[smem:$0x3FB3] =	sst s5  }
0xe: {  	[smem:$0x3FB4] =	sst s6  }
0xf: {  	[smem:$0x3FB5] =	sst s7  }
0x10: {  	[smem:$0x3FB6] =	sst s8  }
0x11: {  	[smem:$0x3FB7] =	sst s9;
	s0 =	simm.s32 @!p0 $0x0  }
0x12: {  	s1 =	sld [smem:$0x3F9D];
	s0 =	simm.s32 @p0 $0x1  }
0x13: {  	[smem:$0x3FB8] =	sst s0;
	s0 =	simm.s32 @!p1 $0x0  }
0x14: {  	s2 =	sld [smem:$0x3F9C];
	s0 =	simm.s32 @p1 $0x1  }
0x15: {  	[smem:$0x3FB9] =	sst s0;
	s0 =	simm.s32 @!p2 $0x0  }
0x16: {  	s3 =	sld [smem:$0x3FDB];
	s0 =	simm.s32 @p2 $0x1  }
0x17: {  	s4 =	simm.s32 $0x1BF5;
	[smem:$0x3FBB] =	sst s0  }
0x18: {  	s0 =	sld [smem:$0x3F9E];
	_ =	swait.ge [sflag:s4], $0x0  }
0x19: {  	s7 =	sld [smem:$0x3F9F]  }
0x1a: {  	s8 =	sadd.s32 $0xFFFFE003, lr  }
0x1b: {  	s9 =	sadd.s32 $0xFFFFFEF7, lr;
	s5 =	simm.s32 $0xFFFFFFFF;
	p2 =	slt.u32 s8, $0xFFFFF086  }
0x1c: {  	p1 =	slt.u32 s9, $0xF7A;
	s5 =	simm.s32 @!p2 $0x0  }
0x1d: {  	s5 =	simm.s32 @p1 $0x1;
	p0 =	seq.s32 s7, s2  }
0x1e: {  	s7 =	smul.u32 @!p0 $0xF7A, s2;
	p2 =	seq.s32 @!p0 s5, $0x0  }
0x1f: {  	s9 =	smul.u32 $0xF7A, s1;
	s8 =	simm.s32 @!p0 $0x1BF5;
	p2 =	por !p2, p0  }
0x20: {  	[sflag:s8] =	ssyncset.s32 @!p0 $0xFFFFF086;
	s6 =	sadd.s32 @!p0 s3, s7;
	s7 =	simm.s32 @!p0 $0x108  }
0x21: {  	s3 =	sadd.s32 s3, s9;
	s6 =	sadd.s32 @!p0 $0x88, s6;
	s7 =	simm.s32 @p2 $0x1082  }
0x22: {  	[simem:s7], [sflag:s8] =	dma.local @!p0 [hbm:s6], $0xF7A  }
0x23: {  	s9 =	sor.u32 $0xD0000000, s2;
	s6 =	simm.s32 $0x108;
	_ =	swait.ge @!p0 [sflag:s8], $0x0  }
0x24: {  	s3 =	sadd.s32 $0x88, s3;
	s6 =	simm.s32 @!p1 $0x1082;
	[sflag:s4] =	ssyncset.s32 $0xFFFFF086  }
0x25: {  	[simem:s6], [sflag:s4] =	dma.local [hbm:s3], $0xF7A  }
0x26: {  	[smem:$0x3F9F] =	sst s1;
	(tag) =	ssettag s2;
	_ =	strace s9  }
0x27: {  	s1 =	sld [smem:$0x3FAF]  }
0x28: {  	s2 =	sld [smem:$0x3FB0]  }
0x29: {  	s4 =	sld [smem:$0x3FB2]  }
0x2a: {  	p0 =	seq.s32 s5, $0x0;
	s5 =	sld [smem:$0x3FB3]  }
0x2b: {  	s6 =	sld [smem:$0x3FB4]  }
0x2c: {  	s7 =	sld [smem:$0x3FB5]  }
0x2d: {  	s3 =	simm.s32 $0x108;
	s8 =	sld [smem:$0x3FB6]  }
0x2e: {  	s3 =	simm.s32 @!p0 $0x1082;
	s9 =	sld [smem:$0x3FB7]  }
0x2f: {  	lr =	sadd.s32 s0, s3;
	s0 =	sld [smem:$0x3FAE]  }
0x30: {  	s3 =	sld [smem:$0x3FB1]  }
0x31: {  	[smem:$0x3FBA] =	sst s10  }
0x32: {  	s10 =	sld [smem:$0x3FB8];
	_ =	sdelay $0x3  }
0x33: {  	p0 =	seq.s32 s10, $0x1;
	s10 =	sld [smem:$0x3FBA];
	_ =	sdelay $0x3  }
0x34: {  	[smem:$0x3FBA] =	sst s10  }
0x35: {  	s10 =	sld [smem:$0x3FB9];
	_ =	sdelay $0x3  }
0x36: {  	p1 =	seq.s32 s10, $0x1;
	s10 =	sld [smem:$0x3FBA];
	_ =	sdelay $0x3  }
0x37: {  	[smem:$0x3FBA] =	sst s10  }
0x38: {  	s10 =	sld [smem:$0x3FBB]  }
0x39: {  	_ = 	snop;
	(pc) =	sbr.ind lr, $3  }
0x3a: {  	_ = 	snop  }
0x3b: {  	_ = 	snop  }
0x3c: {  	p2 =	seq.s32 s10, $0x1;
	s10 =	sld [smem:$0x3FBA]  }
0x3d: {  	_ =	shalt  }
0x3e: {  	_ =	shalt  }
0x3f: {  	_ =	shalt  }
0x40: {  	_ =	shalt  }
0x41: {  	_ =	shalt  }
0x42: {  	_ =	shalt  }
0x43: {  	_ =	shalt  }
0x44: {  	_ =	shalt  }
0x45: {  	_ =	shalt  }
0x46: {  	_ =	shalt  }
0x47: {  	_ =	shalt  }
0x48: {  	_ =	shalt  }
0x49: {  	_ =	shalt  }
0x4a: {  	_ =	shalt  }
0x4b: {  	_ =	shalt  }
0x4c: {  	_ =	shalt  }
0x4d: {  	_ =	shalt  }
0x4e: {  	_ =	shalt  }
0x4f: {  	_ =	shalt  }
0x50: {  	_ =	shalt  }
0x51: {  	_ =	shalt  }
0x52: {  	_ =	shalt  }
0x53: {  	_ =	shalt  }
0x54: {  	_ =	shalt  }
0x55: {  	_ =	shalt  }
0x56: {  	_ =	shalt  }
0x57: {  	_ =	shalt  }
0x58: {  	_ =	shalt  }
0x59: {  	_ =	shalt  }
0x5a: {  	_ =	shalt  }
0x5b: {  	_ =	shalt  }
0x5c: {  	_ =	shalt  }
0x5d: {  	_ =	shalt  }
0x5e: {  	_ =	shalt  }
0x5f: {  	_ =	shalt  }
0x60: {  	_ =	shalt  }
0x61: {  	_ =	shalt  }
0x62: {  	_ =	shalt  }
0x63: {  	_ =	shalt  }
0x64: {  	_ =	shalt  }
0x65: {  	_ =	shalt  }
0x66: {  	_ =	shalt  }
0x67: {  	_ =	shalt  }
0x68: {  	_ =	shalt  }
0x69: {  	_ =	shalt  }
0x6a: {  	_ =	shalt  }
0x6b: {  	_ =	shalt  }
0x6c: {  	_ =	shalt  }
0x6d: {  	_ =	shalt  }
0x6e: {  	_ =	shalt  }
0x6f: {  	_ =	shalt  }
0x70: {  	_ =	shalt  }
0x71: {  	_ =	shalt  }
0x72: {  	_ =	shalt  }
0x73: {  	_ =	shalt  }
0x74: {  	_ =	shalt  }
0x75: {  	_ =	shalt  }
0x76: {  	_ =	shalt  }
0x77: {  	_ =	shalt  }
0x78: {  	_ =	shalt  }
0x79: {  	_ =	shalt  }
0x7a: {  	_ =	shalt  }
0x7b: {  	_ =	shalt  }
0x7c: {  	_ =	shalt  }
0x7d: {  	_ =	shalt  }
0x7e: {  	_ =	shalt  }
0x7f: {  	_ =	shalt  }
0x80: {  	_ =	shalt  }
0x81: {  	_ =	shalt  }
0x82: {  	_ =	shalt  }
0x83: {  	_ =	shalt  }
0x84: {  	_ =	shalt  }
0x85: {  	_ =	shalt  }
0x86: {  	_ =	shalt  }
0x87: {  	_ =	shalt  }
.Lfunc_end0:
.L_simem_size_0:
called_computation_lowered:
.L_overlay_start_0:
0x88: {  	s2 =	sld [smem:$0x3FD9]  }
0x89: {  	s3 =	sld [smem:$0x3FFE];
	_ =	sdelay $0x1  }
0x8a: {  	s1 =	srdreg.scid  }
0x8b: {  	s0 =	sand.u32 $0x1, s1  }
0x8c: {  	s17 =	sshll.u32 s0, $0xA;
	s2 =	sadd.s32 s3, s2  }
0x8d: {  	s2 =	sadd.s32 s2, s17  }
0x8e: {  	[smem:$0x3FC6] =	sst s2  }
0x8f: {  	_ = 	snop  }
0x90: {  	s2 =	sld [smem:$0x3FC8]  }
0x91: {  	s18 =	sld [smem:$0x3FD0];
	(tm) =	ssettm $0x1  }
0x92: {  	s4 =	sld [smem:$0x3FFB];
	_ =	sdelay $0x3  }
0x93: {  	_ =	strace s4  }
0x94: {  	s4 =	sld [smem:$0x3FFC];
	_ =	sdelay $0x3  }
0x95: {  	_ =	strace s4  }
0x96: {  	s4 =	sld [smem:$0x3FFD];
	_ =	sdelay $0x3  }
0x97: {  	_ =	strace s4  }
0x98: {  	_ =	strace $0x8FFFFFFF  }
0x99: {  	s19 =	sld [smem:$0x3FDB];
	_ =	sdelay $0x1  }
0x9a: {  	s5 =	simm.s32 $_scs_section_size  }
0x9b: {  	s6 =	simm.s32 $_size__tile_overlayer_lowered;
	s7 =	simm.s32 $_tile_overlayer_lowered  }
0x9c: {  	s22 =	simm.s32 $0x1BFF;
	s21 =	sshll.u32 s7, $0x1;
	s4 =	sadd.s32 s5, s19  }
0x9d: {  	s8 =	simm.s32 $0x0;
	s20 =	sshll.u32 s6, $0x1;
	s6 =	sadd.s32 s21, s4  }
0x9e: {  	[timem:s8], [sflag:s22] =	dma.local [hbm:s6], s20  }
0x9f: {  	_ =	swait.ge [sflag:s22], s20  }
0xa0: {  	s5 =	ssub.s32 $0x0, s20;
	[sflag:s22] =	ssyncset.done $0x0  }
0xa1: {  	[sflag:s22] =	ssyncadd.s32 s5;
	_ =	sdelay $0x1  }
0xa2: {  	s23 =	simm.s32 $0x1B8B  }
0xa3: {  	_ =	swait.ge [sflag:s23], $0x1  }
0xa4: {  	[sflag:s23] =	ssyncset.done $0x0  }
0xa5: {  	s25 =	simm.s32 $0x1B8E;
	s24 =	sld [smem:$0x3FFE];
	[sflag:s23] =	ssyncadd.s32 $0xFFFFFFFF  }
0xa6: {  	s26 =	simm.s32 $execute0_lowered;
	[smem:$0x3FD2] =	sst s25  }
0xa7: {  	s6 =	sshll.u32 s26, $0x1;
	_ =	strace $0x80000046;
	[dreg:$0x1] =	wrdreg $0xFFFFFFFF  }
0xa8: {  	s28 =	simm.s32 $_size_execute0_lowered;
	s4 =	sadd.s32 s4, s6;
	[dreg:$0x0] =	wrdreg $0x0  }
0xa9: {  	s6 =	sshll.u32 s28, $0x1;
	[dreg:$0x2] =	wrdreg s4  }
0xaa: {  	[dreg:$0x3] =	wrdreg s6  }
0xab: {  	[dreg:$0x4] =	wrdreg $0xC0  }
0xac: {  	_ =	task [dreg:s8], $0x5FFFF  }
0xad: {  	[dreg:$0x1] =	wrdreg $0xFFFFFFFF  }
0xae: {  	[dreg:$0x0] =	wrdreg $0x60  }
0xaf: {  	[dreg:$0x2] =	wrdreg s2  }
0xb0: {  	[dreg:$0x3] =	wrdreg s18  }
0xb1: {  	[dreg:$0x4] =	wrdreg s24  }
0xb2: {  	[dreg:$0x5] =	wrdreg $0x9  }
0xb3: {  	_ =	task.clear_ibuf [dreg:s8], $0x6FFFF;
	_ =	strace $0x90000046  }
0xb4: {  	s29 =	simm.s32 $0x9;
	_ =	strace $0x80000048  }
0xb5: {  	_ =	swait.ge [sflag:s29], $0x1  }
0xb6: {  	[sflag:s29] =	ssyncadd.s32 $0xFFFFFFFF  }
0xb7: {  	_ =	strace $0x90000048  }
0xb8: {  	_ =	sfence  }
0xb9: {  	s30 =	sld [smem:$0x0];
	_ =	sdelay $0x2  }
0xba: {  	s31 =	sshll.u32 s1, $0xD;
	s1 =	sshrl.u32 s1, $0x2  }
0xbb: {  	s3 =	sand.u32 $0x4000, s31;
	s1 =	sadd.s32 s1, s30  }
0xbc: {  	s0 =	sor.u32 s3, s0;
	s1 =	sshll.u32 s1, $0x11  }
0xbd: {  	s0 =	sor.u32 s1, s0  }
0xbe: {  	s0 =	sadd.s32 $0x8F2B, s0  }
0xbf: {  	[sflag:s0] =	ssyncadd.remote.s32 $0x1  }
0xc0: {  	_ =	sfence.sel $0xFFFF  }
0xc1: {  	[dreg:$0x0] =	wrdreg $0xFFFFFFFF;
	(pc) =	sbr.abs _section_cstart, $3  }
0xc2: {  	[dreg:$0x1] =	wrdreg $0xFFFFFFFF  }
0xc3: {  	_ =	task.clear_ibuf [dreg:s8], $0x2FFFF;
	_ =	strace $0x9FFFFFFF  }
0xc4: {  	(tm) =	ssettm $0x7FFFFFFF  }
0xc5: {  	_ =	shalt  }
tec
execute0_lowered:
.L_overlay_start_1:
0x0: {  	(tag) =	ssettag $0x1  }
0x1: {  	s1 =	rddreg [dreg:$0x0]  }
0x2: {  	s15 =	rddreg [dreg:$0x2];
	s4 =	simm.s32 $0x0;
	s5 =	srdreg.scid  }
0x3: {  	s0 =	stileid.u32;
	s18 =	simm.s32 $0x800;
	s19 =	simm.s32 $0xC00  }
0x4: {  	s20 =	simm.s32 $0x1;
	s21 =	simm.s32 $0x2;
	s22 =	simm.s32 $0x0  }
0x5: {  	[smem:$0x7FF] =	sst s4;
	s7 =	sand.u32 $0x1, s5;
	s6 =	sshll.u32 s0, $0x1  }
0x6: {  	s5 =	sadd.s32 $0xA00, s15;
	s15 =	sadd.s32 $0x3D1200, s15;
	s6 =	sor.u32 s7, s6  }
0x7: {  	_ =	strace $0x80000047;
	s9 =	ssub.s32 $0x2, s7;
	s31 =	sshll.u32 s6, $0x7  }
0x8: {  	s8 =	ssub.s32 $0x1EA3, s6;
	s10 =	sshrl.u32 s9, $0x1;
	s13 =	sshll.u32 s6, $0x9  }
0x9: {  	p0 =	sne.s32 s6, $0x0;
	s7 =	sadd.s32 s1, s31;
	s8 =	sshrl.u32 s8, $0x5  }
0xa: {  	s16 =	ssub.s32 s9, s10;
	s17 =	sadd.s32 s5, s13;
	s12 =	sadd.s32 $0xFFFFFFFF, s8  }
0xb: {  	v0 =	vlaneseq.u32;
	s9 =	sadd.s32 $0xF4280, s7;
	s10 =	sadd.s32 $0x1E8500, s7;
	s11 =	sand.u32 $0x1, s12  }
0xc: {  	v1 =	vand.u32 $0x3, v0;
	s16 =	smax.u32 s16, $0x1;
	s14 =	sshll.u32 s12, $0xE;
	s11 =	sshll.u32 s11, $0xC  }
0xd: {  	v1 =	vmul.u32 $0x20, v1;
	s12 =	sadd.s32 $0x2DC780, s7;
	s14 =	sadd.s32 s14, s17;
	s13 =	sor.u32 $0x2000, s11  }
.LBB2_1:
0xe: {  	[tilespmem:s4], [sflag:$0x1] =	stream.linear.gather [hbm4b:s7+s4], $0x400, $0x38;
	[tilespmem:$0x4000] =	vst v63  }
0xf: {  	s0 =	simm.s32 $0x400  }
0x10: {  	[tilespmem:s0], [sflag:$0x1] =	stream.linear.gather [hbm4b:s9+s4], $0x400, $0x38;
	[tilespmem:$0x4000] =	vst v63  }
0x11: {  	_ = 	snop  }
0x12: {  	[tilespmem:s18], [sflag:$0x1] =	stream.linear.gather [hbm4b:s10+s4], $0x400, $0x38;
	[tilespmem:$0x4000] =	vst v63  }
0x13: {  	s23 =	simm.s32 $0x1  }
0x14: {  	[tilespmem:s19], [sflag:$0x1] =	stream.linear.gather [hbm4b:s12+s4], $0x400, $0x38;
	[tilespmem:$0x4000] =	vst v63  }
.LBB2_2:
0x15: {  	s24 =	sshll.u32 s23, $0x5  }
0x16: {  	s24 =	sor.u32 s6, s24  }
0x17: {  	p1 =	sgt.s32 s24, $0x1E83  }
0x18: {  	s26 =	sshll.u32 @!p1 s24, $0xA  }
0x19: {  	s25 =	sand.u32 $0x1, s23;
	s28 =	sshrl.u32 @!p1 s26, $0x3  }
0x1a: {  	s29 =	sshll.u32 @!p1 s25, $0xC;
	s30 =	simm.s32 @!p1 $0x0;
	s28 =	sadd.s32 @!p1 s1, s28  }
0x1b: {  	[tilespmem:s29], [sflag:$0x1] =	stream.linear.gather @!p1 [hbm4b:s28+s30], $0x400, $0x38;
	[tilespmem:$0x4000] =	vst v63  }
0x1c: {  	s28 =	sadd.s32 @!p1 $0x7A1400, s26  }
0x1d: {  	s28 =	sshrl.u32 @!p1 s28, $0x3  }
0x1e: {  	s31 =	sor.u32 @!p1 $0x400, s29;
	s28 =	sadd.s32 @!p1 s1, s28  }
0x1f: {  	[tilespmem:s31], [sflag:$0x1] =	stream.linear.gather @!p1 [hbm4b:s28+s30], $0x400, $0x38;
	[tilespmem:$0x4000] =	vst v63  }
0x20: {  	s28 =	sadd.s32 @!p1 $0xF42800, s26  }
0x21: {  	s17 =	simm.s32 $0x0;
	s28 =	sshrl.u32 @!p1 s28, $0x3  }
0x22: {  	s17 =	sand.u32 $0x70, s17;
	s31 =	sor.u32 @!p1 $0x800, s29;
	s28 =	sadd.s32 @!p1 s1, s28  }
0x23: {  	[tilespmem:s31], [sflag:$0x1] =	stream.linear.gather @!p1 [hbm4b:s28+s30], $0x400, $0x38;
	[tilespmem:$0x4000] =	vst v63  }
0x24: {  	v8 =	vor.u32 s17, v0;
	s28 =	simm.s32 $0x0  }
0x25: {  	v19 =	vshll.u32 v8, $0x5;
	s28 =	sand.u32 $0x10, s28  }
0x26: {  	v19 =	vand.u32 $0xF80, v19;
	s0 =	sor.u32 $0x1, s28  }
0x27: {  	v19 =	vor.u32 v1, v19;
	s3 =	sor.u32 $0x2, s28;
	v2 =	vor.u32 s28, v0;
	s2 =	sor.u32 $0xF, s28;
	s31 =	sor.u32 $0x5, s28;
	v3 =	vadd.s32 s0, v0  }
0x28: {  	s17 =	sor.u32 $0x7, s28;
	v4 =	vadd.s32 s3, v0;
	v5 =	vadd.s32 s2, v0;
	v9 =	vadd.s32 s31, v0  }
0x29: {  	s0 =	sor.u32 $0x3, s28;
	s3 =	sor.u32 $0x4, s28;
	s2 =	sadd.s32 @!p1 $0x16E3C00, s26;
	v12 =	vadd.s32 s17, v0;
	v35 =	vshll.u32 v2, $0x7;
	v2 =	vor.u32 v2, v19  }
0x2a: {  	s26 =	sor.u32 $0x8, s28;
	s31 =	sor.u32 $0x9, s28;
	s17 =	sor.u32 $0xC, s28;
	v6 =	vadd.s32 s0, v0;
	v7 =	vadd.s32 s3, v0;
	v5 =	vand.u32 $0x1F, v5  }
0x2b: {  	s3 =	sor.u32 $0x6, s28;
	s0 =	sor.u32 $0xA, s28;
	v13 =	vadd.s32 s26, v0;
	v14 =	vadd.s32 s31, v0;
	v17 =	vadd.s32 s17, v0  }
0x2c: {  	s2 =	sshrl.u32 @!p1 s2, $0x3;
	s26 =	sor.u32 $0xD, s28;
	v3 =	vand.u32 $0x1F, v3;
	v4 =	vand.u32 $0x1F, v4;
	v11 =	vadd.s32 s3, v0;
	s3 =	sor.u32 $0xB, s28  }
0x2d: {  	s31 =	sor.u32 $0xE, s28;
	v9 =	vand.u32 $0x1F, v9;
	v12 =	vand.u32 $0x1F, v12;
	s2 =	sadd.s32 @!p1 s1, s2;
	v16 =	vadd.s32 s3, v0;
	s3 =	sor.u32 @!p1 $0xC00, s29  }
0x2e: {  	v10 =	vshll.u32 v5, $0x7;
	v15 =	vadd.s32 s0, v0;
	v18 =	vadd.s32 s26, v0;
	[tilespmem:s3], [sflag:$0x1] =	stream.linear.gather @!p1 [hbm4b:s2+s30], $0x400, $0x38;
	[tilespmem:$0x4000] =	vst v63  }
0x2f: {  	v20 =	vadd.s32 s31, v0;
	v6 =	vand.u32 $0x1F, v6;
	v7 =	vand.u32 $0x1F, v7;
	_ =	swait.ge [sflag:s20], $0x400  }
0x30: {  	v5 =	vor.u32 v5, v19;
	v13 =	vand.u32 $0x1F, v13;
	v14 =	vand.u32 $0x1F, v14;
	[sflag:s20] =	ssyncset.done $0x0  }
0x31: {  	v17 =	vand.u32 $0x1F, v17;
	v21 =	vshll.u32 v3, $0x7;
	v22 =	vshll.u32 v4, $0x7;
	[sflag:s20] =	ssyncadd.s32 $0xFFFFFC00  }
0x32: {  	v25 =	vshll.u32 v9, $0x7;
	v27 =	vshll.u32 v12, $0x7;
	v3 =	vor.u32 v3, v19;
	_ =	swait.ge [sflag:s20], $0x400  }
0x33: {  	v4 =	vor.u32 v4, v19;
	v9 =	vor.u32 v9, v19;
	v12 =	vor.u32 v12, v19;
	[sflag:s20] =	ssyncset.done $0x0  }
0x34: {  	v10 =	vor.u32 v8, v10;
	v11 =	vand.u32 $0x1F, v11;
	v15 =	vand.u32 $0x1F, v15;
	[sflag:s20] =	ssyncadd.s32 $0xFFFFFC00  }
0x35: {  	v18 =	vand.u32 $0x1F, v18;
	v20 =	vand.u32 $0x1F, v20;
	v23 =	vshll.u32 v6, $0x7;
	_ =	swait.ge [sflag:s20], $0x400  }
0x36: {  	v24 =	vshll.u32 v7, $0x7;
	v28 =	vshll.u32 v13, $0x7;
	v29 =	vshll.u32 v14, $0x7;
	[sflag:s20] =	ssyncset.done $0x0  }
0x37: {  	v32 =	vshll.u32 v17, $0x7;
	v21 =	vor.u32 v8, v21;
	v22 =	vor.u32 v8, v22;
	[sflag:s20] =	ssyncadd.s32 $0xFFFFFC00  }
0x38: {  	v25 =	vor.u32 v8, v25;
	v27 =	vor.u32 v8, v27;
	v6 =	vor.u32 v6, v19;
	_ =	swait.ge [sflag:s20], $0x400  }
0x39: {  	v7 =	vor.u32 v7, v19;
	v13 =	vor.u32 v13, v19;
	v14 =	vor.u32 v14, v19;
	p1 =	slt.u32 s23, $0x2;
	[sflag:s20] =	ssyncset.done $0x0  }
0x3a: {  	v17 =	vor.u32 v17, v19;
	v16 =	vand.u32 $0x1F, v16;
	v26 =	vshll.u32 v11, $0x7;
	s0 =	simm.s32 @!p1 $0x2;
	[sflag:s20] =	ssyncadd.s32 $0xFFFFFC00  }
0x3b: {  	v30 =	vshll.u32 v15, $0x7;
	v33 =	vshll.u32 v18, $0x7;
	v34 =	vshll.u32 v20, $0x7;
	_ =	swait.ge @!p1 [sflag:s0], $0x1000  }
0x3c: {  	s25 =	sxor.u32 $0x1, s25;
	v23 =	vor.u32 v8, v23;
	v24 =	vor.u32 v8, v24;
	v28 =	vor.u32 v8, v28;
	[sflag:s0] =	ssyncset.done @!p1 $0x0  }
0x3d: {  	s25 =	sshll.u32 s25, $0xC;
	v29 =	vor.u32 v8, v29;
	v32 =	vor.u32 v8, v32;
	v11 =	vor.u32 v11, v19;
	[sflag:s0] =	ssyncadd.s32 @!p1 $0xFFFFF000  }
0x3e: {  	v15 =	vor.u32 v15, v19;
	v18 =	vor.u32 v18, v19;
	v31 =	vshll.u32 v16, $0x7;
	v10 =	vld.idx.msk [tilespmem:v10+s25+$0x0], $0xffff  }
0x3f: {  	s28 =	simm.s32 $0x10;
	v26 =	vor.u32 v8, v26;
	v30 =	vor.u32 v8, v30;
	v33 =	vor.u32 v8, v33;
	v21 =	vld.idx.msk [tilespmem:v21+s25+$0x0], $0xffff  }
0x40: {  	v34 =	vor.u32 v8, v34;
	v16 =	vor.u32 v16, v19;
	v19 =	vor.u32 v20, v19;
	s0 =	sand.u32 $0x10, s28;
	v22 =	vld.idx.msk [tilespmem:v22+s25+$0x0], $0xffff  }
0x41: {  	v31 =	vor.u32 v8, v31;
	v8 =	vor.u32 v8, v35;
	v23 =	vld.idx.msk [tilespmem:v23+s25+$0x0], $0xffff;
	v36 =	vor.u32 s0, v0;
	s26 =	sor.u32 $0x1, s0;
	s30 =	sor.u32 $0x2, s0;
	s31 =	sor.u32 $0xF, s0  }
0x42: {  	v20 =	vld.idx.msk [tilespmem:v25+s25+$0x0], $0xffff;
	s3 =	sor.u32 $0x3, s0;
	s2 =	sor.u32 $0xA, s0;
	v25 =	vadd.s32 s26, v0;
	v59 =	vadd.s32 s30, v0;
	s30 =	sor.u32 $0x4, s0;
	v37 =	vadd.s32 s31, v0  }
0x43: {  	s29 =	simm.s32 $0x8;
	v24 =	vld.idx.msk [tilespmem:v24+s25+$0x0], $0xffff;
	s26 =	sor.u32 $0x2000, s25;
	v38 =	vadd.s32 s3, v0;
	v42 =	vadd.s32 s2, v0;
	v39 =	vadd.s32 s30, v0  }
0x44: {  	v26 =	vld.idx.msk [tilespmem:v26+s25+$0x0], $0xffff;
	s31 =	sand.u32 $0x70, s29;
	v37 =	vand.u32 $0x1F, v37;
	v44 =	vand.u32 $0x1F, v25;
	v45 =	vand.u32 $0x1F, v59;
	[tilespmem:v5+s26+$0x0] =	vst.idx.msk $0xffff, v10  }
0x45: {  	s3 =	sor.u32 $0x6, s0;
	s30 =	sor.u32 $0x5, s0;
	v38 =	vand.u32 $0x1F, v38;
	v40 =	vshll.u32 v37, $0x7;
	v5 =	vld.idx.msk [tilespmem:v27+s25+$0x0], $0xffff;
	v27 =	vor.u32 s31, v0;
	[tilespmem:v3+s26+$0x0] =	vst.idx.msk $0xffff, v21  }
0x46: {  	s17 =	sor.u32 $0x8, s0;
	v39 =	vand.u32 $0x1F, v39;
	v10 =	vadd.s32 s30, v0;
	s31 =	sor.u32 $0x7, s0;
	v21 =	vld.idx.msk [tilespmem:v28+s25+$0x0], $0xffff;
	v28 =	vadd.s32 s3, v0;
	[tilespmem:v4+s26+$0x0] =	vst.idx.msk $0xffff, v22  }
0x47: {  	s30 =	sor.u32 $0x9, s0;
	s3 =	sor.u32 $0xB, s0;
	v4 =	vadd.s32 s17, v0;
	[tilespmem:v9+s26+$0x0] =	vst.idx.msk $0xffff, v20;
	v9 =	vand.u32 $0x1F, v42;
	v41 =	vadd.s32 s31, v0  }
0x48: {  	v29 =	vld.idx.msk [tilespmem:v29+s25+$0x0], $0xffff;
	[tilespmem:v6+s26+$0x0] =	vst.idx.msk $0xffff, v23;
	v40 =	vor.u32 v27, v40;
	v22 =	vadd.s32 s30, v0;
	v6 =	vadd.s32 s3, v0  }
0x49: {  	[tilespmem:v7+s26+$0x0] =	vst.idx.msk $0xffff, v24;
	s31 =	sor.u32 $0xC, s0;
	v3 =	vshll.u32 v27, $0x5;
	v46 =	vand.u32 $0x1F, v10;
	v60 =	vand.u32 $0x1F, v28  }
0x4a: {  	v24 =	vld.idx.msk [tilespmem:v30+s25+$0x0], $0xffff;
	[tilespmem:v11+s26+$0x0] =	vst.idx.msk $0xffff, v26;
	s30 =	sor.u32 $0xD, s0;
	s0 =	sor.u32 $0xE, s0;
	v11 =	vand.u32 $0x1F, v4;
	v30 =	vshll.u32 v9, $0x7;
	v23 =	vadd.s32 s31, v0  }
0x4b: {  	v43 =	vadd.s32 s30, v0;
	v25 =	vadd.s32 s0, v0;
	v3 =	vand.u32 $0xF80, v3  }
0x4c: {  	v20 =	vld.idx.msk [tilespmem:v31+s25+$0x0], $0xffff;
	v41 =	vand.u32 $0x1F, v41;
	v10 =	vand.u32 $0x1F, v22;
	v7 =	vand.u32 $0x1F, v6  }
0x4d: {  	[tilespmem:v14+s26+$0x0] =	vst.idx.msk $0xffff, v29;
	v14 =	vld.idx.msk [tilespmem:v34+s25+$0x0], $0xffff;
	v22 =	vshll.u32 v45, $0x7;
	v3 =	vor.u32 v1, v3;
	v6 =	vand.u32 $0x1F, v23  }
0x4e: {  	v23 =	vshll.u32 v39, $0x7;
	v62 =	vor.u32 v27, v22;
	v28 =	vor.u32 v37, v3;
	[tilespmem:v12+s26+$0x0] =	vst.idx.msk $0xffff, v5  }
0x4f: {  	v4 =	vand.u32 $0x1F, v43;
	v35 =	vor.u32 v27, v23;
	v34 =	vor.u32 v44, v3;
	[tilespmem:v13+s26+$0x0] =	vst.idx.msk $0xffff, v21  }
0x50: {  	v31 =	vshll.u32 v7, $0x7;
	v23 =	vor.u32 v39, v3;
	v12 =	vld.idx.msk [tilespmem:v32+s25+$0x0], $0xffff;
	v21 =	vshll.u32 v44, $0x7;
	[tilespmem:v15+s26+$0x0] =	vst.idx.msk $0xffff, v24  }
0x51: {  	v13 =	vld.idx.msk [tilespmem:v33+s25+$0x0], $0xffff;
	v5 =	vand.u32 $0x1F, v25;
	v15 =	vshll.u32 v38, $0x7;
	v24 =	vshll.u32 v46, $0x7;
	[tilespmem:v16+s26+$0x0] =	vst.idx.msk $0xffff, v20  }
0x52: {  	v16 =	vshll.u32 v60, $0x7;
	v20 =	vshll.u32 v41, $0x7;
	v25 =	vshll.u32 v11, $0x7;
	[tilespmem:v19+s26+$0x0] =	vst.idx.msk $0xffff, v14;
	v26 =	vld.idx.msk [tilespmem:v40+s25+$0x0], $0xffff  }
0x53: {  	v19 =	vor.u32 v27, v30;
	v21 =	vor.u32 v27, v21;
	v63 =	vor.u32 v27, v15  }
0x54: {  	v33 =	vor.u32 v27, v24;
	v29 =	vor.u32 v27, v16;
	v24 =	vor.u32 v27, v25  }
0x55: {  	v61 =	vshll.u32 v5, $0x7;
	v16 =	vor.u32 v27, v31;
	v25 =	vor.u32 v36, v3;
	[tilespmem:v17+s26+$0x0] =	vst.idx.msk $0xffff, v12  }
0x56: {  	v31 =	vor.u32 v45, v3;
	v12 =	vshll.u32 v6, $0x7;
	v17 =	vshll.u32 v4, $0x7;
	[tilespmem:v18+s26+$0x0] =	vst.idx.msk $0xffff, v13  }
0x57: {  	v30 =	vld.idx.msk [tilespmem:v62+s25+$0x0], $0xffff;
	v13 =	vshll.u32 v36, $0x7;
	[tilespmem:v28+s26+$0x0] =	vst.idx.msk $0xffff, v26;
	v28 =	vshll.u32 v10, $0x7;
	v26 =	vor.u32 v27, v20  }
0x58: {  	v18 =	vld.idx.msk [tilespmem:v8+s25+$0x0], $0xffff;
	v15 =	vor.u32 v27, v12;
	v14 =	vor.u32 v27, v17;
	v12 =	vor.u32 v27, v61  }
0x59: {  	v8 =	vor.u32 v27, v13;
	v32 =	vld.idx.msk [tilespmem:v21+s25+$0x0], $0xffff;
	v21 =	vor.u32 v46, v3;
	v20 =	vor.u32 v60, v3  }
0x5a: {  	v17 =	vor.u32 v41, v3;
	v22 =	vor.u32 v27, v28;
	v27 =	vor.u32 v38, v3;
	v28 =	vld.idx.msk [tilespmem:v63+s25+$0x0], $0xffff  }
.LBB2_3:
0x5b: {  	s28 =	sadd.s32 $0x10, s28;
	v35 =	vld.idx.msk [tilespmem:v35+s25+$0x0], $0xffff;
	v36 =	vor.u32 v11, v3;
	v37 =	vor.u32 v10, v3;
	v38 =	vor.u32 v9, v3  }
0x5c: {  	v39 =	vor.u32 v6, v3;
	v40 =	vor.u32 v4, v3;
	s0 =	sand.u32 $0x10, s28;
	p1 =	slt.u32 s28, $0xF0;
	v9 =	vld.idx.msk [tilespmem:v33+s25+$0x0], $0xffff;
	v33 =	vor.u32 v7, v3  }
0x5d: {  	v13 =	vor.u32 s0, v0;
	s2 =	sor.u32 $0x1, s0;
	s3 =	sor.u32 $0x2, s0;
	s17 =	sor.u32 $0xF, s0;
	v4 =	vld.idx.msk [tilespmem:v29+s25+$0x0], $0xffff;
	v29 =	vor.u32 v5, v3;
	[tilespmem:v2+s26+$0x0] =	vst.idx.msk $0xffff, v18;
	v2 =	vmov v25  }
0x5e: {  	s29 =	sadd.s32 $0x8, s29;
	v3 =	vadd.s32 s2, v0;
	v5 =	vadd.s32 s3, v0;
	s2 =	sor.u32 $0x3, s0;
	s3 =	sor.u32 $0x4, s0;
	v6 =	vadd.s32 s17, v0;
	v7 =	vld.idx.msk [tilespmem:v26+s25+$0x0], $0xffff  }
0x5f: {  	s17 =	sand.u32 $0x70, s29;
	v10 =	vadd.s32 s2, v0;
	v11 =	vadd.s32 s3, v0;
	s2 =	sor.u32 $0x5, s0;
	s3 =	sor.u32 $0x6, s0;
	v6 =	vand.u32 $0x1F, v6;
	[tilespmem:v34+s26+$0x0] =	vst.idx.msk $0xffff, v32;
	v24 =	vld.idx.msk [tilespmem:v24+s25+$0x0], $0xffff  }
0x60: {  	s30 =	sor.u32 $0x9, s0;
	v25 =	vor.u32 s17, v0;
	s17 =	sor.u32 $0x8, s0;
	v18 =	vadd.s32 s2, v0;
	s2 =	sor.u32 $0x7, s0;
	v26 =	vshll.u32 v6, $0x7;
	[tilespmem:v31+s26+$0x0] =	vst.idx.msk $0xffff, v30;
	v22 =	vld.idx.msk [tilespmem:v22+s25+$0x0], $0xffff  }
0x61: {  	s31 =	sor.u32 $0xC, s0;
	v30 =	vadd.s32 s3, v0;
	s3 =	sor.u32 $0xB, s0;
	v31 =	vadd.s32 s2, v0;
	s2 =	sor.u32 $0xA, s0;
	v26 =	vor.u32 v25, v26;
	[tilespmem:v27+s26+$0x0] =	vst.idx.msk $0xffff, v28;
	v19 =	vld.idx.msk [tilespmem:v19+s25+$0x0], $0xffff  }
0x62: {  	v27 =	vadd.s32 s17, v0;
	v28 =	vadd.s32 s30, v0;
	v32 =	vadd.s32 s2, v0;
	s2 =	sor.u32 $0xD, s0;
	s0 =	sor.u32 $0xE, s0;
	v16 =	vld.idx.msk [tilespmem:v16+s25+$0x0], $0xffff  }
0x63: {  	v41 =	vadd.s32 s31, v0;
	v34 =	vadd.s32 s3, v0;
	v42 =	vadd.s32 s2, v0;
	v15 =	vld.idx.msk [tilespmem:v15+s25+$0x0], $0xffff  }
0x64: {  	v44 =	vand.u32 $0x1F, v3;
	v43 =	vshll.u32 v25, $0x5;
	v45 =	vadd.s32 s0, v0;
	[tilespmem:v23+s26+$0x0] =	vst.idx.msk $0xffff, v35;
	v14 =	vld.idx.msk [tilespmem:v14+s25+$0x0], $0xffff  }
0x65: {  	v3 =	vand.u32 $0xF80, v43;
	v43 =	vand.u32 $0x1F, v10;
	v23 =	vand.u32 $0x1F, v5;
	[tilespmem:v21+s26+$0x0] =	vst.idx.msk $0xffff, v9;
	v12 =	vld.idx.msk [tilespmem:v12+s25+$0x0], $0xffff  }
0x66: {  	v46 =	vand.u32 $0x1F, v18;
	v3 =	vor.u32 v1, v3;
	v21 =	vand.u32 $0x1F, v11;
	v26 =	vld.idx.msk [tilespmem:v26+s25+$0x0], $0xffff;
	[tilespmem:v20+s26+$0x0] =	vst.idx.msk $0xffff, v4  }
0x67: {  	v47 =	vand.u32 $0x1F, v31;
	v20 =	vand.u32 $0x1F, v30;
	v30 =	vor.u32 v6, v3;
	v18 =	vld.idx.msk [tilespmem:v8+s25+$0x0], $0xffff;
	[tilespmem:v17+s26+$0x0] =	vst.idx.msk $0xffff, v7  }
0x68: {  	v10 =	vand.u32 $0x1F, v28;
	v11 =	vand.u32 $0x1F, v27;
	v9 =	vand.u32 $0x1F, v32;
	[tilespmem:v36+s26+$0x0] =	vst.idx.msk $0xffff, v24  }
0x69: {  	v6 =	vand.u32 $0x1F, v41;
	v4 =	vand.u32 $0x1F, v42;
	v7 =	vand.u32 $0x1F, v34;
	[tilespmem:v37+s26+$0x0] =	vst.idx.msk $0xffff, v22  }
0x6a: {  	v5 =	vand.u32 $0x1F, v45;
	v8 =	vshll.u32 v44, $0x7;
	v17 =	vshll.u32 v23, $0x7;
	[tilespmem:v38+s26+$0x0] =	vst.idx.msk $0xffff, v19  }
0x6b: {  	v24 =	vshll.u32 v46, $0x7;
	v22 =	vshll.u32 v21, $0x7;
	v19 =	vshll.u32 v43, $0x7;
	[tilespmem:v33+s26+$0x0] =	vst.idx.msk $0xffff, v16  }
0x6c: {  	v27 =	vshll.u32 v47, $0x7;
	v28 =	vshll.u32 v11, $0x7;
	v16 =	vshll.u32 v20, $0x7;
	[tilespmem:v30+s26+$0x0] =	vst.idx.msk $0xffff, v26  }
0x6d: {  	v31 =	vshll.u32 v9, $0x7;
	v32 =	vshll.u32 v7, $0x7;
	v30 =	vshll.u32 v10, $0x7;
	[tilespmem:v39+s26+$0x0] =	vst.idx.msk $0xffff, v15  }
0x6e: {  	v34 =	vshll.u32 v4, $0x7;
	v36 =	vshll.u32 v5, $0x7;
	v15 =	vshll.u32 v6, $0x7;
	[tilespmem:v40+s26+$0x0] =	vst.idx.msk $0xffff, v14  }
0x6f: {  	v17 =	vor.u32 v25, v17;
	v37 =	vshll.u32 v13, $0x7;
	v38 =	vor.u32 v25, v8;
	[tilespmem:v29+s26+$0x0] =	vst.idx.msk $0xffff, v12  }
0x70: {  	v35 =	vor.u32 v25, v22;
	v33 =	vor.u32 v25, v24;
	v39 =	vor.u32 v25, v19  }
0x71: {  	v24 =	vor.u32 v25, v28;
	v26 =	vor.u32 v25, v27;
	v29 =	vor.u32 v25, v16  }
.Ltmp0:
0x72: {  	v22 =	vor.u32 v25, v30;
	v19 =	vor.u32 v25, v31;
	v16 =	vor.u32 v25, v32;
	(pc) =	sbr.rel @p1 .LBB2_3-.Ltmp0, $4  }
0x73: {  	v15 =	vor.u32 v25, v15;
	v14 =	vor.u32 v25, v34;
	v12 =	vor.u32 v25, v36  }
0x74: {  	v8 =	vor.u32 v25, v37;
	v34 =	vor.u32 v44, v3;
	v25 =	vor.u32 v13, v3;
	v32 =	vld.idx.msk [tilespmem:v38+s25+$0x0], $0xffff  }
0x75: {  	v27 =	vor.u32 v43, v3;
	v31 =	vor.u32 v23, v3;
	v23 =	vor.u32 v21, v3;
	v30 =	vld.idx.msk [tilespmem:v17+s25+$0x0], $0xffff  }
0x76: {  	v20 =	vor.u32 v20, v3;
	v21 =	vor.u32 v46, v3;
	v17 =	vor.u32 v47, v3;
	v28 =	vld.idx.msk [tilespmem:v39+s25+$0x0], $0xffff  }
0x77: {  	_ =	sdelay $0x3  }
0x78: {  	v13 =	vld.idx.msk [tilespmem:v35+s25+$0x0], $0xffff  }
0x79: {  	v33 =	vld.idx.msk [tilespmem:v33+s25+$0x0], $0xffff;
	[tilespmem:v2+s26+$0x0] =	vst.idx.msk $0xffff, v18  }
0x7a: {  	v2 =	vld.idx.msk [tilespmem:v29+s25+$0x0], $0xffff;
	[tilespmem:v34+s26+$0x0] =	vst.idx.msk $0xffff, v32  }
0x7b: {  	v60 =	vld.idx.msk [tilespmem:v26+s25+$0x0], $0xffff;
	[tilespmem:v31+s26+$0x0] =	vst.idx.msk $0xffff, v30  }
0x7c: {  	v11 =	vor.u32 v11, v3;
	v24 =	vld.idx.msk [tilespmem:v24+s25+$0x0], $0xffff;
	[tilespmem:v27+s26+$0x0] =	vst.idx.msk $0xffff, v28  }
0x7d: {  	v10 =	vor.u32 v10, v3;
	v22 =	vld.idx.msk [tilespmem:v22+s25+$0x0], $0xffff;
	[tilespmem:v23+s26+$0x0] =	vst.idx.msk $0xffff, v13  }
0x7e: {  	v9 =	vor.u32 v9, v3;
	v61 =	vld.idx.msk [tilespmem:v19+s25+$0x0], $0xffff;
	[tilespmem:v21+s26+$0x0] =	vst.idx.msk $0xffff, v33  }
0x7f: {  	v7 =	vor.u32 v7, v3;
	v16 =	vld.idx.msk [tilespmem:v16+s25+$0x0], $0xffff;
	[tilespmem:v20+s26+$0x0] =	vst.idx.msk $0xffff, v2  }
0x80: {  	v4 =	vor.u32 v4, v3;
	v14 =	vld.idx.msk [tilespmem:v14+s25+$0x0], $0xffff;
	[tilespmem:v17+s26+$0x0] =	vst.idx.msk $0xffff, v60  }
0x81: {  	v8 =	vld.idx.msk [tilespmem:v8+s25+$0x0], $0xffff;
	[tilespmem:v11+s26+$0x0] =	vst.idx.msk $0xffff, v24  }
0x82: {  	v62 =	vld.idx.msk [tilespmem:v15+s25+$0x0], $0xffff;
	v2 =	vor.u32 v6, v3;
	[tilespmem:v10+s26+$0x0] =	vst.idx.msk $0xffff, v22  }
0x83: {  	v63 =	vld.idx.msk [tilespmem:v12+s25+$0x0], $0xffff;
	s23 =	sadd.s32 $0x1, s23;
	v3 =	vor.u32 v5, v3;
	[tilespmem:v9+s26+$0x0] =	vst.idx.msk $0xffff, v61  }
0x84: {  	p1 =	sne.s32 s23, s8;
	[tilespmem:v7+s26+$0x0] =	vst.idx.msk $0xffff, v16  }
.Ltmp1:
0x85: {  	s0 =	sshll.u32 s24, $0xC;
	[tilespmem:v4+s26+$0x0] =	vst.idx.msk $0xffff, v14;
	(pc) =	sbr.rel @p1 .LBB2_2-.Ltmp1, $4  }
0x86: {  	s0 =	sadd.s32 $0xFFFE0000, s0;
	[tilespmem:v25+s26+$0x0] =	vst.idx.msk $0xffff, v8  }
0x87: {  	s0 =	sshrl.u32 s0, $0x3;
	[tilespmem:v2+s26+$0x0] =	vst.idx.msk $0xffff, v62  }
0x88: {  	s0 =	sadd.s32 s5, s0;
	[tilespmem:v3+s26+$0x0] =	vst.idx.msk $0xffff, v63  }
0x89: {  	[hbm4b:s0+s4] =	stream.linear.scatter [tilespmem:s26], [sflag:$0x2], $0x1000, $0x38;
	[tilespmem:$0x4000] =	vst v63  }
0x8a: {  	s0 =	simm.s32 $0x0  }
0x8b: {  	s2 =	simm.s32 $0x0;
	s0 =	sand.u32 $0x10, s0  }
0x8c: {  	s2 =	sand.u32 $0x70, s2;
	s3 =	sor.u32 $0x1, s0  }
0x8d: {  	s17 =	sor.u32 $0x2, s0;
	v2 =	vor.u32 s0, v0;
	s23 =	sor.u32 $0xF, s0;
	s30 =	sor.u32 $0x3, s0;
	v8 =	vor.u32 s2, v0;
	v3 =	vadd.s32 s3, v0  }
0x8e: {  	s31 =	sor.u32 $0x4, s0;
	s24 =	sor.u32 $0x5, s0;
	s25 =	sor.u32 $0x6, s0;
	v4 =	vadd.s32 s17, v0;
	v5 =	vadd.s32 s23, v0;
	v6 =	vadd.s32 s30, v0  }
0x8f: {  	s26 =	sor.u32 $0x7, s0;
	s28 =	sor.u32 $0x8, s0;
	s29 =	sor.u32 $0x9, s0;
	v7 =	vadd.s32 s31, v0;
	v9 =	vadd.s32 s24, v0;
	v11 =	vadd.s32 s25, v0  }
0x90: {  	v12 =	vadd.s32 s26, v0;
	v13 =	vadd.s32 s28, v0;
	v14 =	vadd.s32 s29, v0  }
0x91: {  	s30 =	sor.u32 $0xA, s0;
	s31 =	sor.u32 $0xB, s0;
	s24 =	sor.u32 $0xC, s0;
	v19 =	vshll.u32 v8, $0x5;
	v35 =	vshll.u32 v2, $0x7;
	v5 =	vand.u32 $0x1F, v5  }
0x92: {  	s3 =	sor.u32 $0xD, s0;
	s0 =	sor.u32 $0xE, s0;
	v15 =	vadd.s32 s30, v0;
	v16 =	vadd.s32 s31, v0;
	v17 =	vadd.s32 s24, v0  }
0x93: {  	v18 =	vadd.s32 s3, v0;
	v3 =	vand.u32 $0x1F, v3;
	v20 =	vadd.s32 s0, v0  }
0x94: {  	v19 =	vand.u32 $0xF80, v19;
	v4 =	vand.u32 $0x1F, v4;
	v6 =	vand.u32 $0x1F, v6  }
0x95: {  	v7 =	vand.u32 $0x1F, v7;
	v9 =	vand.u32 $0x1F, v9;
	v11 =	vand.u32 $0x1F, v11  }
0x96: {  	v12 =	vand.u32 $0x1F, v12;
	v13 =	vand.u32 $0x1F, v13;
	v14 =	vand.u32 $0x1F, v14  }
0x97: {  	v10 =	vshll.u32 v5, $0x7;
	v19 =	vor.u32 v1, v19;
	v15 =	vand.u32 $0x1F, v15  }
0x98: {  	v16 =	vand.u32 $0x1F, v16;
	v17 =	vand.u32 $0x1F, v17;
	v18 =	vand.u32 $0x1F, v18  }
0x99: {  	_ =	swait.ge [sflag:s20], $0x400;
	v21 =	vshll.u32 v3, $0x7;
	v22 =	vshll.u32 v4, $0x7;
	v20 =	vand.u32 $0x1F, v20  }
0x9a: {  	[sflag:s20] =	ssyncset.done $0x0;
	s23 =	simm.s32 $0x10;
	v23 =	vshll.u32 v6, $0x7;
	v24 =	vshll.u32 v7, $0x7;
	v25 =	vshll.u32 v9, $0x7  }
0x9b: {  	[sflag:s20] =	ssyncadd.s32 $0xFFFFFC00;
	s0 =	sand.u32 $0x10, s23;
	v26 =	vshll.u32 v11, $0x7;
	v27 =	vshll.u32 v12, $0x7;
	v28 =	vshll.u32 v13, $0x7  }
0x9c: {  	_ =	swait.ge [sflag:s20], $0x400;
	v29 =	vshll.u32 v14, $0x7;
	v36 =	vor.u32 s0, v0;
	v10 =	vor.u32 v8, v10  }
0x9d: {  	[sflag:s20] =	ssyncset.done $0x0;
	v5 =	vor.u32 v5, v19;
	v30 =	vshll.u32 v15, $0x7;
	v31 =	vshll.u32 v16, $0x7  }
0x9e: {  	[sflag:s20] =	ssyncadd.s32 $0xFFFFFC00;
	v32 =	vshll.u32 v17, $0x7;
	v33 =	vshll.u32 v18, $0x7;
	v34 =	vshll.u32 v20, $0x7  }
0x9f: {  	_ =	swait.ge [sflag:s20], $0x400;
	v21 =	vor.u32 v8, v21;
	v22 =	vor.u32 v8, v22;
	v23 =	vor.u32 v8, v23  }
0xa0: {  	v24 =	vor.u32 v8, v24;
	v25 =	vor.u32 v8, v25;
	v26 =	vor.u32 v8, v26;
	[sflag:s20] =	ssyncset.done $0x0  }
0xa1: {  	v27 =	vor.u32 v8, v27;
	v28 =	vor.u32 v8, v28;
	v29 =	vor.u32 v8, v29;
	[sflag:s20] =	ssyncadd.s32 $0xFFFFFC00  }
0xa2: {  	v2 =	vor.u32 v2, v19;
	v3 =	vor.u32 v3, v19;
	v4 =	vor.u32 v4, v19;
	_ =	swait.ge [sflag:s20], $0x400  }
0xa3: {  	v6 =	vor.u32 v6, v19;
	v7 =	vor.u32 v7, v19;
	v9 =	vor.u32 v9, v19;
	[sflag:s20] =	ssyncset.done $0x0  }
0xa4: {  	v11 =	vor.u32 v11, v19;
	v12 =	vor.u32 v12, v19;
	v13 =	vor.u32 v13, v19;
	[sflag:s20] =	ssyncadd.s32 $0xFFFFFC00  }
0xa5: {  	v14 =	vor.u32 v14, v19;
	v15 =	vor.u32 v15, v19;
	v16 =	vor.u32 v16, v19;
	v10 =	vld.idx.msk [tilespmem:v10+s11+$0x0], $0xffff  }
0xa6: {  	s24 =	sor.u32 $0x2, s0;
	s25 =	sor.u32 $0xF, s0;
	s26 =	sor.u32 $0x3, s0;
	v17 =	vor.u32 v17, v19;
	v18 =	vor.u32 v18, v19;
	v19 =	vor.u32 v20, v19;
	v21 =	vld.idx.msk [tilespmem:v21+s11+$0x0], $0xffff  }
0xa7: {  	s28 =	sor.u32 $0x4, s0;
	v59 =	vadd.s32 s24, v0;
	v37 =	vadd.s32 s25, v0;
	v38 =	vadd.s32 s26, v0;
	v22 =	vld.idx.msk [tilespmem:v22+s11+$0x0], $0xffff  }
0xa8: {  	v39 =	vadd.s32 s28, v0;
	v30 =	vor.u32 v8, v30;
	v31 =	vor.u32 v8, v31;
	v23 =	vld.idx.msk [tilespmem:v23+s11+$0x0], $0xffff  }
0xa9: {  	s26 =	sor.u32 $0x7, s0;
	v32 =	vor.u32 v8, v32;
	v33 =	vor.u32 v8, v33;
	v34 =	vor.u32 v8, v34;
	v24 =	vld.idx.msk [tilespmem:v24+s11+$0x0], $0xffff  }
0xaa: {  	v8 =	vor.u32 v8, v35;
	v37 =	vand.u32 $0x1F, v37;
	v41 =	vadd.s32 s26, v0;
	v20 =	vld.idx.msk [tilespmem:v25+s11+$0x0], $0xffff  }
0xab: {  	s17 =	sor.u32 $0x1, s0;
	s24 =	simm.s32 $0x8;
	v45 =	vand.u32 $0x1F, v59;
	v38 =	vand.u32 $0x1F, v38;
	v39 =	vand.u32 $0x1F, v39;
	v26 =	vld.idx.msk [tilespmem:v26+s11+$0x0], $0xffff  }
0xac: {  	s30 =	sor.u32 $0x5, s0;
	s29 =	sand.u32 $0x70, s24;
	v40 =	vshll.u32 v37, $0x7;
	v41 =	vand.u32 $0x1F, v41;
	v25 =	vadd.s32 s17, v0;
	[tilespmem:v5+s13+$0x0] =	vst.idx.msk $0xffff, v10;
	v5 =	vld.idx.msk [tilespmem:v27+s11+$0x0], $0xffff  }
0xad: {  	s31 =	sor.u32 $0x6, s0;
	s28 =	sor.u32 $0x8, s0;
	s25 =	sor.u32 $0x9, s0;
	v44 =	vand.u32 $0x1F, v25;
	v27 =	vor.u32 s29, v0;
	v10 =	vadd.s32 s30, v0;
	[tilespmem:v3+s13+$0x0] =	vst.idx.msk $0xffff, v21;
	v21 =	vld.idx.msk [tilespmem:v28+s11+$0x0], $0xffff  }
0xae: {  	s26 =	sor.u32 $0xC, s0;
	v28 =	vadd.s32 s31, v0;
	s29 =	sor.u32 $0xA, s0;
	[tilespmem:v4+s13+$0x0] =	vst.idx.msk $0xffff, v22;
	v4 =	vadd.s32 s28, v0;
	v22 =	vadd.s32 s25, v0  }
0xaf: {  	v29 =	vld.idx.msk [tilespmem:v29+s11+$0x0], $0xffff;
	s30 =	sor.u32 $0xB, s0;
	s31 =	sor.u32 $0xD, s0;
	[tilespmem:v6+s13+$0x0] =	vst.idx.msk $0xffff, v23;
	v23 =	vadd.s32 s26, v0;
	v40 =	vor.u32 v27, v40;
	v42 =	vadd.s32 s29, v0  }
0xb0: {  	s0 =	sor.u32 $0xE, s0;
	v6 =	vadd.s32 s30, v0;
	v43 =	vadd.s32 s31, v0;
	v3 =	vshll.u32 v27, $0x5  }
0xb1: {  	[tilespmem:v7+s13+$0x0] =	vst.idx.msk $0xffff, v24;
	v25 =	vadd.s32 s0, v0;
	v46 =	vand.u32 $0x1F, v10;
	v60 =	vand.u32 $0x1F, v28  }
0xb2: {  	v24 =	vld.idx.msk [tilespmem:v30+s11+$0x0], $0xffff;
	[tilespmem:v11+s13+$0x0] =	vst.idx.msk $0xffff, v26;
	v11 =	vand.u32 $0x1F, v4;
	v10 =	vand.u32 $0x1F, v22;
	v22 =	vshll.u32 v45, $0x7  }
0xb3: {  	[tilespmem:v9+s13+$0x0] =	vst.idx.msk $0xffff, v20;
	v20 =	vld.idx.msk [tilespmem:v31+s11+$0x0], $0xffff;
	v3 =	vand.u32 $0xF80, v3;
	v9 =	vand.u32 $0x1F, v42;
	v7 =	vand.u32 $0x1F, v6  }
0xb4: {  	[tilespmem:v14+s13+$0x0] =	vst.idx.msk $0xffff, v29;
	v14 =	vld.idx.msk [tilespmem:v34+s11+$0x0], $0xffff;
	v6 =	vand.u32 $0x1F, v23;
	v23 =	vshll.u32 v39, $0x7;
	v62 =	vor.u32 v27, v22  }
0xb5: {  	v4 =	vand.u32 $0x1F, v43;
	v3 =	vor.u32 v1, v3;
	v35 =	vor.u32 v27, v23;
	[tilespmem:v12+s13+$0x0] =	vst.idx.msk $0xffff, v5  }
0xb6: {  	v30 =	vshll.u32 v9, $0x7;
	v28 =	vor.u32 v37, v3;
	v34 =	vor.u32 v44, v3;
	[tilespmem:v13+s13+$0x0] =	vst.idx.msk $0xffff, v21  }
0xb7: {  	v31 =	vshll.u32 v7, $0x7;
	v23 =	vor.u32 v39, v3;
	v12 =	vld.idx.msk [tilespmem:v32+s11+$0x0], $0xffff;
	v21 =	vshll.u32 v44, $0x7;
	[tilespmem:v15+s13+$0x0] =	vst.idx.msk $0xffff, v24  }
0xb8: {  	v13 =	vld.idx.msk [tilespmem:v33+s11+$0x0], $0xffff;
	v5 =	vand.u32 $0x1F, v25;
	v15 =	vshll.u32 v38, $0x7;
	v24 =	vshll.u32 v46, $0x7;
	[tilespmem:v16+s13+$0x0] =	vst.idx.msk $0xffff, v20  }
0xb9: {  	v16 =	vshll.u32 v60, $0x7;
	v20 =	vshll.u32 v41, $0x7;
	v25 =	vshll.u32 v11, $0x7;
	[tilespmem:v19+s13+$0x0] =	vst.idx.msk $0xffff, v14;
	v26 =	vld.idx.msk [tilespmem:v40+s11+$0x0], $0xffff  }
0xba: {  	v19 =	vor.u32 v27, v30;
	v21 =	vor.u32 v27, v21;
	v63 =	vor.u32 v27, v15  }
0xbb: {  	v33 =	vor.u32 v27, v24;
	v29 =	vor.u32 v27, v16;
	v24 =	vor.u32 v27, v25  }
0xbc: {  	v61 =	vshll.u32 v5, $0x7;
	v16 =	vor.u32 v27, v31;
	v25 =	vor.u32 v36, v3;
	[tilespmem:v17+s13+$0x0] =	vst.idx.msk $0xffff, v12  }
0xbd: {  	v31 =	vor.u32 v45, v3;
	v12 =	vshll.u32 v6, $0x7;
	v17 =	vshll.u32 v4, $0x7;
	[tilespmem:v18+s13+$0x0] =	vst.idx.msk $0xffff, v13  }
0xbe: {  	v30 =	vld.idx.msk [tilespmem:v62+s11+$0x0], $0xffff;
	v13 =	vshll.u32 v36, $0x7;
	[tilespmem:v28+s13+$0x0] =	vst.idx.msk $0xffff, v26;
	v28 =	vshll.u32 v10, $0x7;
	v26 =	vor.u32 v27, v20  }
0xbf: {  	v18 =	vld.idx.msk [tilespmem:v8+s11+$0x0], $0xffff;
	v15 =	vor.u32 v27, v12;
	v14 =	vor.u32 v27, v17;
	v12 =	vor.u32 v27, v61  }
0xc0: {  	v8 =	vor.u32 v27, v13;
	v32 =	vld.idx.msk [tilespmem:v21+s11+$0x0], $0xffff;
	v21 =	vor.u32 v46, v3;
	v20 =	vor.u32 v60, v3  }
0xc1: {  	v17 =	vor.u32 v41, v3;
	v22 =	vor.u32 v27, v28;
	v27 =	vor.u32 v38, v3;
	v28 =	vld.idx.msk [tilespmem:v63+s11+$0x0], $0xffff  }
.LBB2_6:
0xc2: {  	s23 =	sadd.s32 $0x10, s23;
	v35 =	vld.idx.msk [tilespmem:v35+s11+$0x0], $0xffff;
	v36 =	vor.u32 v11, v3;
	v37 =	vor.u32 v10, v3;
	v38 =	vor.u32 v9, v3  }
0xc3: {  	v39 =	vor.u32 v6, v3;
	v40 =	vor.u32 v4, v3;
	s0 =	sand.u32 $0x10, s23;
	p1 =	slt.u32 s23, $0xF0;
	v9 =	vld.idx.msk [tilespmem:v33+s11+$0x0], $0xffff;
	v33 =	vor.u32 v7, v3  }
0xc4: {  	v13 =	vor.u32 s0, v0;
	s2 =	sor.u32 $0x1, s0;
	s3 =	sor.u32 $0x2, s0;
	s17 =	sor.u32 $0xF, s0;
	v4 =	vld.idx.msk [tilespmem:v29+s11+$0x0], $0xffff;
	v29 =	vor.u32 v5, v3;
	[tilespmem:v2+s13+$0x0] =	vst.idx.msk $0xffff, v18;
	v2 =	vmov v25  }
0xc5: {  	s24 =	sadd.s32 $0x8, s24;
	v3 =	vadd.s32 s2, v0;
	v5 =	vadd.s32 s3, v0;
	s2 =	sor.u32 $0x3, s0;
	s3 =	sor.u32 $0x4, s0;
	v6 =	vadd.s32 s17, v0;
	v7 =	vld.idx.msk [tilespmem:v26+s11+$0x0], $0xffff  }
0xc6: {  	s17 =	sand.u32 $0x70, s24;
	v10 =	vadd.s32 s2, v0;
	v11 =	vadd.s32 s3, v0;
	s2 =	sor.u32 $0x5, s0;
	s3 =	sor.u32 $0x6, s0;
	v6 =	vand.u32 $0x1F, v6;
	[tilespmem:v34+s13+$0x0] =	vst.idx.msk $0xffff, v32;
	v24 =	vld.idx.msk [tilespmem:v24+s11+$0x0], $0xffff  }
0xc7: {  	s25 =	sor.u32 $0x9, s0;
	v25 =	vor.u32 s17, v0;
	s17 =	sor.u32 $0x8, s0;
	v18 =	vadd.s32 s2, v0;
	s2 =	sor.u32 $0x7, s0;
	v26 =	vshll.u32 v6, $0x7;
	[tilespmem:v31+s13+$0x0] =	vst.idx.msk $0xffff, v30;
	v22 =	vld.idx.msk [tilespmem:v22+s11+$0x0], $0xffff  }
0xc8: {  	s26 =	sor.u32 $0xC, s0;
	v30 =	vadd.s32 s3, v0;
	s3 =	sor.u32 $0xB, s0;
	v31 =	vadd.s32 s2, v0;
	s2 =	sor.u32 $0xA, s0;
	v26 =	vor.u32 v25, v26;
	[tilespmem:v27+s13+$0x0] =	vst.idx.msk $0xffff, v28;
	v19 =	vld.idx.msk [tilespmem:v19+s11+$0x0], $0xffff  }
0xc9: {  	v27 =	vadd.s32 s17, v0;
	v28 =	vadd.s32 s25, v0;
	v32 =	vadd.s32 s2, v0;
	s2 =	sor.u32 $0xD, s0;
	s0 =	sor.u32 $0xE, s0;
	v16 =	vld.idx.msk [tilespmem:v16+s11+$0x0], $0xffff  }
0xca: {  	v41 =	vadd.s32 s26, v0;
	v34 =	vadd.s32 s3, v0;
	v42 =	vadd.s32 s2, v0;
	v15 =	vld.idx.msk [tilespmem:v15+s11+$0x0], $0xffff  }
0xcb: {  	v44 =	vand.u32 $0x1F, v3;
	v43 =	vshll.u32 v25, $0x5;
	v45 =	vadd.s32 s0, v0;
	[tilespmem:v23+s13+$0x0] =	vst.idx.msk $0xffff, v35;
	v14 =	vld.idx.msk [tilespmem:v14+s11+$0x0], $0xffff  }
0xcc: {  	v3 =	vand.u32 $0xF80, v43;
	v43 =	vand.u32 $0x1F, v10;
	v23 =	vand.u32 $0x1F, v5;
	[tilespmem:v21+s13+$0x0] =	vst.idx.msk $0xffff, v9;
	v12 =	vld.idx.msk [tilespmem:v12+s11+$0x0], $0xffff  }
0xcd: {  	v46 =	vand.u32 $0x1F, v18;
	v3 =	vor.u32 v1, v3;
	v21 =	vand.u32 $0x1F, v11;
	v26 =	vld.idx.msk [tilespmem:v26+s11+$0x0], $0xffff;
	[tilespmem:v20+s13+$0x0] =	vst.idx.msk $0xffff, v4  }
0xce: {  	v47 =	vand.u32 $0x1F, v31;
	v20 =	vand.u32 $0x1F, v30;
	v30 =	vor.u32 v6, v3;
	v18 =	vld.idx.msk [tilespmem:v8+s11+$0x0], $0xffff;
	[tilespmem:v17+s13+$0x0] =	vst.idx.msk $0xffff, v7  }
0xcf: {  	v10 =	vand.u32 $0x1F, v28;
	v11 =	vand.u32 $0x1F, v27;
	v9 =	vand.u32 $0x1F, v32;
	[tilespmem:v36+s13+$0x0] =	vst.idx.msk $0xffff, v24  }
0xd0: {  	v6 =	vand.u32 $0x1F, v41;
	v4 =	vand.u32 $0x1F, v42;
	v7 =	vand.u32 $0x1F, v34;
	[tilespmem:v37+s13+$0x0] =	vst.idx.msk $0xffff, v22  }
0xd1: {  	v5 =	vand.u32 $0x1F, v45;
	v8 =	vshll.u32 v44, $0x7;
	v17 =	vshll.u32 v23, $0x7;
	[tilespmem:v38+s13+$0x0] =	vst.idx.msk $0xffff, v19  }
0xd2: {  	v24 =	vshll.u32 v46, $0x7;
	v22 =	vshll.u32 v21, $0x7;
	v19 =	vshll.u32 v43, $0x7;
	[tilespmem:v33+s13+$0x0] =	vst.idx.msk $0xffff, v16  }
0xd3: {  	v27 =	vshll.u32 v47, $0x7;
	v28 =	vshll.u32 v11, $0x7;
	v16 =	vshll.u32 v20, $0x7;
	[tilespmem:v30+s13+$0x0] =	vst.idx.msk $0xffff, v26  }
0xd4: {  	v31 =	vshll.u32 v9, $0x7;
	v32 =	vshll.u32 v7, $0x7;
	v30 =	vshll.u32 v10, $0x7;
	[tilespmem:v39+s13+$0x0] =	vst.idx.msk $0xffff, v15  }
0xd5: {  	v34 =	vshll.u32 v4, $0x7;
	v36 =	vshll.u32 v5, $0x7;
	v15 =	vshll.u32 v6, $0x7;
	[tilespmem:v40+s13+$0x0] =	vst.idx.msk $0xffff, v14  }
0xd6: {  	v17 =	vor.u32 v25, v17;
	v37 =	vshll.u32 v13, $0x7;
	v38 =	vor.u32 v25, v8;
	[tilespmem:v29+s13+$0x0] =	vst.idx.msk $0xffff, v12  }
0xd7: {  	v35 =	vor.u32 v25, v22;
	v33 =	vor.u32 v25, v24;
	v39 =	vor.u32 v25, v19  }
0xd8: {  	v24 =	vor.u32 v25, v28;
	v26 =	vor.u32 v25, v27;
	v29 =	vor.u32 v25, v16  }
.Ltmp2:
0xd9: {  	v22 =	vor.u32 v25, v30;
	v19 =	vor.u32 v25, v31;
	v16 =	vor.u32 v25, v32;
	(pc) =	sbr.rel @p1 .LBB2_6-.Ltmp2, $4  }
0xda: {  	v15 =	vor.u32 v25, v15;
	v14 =	vor.u32 v25, v34;
	v12 =	vor.u32 v25, v36  }
0xdb: {  	v8 =	vor.u32 v25, v37;
	v34 =	vor.u32 v44, v3;
	v25 =	vor.u32 v13, v3;
	v32 =	vld.idx.msk [tilespmem:v38+s11+$0x0], $0xffff  }
0xdc: {  	v27 =	vor.u32 v43, v3;
	v31 =	vor.u32 v23, v3;
	v23 =	vor.u32 v21, v3;
	v30 =	vld.idx.msk [tilespmem:v17+s11+$0x0], $0xffff  }
0xdd: {  	v20 =	vor.u32 v20, v3;
	v21 =	vor.u32 v46, v3;
	v17 =	vor.u32 v47, v3;
	v28 =	vld.idx.msk [tilespmem:v39+s11+$0x0], $0xffff  }
0xde: {  	_ =	sdelay $0x3  }
0xdf: {  	v13 =	vld.idx.msk [tilespmem:v35+s11+$0x0], $0xffff  }
0xe0: {  	v33 =	vld.idx.msk [tilespmem:v33+s11+$0x0], $0xffff;
	[tilespmem:v2+s13+$0x0] =	vst.idx.msk $0xffff, v18  }
0xe1: {  	v2 =	vld.idx.msk [tilespmem:v29+s11+$0x0], $0xffff;
	[tilespmem:v34+s13+$0x0] =	vst.idx.msk $0xffff, v32  }
0xe2: {  	v60 =	vld.idx.msk [tilespmem:v26+s11+$0x0], $0xffff;
	[tilespmem:v31+s13+$0x0] =	vst.idx.msk $0xffff, v30  }
0xe3: {  	v11 =	vor.u32 v11, v3;
	v24 =	vld.idx.msk [tilespmem:v24+s11+$0x0], $0xffff;
	[tilespmem:v27+s13+$0x0] =	vst.idx.msk $0xffff, v28  }
0xe4: {  	v10 =	vor.u32 v10, v3;
	v22 =	vld.idx.msk [tilespmem:v22+s11+$0x0], $0xffff;
	[tilespmem:v23+s13+$0x0] =	vst.idx.msk $0xffff, v13  }
0xe5: {  	v9 =	vor.u32 v9, v3;
	v61 =	vld.idx.msk [tilespmem:v19+s11+$0x0], $0xffff;
	[tilespmem:v21+s13+$0x0] =	vst.idx.msk $0xffff, v33  }
0xe6: {  	v7 =	vor.u32 v7, v3;
	v16 =	vld.idx.msk [tilespmem:v16+s11+$0x0], $0xffff;
	[tilespmem:v20+s13+$0x0] =	vst.idx.msk $0xffff, v2  }
0xe7: {  	v4 =	vor.u32 v4, v3;
	v14 =	vld.idx.msk [tilespmem:v14+s11+$0x0], $0xffff;
	[tilespmem:v17+s13+$0x0] =	vst.idx.msk $0xffff, v60  }
0xe8: {  	v8 =	vld.idx.msk [tilespmem:v8+s11+$0x0], $0xffff;
	[tilespmem:v11+s13+$0x0] =	vst.idx.msk $0xffff, v24  }
0xe9: {  	v62 =	vld.idx.msk [tilespmem:v15+s11+$0x0], $0xffff;
	v2 =	vor.u32 v6, v3;
	[tilespmem:v10+s13+$0x0] =	vst.idx.msk $0xffff, v22  }
0xea: {  	v63 =	vld.idx.msk [tilespmem:v12+s11+$0x0], $0xffff;
	v3 =	vor.u32 v5, v3;
	[tilespmem:v9+s13+$0x0] =	vst.idx.msk $0xffff, v61  }
0xeb: {  	[tilespmem:v7+s13+$0x0] =	vst.idx.msk $0xffff, v16  }
0xec: {  	[tilespmem:v4+s13+$0x0] =	vst.idx.msk $0xffff, v14  }
0xed: {  	[tilespmem:v25+s13+$0x0] =	vst.idx.msk $0xffff, v8  }
0xee: {  	[tilespmem:v2+s13+$0x0] =	vst.idx.msk $0xffff, v62  }
0xef: {  	[tilespmem:v3+s13+$0x0] =	vst.idx.msk $0xffff, v63  }
0xf0: {  	[hbm4b:s14+s4] =	stream.linear.scatter [tilespmem:s13], [sflag:$0x2], $0x1000, $0x38;
	[tilespmem:$0x4000] =	vst v63  }
0xf1: {  	_ =	swait.ge [sflag:s21], $0x1000  }
0xf2: {  	[sflag:s21] =	ssyncset.done $0x0  }
0xf3: {  	[sflag:s21] =	ssyncadd.s32 $0xFFFFF000  }
0xf4: {  	_ =	swait.ge [sflag:s21], $0x1000  }
0xf5: {  	[sflag:s21] =	ssyncset.done $0x0  }
0xf6: {  	[sflag:s21] =	ssyncadd.s32 $0xFFFFF000  }
0xf7: {  	s0 =	simm.s32 @!p0 $0x0;
	s2 =	simm.s32 @!p0 $0x2000;
	s3 =	rddreg [dreg:$0x1]  }
0xf8: {  	[tilespmem:s2], [sflag:$0x3] =	stream.linear.gather @!p0 [hbm4b:s3+s0], $0x800, $0x38;
	[tilespmem:$0x4000] =	vst v63  }
0xf9: {  	s3 =	simm.s32 @!p0 $0x3  }
0xfa: {  	s22 =	sadd.s32 $0x1, s22;
	_ =	swait.ge @!p0 [sflag:s3], $0x800  }
0xfb: {  	p1 =	sne.s32 s22, s16;
	[sflag:s3] =	ssyncset.done @!p0 $0x0  }
.Ltmp3:
0xfc: {  	[sflag:s3] =	ssyncadd.s32 @!p0 $0xFFFFF800;
	(pc) =	sbr.rel @p1 .LBB2_1-.Ltmp3, $4  }
0xfd: {  	[hbm4b:s15+s0] =	stream.linear.scatter @!p0 [tilespmem:s2], [sflag:$0x3], $0x800, $0x38;
	[tilespmem:$0x4000] =	vst v63  }
0xfe: {  	_ =	swait.ge @!p0 [sflag:s3], $0x800  }
0xff: {  	[sflag:s3] =	ssyncset.done @!p0 $0x0  }
0x100: {  	[sflag:s3] =	ssyncadd.s32 @!p0 $0xFFFFF800  }
0x101: {  	_ =	sfence.sel $0x180000  }
0x102: {  	[bflag:$0x0] =	sbarrier.arrive $0xFFFF  }
0x103: {  	_ =	strace $0x90000047  }
0x104: {  	s0 =	stileid.u32;
	[bflag:$0x2] =	sbarrier.arrive $0xFFFF  }
0x105: {  	p0 =	sne.s32 s0, $0x0;
	s0 =	rddreg [dreg:$0x3]  }
0x106: {  	s0 =	sadd.s32 @!p0 $0x100000, s0  }
0x107: {  	[sflag:s0] =	ssyncadd.tile.s32 @!p0 $0x1;
	_ =	shalt  }
.Lfunc_end2:
_tile_overlayer_lowered:
.L_overlay_start_2:
0x108: {  	(tag) =	ssettag $0x2  }
0x109: {  	s0 =	rddreg [dreg:$0x0];
	s2 =	stileid.u32  }
0x10a: {  	s1 =	rddreg [dreg:$0x1];
	p0 =	sne.s32 s2, $0x0  }
0x10b: {  	s3 =	rddreg [dreg:$0x2];
	[bflag:$0x3] =	sbarrier.arrive $0xFFFF;
	s2 =	simm.s32 @!p0 $0x1C03  }
0x10c: {  	[timem:s3], [sflag:s2] =	dma.local @!p0 [hbm:s0], s1  }
0x10d: {  	s0 =	simm.s32 @!p0 $0x3  }
0x10e: {  	_ =	swait.ge @!p0 [sflag:s0], s1  }
0x10f: {  	s1 =	ssub.s32 @!p0 $0x0, s1;
	[sflag:s0] =	ssyncset.done @!p0 $0x0  }
0x110: {  	[sflag:s0] =	ssyncadd.s32 @!p0 s1  }
0x111: {  	[bflag:$0x3] =	sbarrier.arrive $0xFFFF  }
0x112: {  	_ =	shalt  }

// kernel: kernel.7.cloned.1.call-start
scs
__scs_entry_jumppad:
0x0: {  	(pc) =	sbr.rel $0x88, $3  }
0x1: {  	(tag) =	ssettag $0x0;
	lr =	simm.s32 $0x1  }
0x2: {  	[smem:$0x3F9F] =	sst lr;
	_ =	strace $0xD0000000  }
0x3: {  	_ = 	snop  }
0x4: {  	_ = 	snop  }
0x5: {  	_ = 	snop  }
0x6: {  	_ = 	snop  }
0x7: {  	_ = 	snop  }
__scs_overlays_trampoline_lowered:
0x8: {  	[smem:$0x3FAE] =	sst s0  }
0x9: {  	[smem:$0x3FAF] =	sst s1  }
0xa: {  	[smem:$0x3FB0] =	sst s2  }
0xb: {  	[smem:$0x3FB1] =	sst s3  }
0xc: {  	[smem:$0x3FB2] =	sst s4  }
0xd: {  	[smem:$0x3FB3] =	sst s5  }
0xe: {  	[smem:$0x3FB4] =	sst s6  }
0xf: {  	[smem:$0x3FB5] =	sst s7  }
0x10: {  	[smem:$0x3FB6] =	sst s8  }
0x11: {  	[smem:$0x3FB7] =	sst s9;
	s0 =	simm.s32 @!p0 $0x0  }
0x12: {  	s1 =	sld [smem:$0x3F9D];
	s0 =	simm.s32 @p0 $0x1  }
0x13: {  	[smem:$0x3FB8] =	sst s0;
	s0 =	simm.s32 @!p1 $0x0  }
0x14: {  	s2 =	sld [smem:$0x3F9C];
	s0 =	simm.s32 @p1 $0x1  }
0x15: {  	[smem:$0x3FB9] =	sst s0;
	s0 =	simm.s32 @!p2 $0x0  }
0x16: {  	s3 =	sld [smem:$0x3FDB];
	s0 =	simm.s32 @p2 $0x1  }
0x17: {  	s4 =	simm.s32 $0x1BF5;
	[smem:$0x3FBB] =	sst s0  }
0x18: {  	s0 =	sld [smem:$0x3F9E];
	_ =	swait.ge [sflag:s4], $0x0  }
0x19: {  	s7 =	sld [smem:$0x3F9F]  }
0x1a: {  	s8 =	sadd.s32 $0xFFFFE003, lr  }
0x1b: {  	s9 =	sadd.s32 $0xFFFFFEF7, lr;
	s5 =	simm.s32 $0xFFFFFFFF;
	p2 =	slt.u32 s8, $0xFFFFF086  }
0x1c: {  	p1 =	slt.u32 s9, $0xF7A;
	s5 =	simm.s32 @!p2 $0x0  }
0x1d: {  	s5 =	simm.s32 @p1 $0x1;
	p0 =	seq.s32 s7, s2  }
0x1e: {  	s7 =	smul.u32 @!p0 $0xF7A, s2;
	p2 =	seq.s32 @!p0 s5, $0x0  }
0x1f: {  	s9 =	smul.u32 $0xF7A, s1;
	s8 =	simm.s32 @!p0 $0x1BF5;
	p2 =	por !p2, p0  }
0x20: {  	[sflag:s8] =	ssyncset.s32 @!p0 $0xFFFFF086;
	s6 =	sadd.s32 @!p0 s3, s7;
	s7 =	simm.s32 @!p0 $0x108  }
0x21: {  	s3 =	sadd.s32 s3, s9;
	s6 =	sadd.s32 @!p0 $0x88, s6;
	s7 =	simm.s32 @p2 $0x1082  }
0x22: {  	[simem:s7], [sflag:s8] =	dma.local @!p0 [hbm:s6], $0xF7A  }
0x23: {  	s9 =	sor.u32 $0xD0000000, s2;
	s6 =	simm.s32 $0x108;
	_ =	swait.ge @!p0 [sflag:s8], $0x0  }
0x24: {  	s3 =	sadd.s32 $0x88, s3;
	s6 =	simm.s32 @!p1 $0x1082;
	[sflag:s4] =	ssyncset.s32 $0xFFFFF086  }
0x25: {  	[simem:s6], [sflag:s4] =	dma.local [hbm:s3], $0xF7A  }
0x26: {  	[smem:$0x3F9F] =	sst s1;
	(tag) =	ssettag s2;
	_ =	strace s9  }
0x27: {  	s1 =	sld [smem:$0x3FAF]  }
0x28: {  	s2 =	sld [smem:$0x3FB0]  }
0x29: {  	s4 =	sld [smem:$0x3FB2]  }
0x2a: {  	p0 =	seq.s32 s5, $0x0;
	s5 =	sld [smem:$0x3FB3]  }
0x2b: {  	s6 =	sld [smem:$0x3FB4]  }
0x2c: {  	s7 =	sld [smem:$0x3FB5]  }
0x2d: {  	s3 =	simm.s32 $0x108;
	s8 =	sld [smem:$0x3FB6]  }
0x2e: {  	s3 =	simm.s32 @!p0 $0x1082;
	s9 =	sld [smem:$0x3FB7]  }
0x2f: {  	lr =	sadd.s32 s0, s3;
	s0 =	sld [smem:$0x3FAE]  }
0x30: {  	s3 =	sld [smem:$0x3FB1]  }
0x31: {  	[smem:$0x3FBA] =	sst s10  }
0x32: {  	s10 =	sld [smem:$0x3FB8];
	_ =	sdelay $0x3  }
0x33: {  	p0 =	seq.s32 s10, $0x1;
	s10 =	sld [smem:$0x3FBA];
	_ =	sdelay $0x3  }
0x34: {  	[smem:$0x3FBA] =	sst s10  }
0x35: {  	s10 =	sld [smem:$0x3FB9];
	_ =	sdelay $0x3  }
0x36: {  	p1 =	seq.s32 s10, $0x1;
	s10 =	sld [smem:$0x3FBA];
	_ =	sdelay $0x3  }
0x37: {  	[smem:$0x3FBA] =	sst s10  }
0x38: {  	s10 =	sld [smem:$0x3FBB]  }
0x39: {  	_ = 	snop;
	(pc) =	sbr.ind lr, $3  }
0x3a: {  	_ = 	snop  }
0x3b: {  	_ = 	snop  }
0x3c: {  	p2 =	seq.s32 s10, $0x1;
	s10 =	sld [smem:$0x3FBA]  }
0x3d: {  	_ =	shalt  }
0x3e: {  	_ =	shalt  }
0x3f: {  	_ =	shalt  }
0x40: {  	_ =	shalt  }
0x41: {  	_ =	shalt  }
0x42: {  	_ =	shalt  }
0x43: {  	_ =	shalt  }
0x44: {  	_ =	shalt  }
0x45: {  	_ =	shalt  }
0x46: {  	_ =	shalt  }
0x47: {  	_ =	shalt  }
0x48: {  	_ =	shalt  }
0x49: {  	_ =	shalt  }
0x4a: {  	_ =	shalt  }
0x4b: {  	_ =	shalt  }
0x4c: {  	_ =	shalt  }
0x4d: {  	_ =	shalt  }
0x4e: {  	_ =	shalt  }
0x4f: {  	_ =	shalt  }
0x50: {  	_ =	shalt  }
0x51: {  	_ =	shalt  }
0x52: {  	_ =	shalt  }
0x53: {  	_ =	shalt  }
0x54: {  	_ =	shalt  }
0x55: {  	_ =	shalt  }
0x56: {  	_ =	shalt  }
0x57: {  	_ =	shalt  }
0x58: {  	_ =	shalt  }
0x59: {  	_ =	shalt  }
0x5a: {  	_ =	shalt  }
0x5b: {  	_ =	shalt  }
0x5c: {  	_ =	shalt  }
0x5d: {  	_ =	shalt  }
0x5e: {  	_ =	shalt  }
0x5f: {  	_ =	shalt  }
0x60: {  	_ =	shalt  }
0x61: {  	_ =	shalt  }
0x62: {  	_ =	shalt  }
0x63: {  	_ =	shalt  }
0x64: {  	_ =	shalt  }
0x65: {  	_ =	shalt  }
0x66: {  	_ =	shalt  }
0x67: {  	_ =	shalt  }
0x68: {  	_ =	shalt  }
0x69: {  	_ =	shalt  }
0x6a: {  	_ =	shalt  }
0x6b: {  	_ =	shalt  }
0x6c: {  	_ =	shalt  }
0x6d: {  	_ =	shalt  }
0x6e: {  	_ =	shalt  }
0x6f: {  	_ =	shalt  }
0x70: {  	_ =	shalt  }
0x71: {  	_ =	shalt  }
0x72: {  	_ =	shalt  }
0x73: {  	_ =	shalt  }
0x74: {  	_ =	shalt  }
0x75: {  	_ =	shalt  }
0x76: {  	_ =	shalt  }
0x77: {  	_ =	shalt  }
0x78: {  	_ =	shalt  }
0x79: {  	_ =	shalt  }
0x7a: {  	_ =	shalt  }
0x7b: {  	_ =	shalt  }
0x7c: {  	_ =	shalt  }
0x7d: {  	_ =	shalt  }
0x7e: {  	_ =	shalt  }
0x7f: {  	_ =	shalt  }
0x80: {  	_ =	shalt  }
0x81: {  	_ =	shalt  }
0x82: {  	_ =	shalt  }
0x83: {  	_ =	shalt  }
0x84: {  	_ =	shalt  }
0x85: {  	_ =	shalt  }
0x86: {  	_ =	shalt  }
0x87: {  	_ =	shalt  }
.Lfunc_end0:
.L_simem_size_0:
called_computation.1_lowered:
.L_overlay_start_0:
0x88: {  	s2 =	sld [smem:$0x3FD9]  }
0x89: {  	s3 =	sld [smem:$0x3FFE];
	_ =	sdelay $0x1  }
0x8a: {  	s1 =	srdreg.scid  }
0x8b: {  	s0 =	sand.u32 $0x1, s1  }
0x8c: {  	s17 =	sshll.u32 s0, $0xA;
	s2 =	sadd.s32 s3, s2  }
0x8d: {  	s2 =	sadd.s32 s2, s17  }
0x8e: {  	[smem:$0x3FC6] =	sst s2  }
0x8f: {  	_ = 	snop  }
0x90: {  	s2 =	sld [smem:$0x3FD0];
	(tm) =	ssettm $0x1  }
0x91: {  	s18 =	sld [smem:$0x3FFB];
	_ =	sdelay $0x3  }
0x92: {  	_ =	strace s18  }
0x93: {  	s3 =	sld [smem:$0x3FFC];
	_ =	sdelay $0x3  }
0x94: {  	_ =	strace s3  }
0x95: {  	s3 =	sld [smem:$0x3FFD];
	_ =	sdelay $0x3  }
0x96: {  	_ =	strace s3  }
0x97: {  	_ =	strace $0x8FFFFFFF  }
0x98: {  	s19 =	sld [smem:$0x3FDB];
	_ =	sdelay $0x1  }
0x99: {  	s4 =	simm.s32 $_scs_section_size  }
0x9a: {  	s5 =	simm.s32 $_size__tile_overlayer_lowered;
	s6 =	simm.s32 $_tile_overlayer_lowered  }
0x9b: {  	s22 =	simm.s32 $0x1BFF;
	s21 =	sshll.u32 s6, $0x1;
	s3 =	sadd.s32 s4, s19  }
0x9c: {  	s7 =	simm.s32 $0x0;
	s20 =	sshll.u32 s5, $0x1;
	s5 =	sadd.s32 s21, s3  }
0x9d: {  	[timem:s7], [sflag:s22] =	dma.local [hbm:s5], s20  }
0x9e: {  	_ =	swait.ge [sflag:s22], s20  }
0x9f: {  	s4 =	ssub.s32 $0x0, s20;
	[sflag:s22] =	ssyncset.done $0x0  }
0xa0: {  	[sflag:s22] =	ssyncadd.s32 s4;
	_ =	sdelay $0x1  }
0xa1: {  	s23 =	simm.s32 $0x1B8B  }
0xa2: {  	_ =	swait.ge [sflag:s23], $0x1  }
0xa3: {  	[sflag:s23] =	ssyncset.done $0x0  }
0xa4: {  	s25 =	simm.s32 $0x1B8E;
	s24 =	sld [smem:$0x3FFE];
	[sflag:s23] =	ssyncadd.s32 $0xFFFFFFFF  }
0xa5: {  	s26 =	simm.s32 $execute0_lowered;
	[smem:$0x3FD2] =	sst s25  }
0xa6: {  	s5 =	sshll.u32 s26, $0x1;
	_ =	strace $0x80000049;
	[dreg:$0x1] =	wrdreg $0xFFFFFFFF  }
0xa7: {  	s28 =	simm.s32 $_size_execute0_lowered;
	s3 =	sadd.s32 s3, s5;
	[dreg:$0x0] =	wrdreg $0x0  }
0xa8: {  	s5 =	sshll.u32 s28, $0x1;
	[dreg:$0x2] =	wrdreg s3  }
0xa9: {  	[dreg:$0x3] =	wrdreg s5  }
0xaa: {  	[dreg:$0x4] =	wrdreg $0xC0  }
0xab: {  	_ =	task [dreg:s7], $0x5FFFF  }
0xac: {  	[dreg:$0x1] =	wrdreg $0xFFFFFFFF  }
0xad: {  	[dreg:$0x0] =	wrdreg $0x60  }
0xae: {  	[dreg:$0x2] =	wrdreg s24  }
0xaf: {  	[dreg:$0x3] =	wrdreg s2  }
0xb0: {  	[dreg:$0x4] =	wrdreg $0x9  }
0xb1: {  	_ =	task.clear_ibuf [dreg:s7], $0x5FFFF;
	_ =	strace $0x90000049  }
0xb2: {  	s29 =	simm.s32 $0x9;
	_ =	strace $0x8000004B  }
0xb3: {  	_ =	swait.ge [sflag:s29], $0x1  }
0xb4: {  	[sflag:s29] =	ssyncadd.s32 $0xFFFFFFFF  }
0xb5: {  	_ =	strace $0x9000004B  }
0xb6: {  	_ =	sfence  }
0xb7: {  	s30 =	sld [smem:$0x0];
	_ =	sdelay $0x2  }
0xb8: {  	s31 =	sshll.u32 s1, $0xD;
	s1 =	sshrl.u32 s1, $0x2  }
0xb9: {  	s3 =	sand.u32 $0x4000, s31;
	s1 =	sadd.s32 s1, s30  }
0xba: {  	s0 =	sor.u32 s3, s0;
	s1 =	sshll.u32 s1, $0x11  }
0xbb: {  	s0 =	sor.u32 s1, s0  }
0xbc: {  	s0 =	sadd.s32 $0x8F2B, s0  }
0xbd: {  	[sflag:s0] =	ssyncadd.remote.s32 $0x1  }
0xbe: {  	_ =	sfence.sel $0xFFFF  }
0xbf: {  	[dreg:$0x0] =	wrdreg $0xFFFFFFFF;
	(pc) =	sbr.abs _section_cstart, $3  }
0xc0: {  	[dreg:$0x1] =	wrdreg $0xFFFFFFFF  }
0xc1: {  	_ =	task.clear_ibuf [dreg:s7], $0x2FFFF;
	_ =	strace $0x9FFFFFFF  }
0xc2: {  	(tm) =	ssettm $0x7FFFFFFF  }
0xc3: {  	_ =	shalt  }
tec
execute0_lowered:
.L_overlay_start_1:
0x0: {  	(tag) =	ssettag $0x1  }
0x1: {  	s1 =	srdreg.scid;
	s5 =	rddreg [dreg:$0x0]  }
0x2: {  	s0 =	stileid.u32;
	s2 =	rddreg [dreg:$0x1]  }
0x3: {  	s3 =	simm.s32 $0x0;
	s13 =	simm.s32 $0x80;
	s15 =	simm.s32 $0x1  }
0x4: {  	s16 =	simm.s32 $0x4400;
	s4 =	sand.u32 $0x1, s1;
	s25 =	sshll.u32 s0, $0x1  }
0x5: {  	s17 =	simm.s32 $0x6400;
	s20 =	simm.s32 $0x7000;
	s6 =	sor.u32 s4, s25  }
0x6: {  	s21 =	simm.s32 $0x2;
	[smem:$0x7FF] =	sst s3;
	s7 =	smul.u32 $0x68, s6  }
0x7: {  	s22 =	simm.s32 $0x0;
	_ =	strace $0x8000004A;
	s11 =	ssub.s32 $0x2, s4  }
0x8: {  	s6 =	smul.u32 $0x680, s6;
	s28 =	sshrl.u32 s11, $0x1;
	s8 =	sadd.s32 $0x67, s7  }
0x9: {  	s4 =	sadd.s32 $0xA00, s5;
	s11 =	ssub.s32 s11, s28;
	s9 =	sshrl.u32 s8, $0x7  }
0xa: {  	s6 =	sadd.s32 s6, s5;
	s8 =	sshll.u32 s8, $0xA;
	s10 =	sshll.u32 s9, $0x11  }
0xb: {  	s11 =	smax.u32 s11, $0x1;
	s26 =	sshll.u32 s9, $0x13;
	s8 =	ssub.s32 s8, s10  }
0xc: {  	s5 =	sadd.s32 $0x3D1400, s6;
	s6 =	sadd.s32 $0xFFFFFFFF, s7;
	s8 =	sadd.s32 s26, s8  }
0xd: {  	s29 =	sshrl.u32 s8, $0x3;
	s30 =	sadd.s32 $0x20000, s8;
	s31 =	sadd.s32 $0x40000, s8  }
0xe: {  	s8 =	sadd.s32 $0x60000, s8;
	s7 =	sadd.s32 s2, s29;
	s9 =	sshrl.u32 s30, $0x3  }
0xf: {  	v0 =	vlaneseq.u32;
	s10 =	sshrl.u32 s31, $0x3;
	s12 =	sshrl.u32 s8, $0x3;
	s8 =	sadd.s32 s2, s9  }
0x10: {  	v1 =	vand.u32 $0x7, v0;
	v2 =	vor.u32 $0x78, v0;
	s9 =	sadd.s32 s2, s10;
	s10 =	sadd.s32 s2, s12;
	s12 =	simm.s32 $0x3  }
.LBB2_1:
0x11: {  	[tilespmem:s3], [sflag:$0x3] =	stream.linear.gather [hbm4b:s5+s3], $0x3400, $0x38;
	[tilespmem:$0x7400] =	vst v63  }
0x12: {  	_ =	swait.ge [sflag:s12], $0x3400  }
0x13: {  	[sflag:s12] =	ssyncset.done $0x0  }
0x14: {  	s0 =	simm.s32 $0x3400;
	s23 =	simm.s32 $0x1;
	[sflag:s12] =	ssyncadd.s32 $0xFFFFCC00  }
0x15: {  	[tilespmem:s0], [sflag:$0x1] =	stream.indirect.gather [hbm4b:s4+s13], $0x20, s3, s13, $0xb8;
	[tilespmem:$0x7400] =	vst v63  }
.LBB2_2:
0x16: {  	s26 =	sand.u32 $0x1, s23;
	_ =	swait.ge [sflag:s15], $0x1000  }
0x17: {  	s25 =	sshll.u32 s23, $0x7;
	[sflag:s15] =	ssyncset.done $0x0;
	s24 =	sshll.u32 s26, $0xC  }
0x18: {  	s25 =	sand.u32 $0x3FFFFF80, s25;
	[sflag:s15] =	ssyncadd.s32 $0xFFFFF000;
	s24 =	sadd.s32 $0x3400, s24  }
0x19: {  	[tilespmem:s24], [sflag:$0x1] =	stream.indirect.gather [hbm4b:s4+s13], $0x20, s25, s13, $0xb8;
	[tilespmem:$0x7400] =	vst v63  }
0x1a: {  	s24 =	simm.s32 $0x0;
	s25 =	simm.s32 $0x0  }
0x1b: {  	s29 =	sand.u32 $0x10, s24;
	s28 =	sand.u32 $0x70, s25  }
0x1c: {  	v9 =	vor.u32 s29, v0;
	s30 =	sor.u32 $0x1, s29;
	s31 =	sor.u32 $0xF, s29;
	v11 =	vor.u32 s28, v0  }
0x1d: {  	s14 =	sor.u32 $0x2, s29;
	s18 =	sor.u32 $0x3, s29;
	s1 =	sor.u32 $0x4, s29;
	v4 =	vadd.s32 s30, v0;
	v3 =	vadd.s32 s31, v0;
	v5 =	vshll.u32 v11, $0x5  }
0x1e: {  	s0 =	sor.u32 $0x6, s29;
	s19 =	sor.u32 $0x9, s29;
	v6 =	vadd.s32 s14, v0;
	v8 =	vadd.s32 s18, v0;
	v12 =	vadd.s32 s1, v0  }
0x1f: {  	p0 =	slt.u32 s23, $0x2;
	s30 =	sor.u32 $0x5, s29;
	v14 =	vadd.s32 s0, v0;
	v17 =	vadd.s32 s19, v0;
	v36 =	vand.u32 $0x18, v9  }
0x20: {  	s14 =	sor.u32 $0x7, s29;
	s1 =	sor.u32 $0x8, s29;
	s18 =	sor.u32 $0xA, s29;
	v63 =	vand.u32 $0x78, v11;
	v7 =	vand.u32 $0x1F, v3;
	v13 =	vadd.s32 s30, v0  }
0x21: {  	s28 =	simm.s32 @!p0 $0x2;
	s0 =	sor.u32 $0xB, s29;
	s19 =	sor.u32 $0xE, s29;
	v15 =	vadd.s32 s14, v0;
	v16 =	vadd.s32 s1, v0;
	v18 =	vadd.s32 s18, v0  }
0x22: {  	_ =	swait.ge @!p0 [sflag:s28], $0x400;
	v19 =	vadd.s32 s0, v0;
	v10 =	vand.u32 $0x1F, v4;
	v22 =	vadd.s32 s19, v0  }
0x23: {  	[sflag:s28] =	ssyncset.done @!p0 $0x0;
	v23 =	vshll.u32 v3, $0x7;
	v3 =	vand.u32 v2, v11;
	v24 =	vand.u32 $0x1F, v6  }
0x24: {  	v25 =	vand.u32 $0x1F, v8;
	v26 =	vand.u32 $0x1F, v12;
	v28 =	vand.u32 $0x1F, v14;
	[sflag:s28] =	ssyncadd.s32 @!p0 $0xFFFFFC00  }
0x25: {  	v31 =	vand.u32 $0x1F, v17;
	v37 =	vor.u32 v1, v5;
	v39 =	vshll.u32 v4, $0x7;
	_ =	swait.ge @!p0 [sflag:s28], $0x400  }
0x26: {  	s14 =	sor.u32 $0xC, s29;
	v60 =	vshll.u32 v6, $0x7;
	v61 =	vshll.u32 v8, $0x7;
	v62 =	vshll.u32 v14, $0x7;
	[sflag:s28] =	ssyncset.done @!p0 $0x0  }
0x27: {  	s30 =	sor.u32 $0xD, s29;
	v17 =	vshll.u32 v17, $0x7;
	v7 =	vor.u32 v7, v5;
	v20 =	vadd.s32 s14, v0;
	[sflag:s28] =	ssyncadd.s32 @!p0 $0xFFFFFC00  }
0x28: {  	v21 =	vadd.s32 s30, v0;
	v23 =	vand.u32 $0xF80, v23;
	v27 =	vand.u32 $0x1F, v13;
	_ =	swait.ge @!p0 [sflag:s28], $0x400  }
0x29: {  	v29 =	vand.u32 $0x1F, v15;
	v30 =	vand.u32 $0x18, v16;
	v32 =	vand.u32 $0x1F, v18;
	[sflag:s28] =	ssyncset.done @!p0 $0x0  }
0x2a: {  	v33 =	vand.u32 $0x1F, v19;
	v38 =	vand.u32 $0x1F, v22;
	v10 =	vor.u32 v10, v5;
	[sflag:s28] =	ssyncadd.s32 @!p0 $0xFFFFFC00  }
0x2b: {  	s31 =	sxor.u32 $0x1, s26;
	v24 =	vor.u32 v24, v5;
	v25 =	vor.u32 v25, v5;
	v26 =	vor.u32 v26, v5;
	_ =	swait.ge @!p0 [sflag:s28], $0x400  }
0x2c: {  	s26 =	sshll.u32 s31, $0xC;
	v28 =	vor.u32 v28, v5;
	v31 =	vor.u32 v31, v5;
	v4 =	vor.u32 v36, v37;
	[sflag:s28] =	ssyncset.done @!p0 $0x0  }
0x2d: {  	v13 =	vshll.u32 v13, $0x7;
	v15 =	vshll.u32 v15, $0x7;
	v16 =	vshll.u32 v16, $0x7;
	[sflag:s28] =	ssyncadd.s32 @!p0 $0xFFFFFC00;
	s28 =	sadd.s32 $0x3400, s26  }
0x2e: {  	v18 =	vshll.u32 v18, $0x7;
	v19 =	vshll.u32 v19, $0x7;
	v27 =	vor.u32 v27, v5;
	v59 =	vld.idx.msk [tilespmem:v7+s28+$0x0], $0xffff  }
0x2f: {  	v22 =	vshll.u32 v22, $0x7;
	v39 =	vand.u32 $0xF80, v39;
	v42 =	vand.u32 $0xF80, v60;
	v10 =	vld.idx.msk [tilespmem:v10+s28+$0x0], $0xffff  }
0x30: {  	v36 =	vand.u32 $0xF80, v61;
	v23 =	vor.u32 v23, v3;
	v29 =	vor.u32 v29, v5;
	v7 =	vld.idx.msk [tilespmem:v24+s28+$0x0], $0xffff  }
0x31: {  	v34 =	vand.u32 $0x1F, v20;
	v35 =	vand.u32 $0x1F, v21;
	v30 =	vor.u32 v30, v37;
	v8 =	vld.idx.msk [tilespmem:v25+s28+$0x0], $0xffff  }
0x32: {  	v40 =	vor.u32 v32, v5;
	v41 =	vor.u32 v33, v5;
	v20 =	vshll.u32 v20, $0x7;
	v6 =	vld.idx.msk [tilespmem:v26+s28+$0x0], $0xffff  }
0x33: {  	v21 =	vshll.u32 v21, $0x7;
	v43 =	vand.u32 $0xF80, v13;
	v26 =	vshll.u32 v9, $0x7;
	v9 =	vld.idx.msk [tilespmem:v27+s28+$0x0], $0xffff  }
0x34: {  	v37 =	vand.u32 $0xF80, v62;
	v44 =	vand.u32 $0xF80, v15;
	v24 =	vshll.u32 v12, $0x7;
	v12 =	vld.idx.msk [tilespmem:v28+s28+$0x0], $0xffff  }
0x35: {  	v45 =	vand.u32 $0xF80, v16;
	v32 =	vand.u32 $0xF80, v17;
	v34 =	vor.u32 v34, v5;
	v14 =	vld.idx.msk [tilespmem:v29+s28+$0x0], $0xffff  }
0x36: {  	v33 =	vor.u32 v39, v3;
	v35 =	vor.u32 v35, v5;
	v5 =	vor.u32 v38, v5;
	v15 =	vld.idx.msk [tilespmem:v30+s28+$0x0], $0xffff  }
0x37: {  	v11 =	vld.idx.msk [tilespmem:v31+s28+$0x0], $0xffff;
	v31 =	vand.u32 $0xF80, v18;
	v30 =	vand.u32 $0xF80, v19;
	v28 =	vand.u32 $0xF80, v20  }
0x38: {  	v13 =	vld.idx.msk [tilespmem:v40+s28+$0x0], $0xffff;
	v27 =	vand.u32 $0xF80, v21;
	v25 =	vand.u32 $0xF80, v22;
	v29 =	vor.u32 v42, v3  }
0x39: {  	v16 =	vld.idx.msk [tilespmem:v41+s28+$0x0], $0xffff;
	v22 =	vor.u32 v43, v3;
	v21 =	vor.u32 v37, v3;
	v24 =	vand.u32 $0xF80, v24  }
0x3a: {  	s29 =	sadd.s32 $0x5400, s26;
	v17 =	vld.idx.msk [tilespmem:v34+s28+$0x0], $0xffff;
	v20 =	vor.u32 v44, v3;
	v19 =	vor.u32 v45, v3;
	v24 =	vor.u32 v24, v3  }
0x3b: {  	v18 =	vld.idx.msk [tilespmem:v35+s28+$0x0], $0xffff;
	[tilespmem:v23+s29+$0x0] =	vst.idx.msk $0xffff, v59;
	v23 =	vor.u32 v26, v63;
	v26 =	vor.u32 v36, v3  }
.LBB2_3:
0x3c: {  	s24 =	sadd.s32 $0x10, s24;
	v32 =	vor.u32 v32, v3;
	v31 =	vor.u32 v31, v3;
	v30 =	vor.u32 v30, v3;
	v5 =	vld.idx.msk [tilespmem:v5+s28+$0x0], $0xffff  }
0x3d: {  	v27 =	vor.u32 v27, v3;
	v25 =	vor.u32 v25, v3;
	s25 =	sadd.s32 $0x8, s25;
	s0 =	sand.u32 $0x10, s24;
	p0 =	slt.u32 s24, $0xF0;
	v34 =	vld.idx.msk [tilespmem:v4+s28+$0x0], $0xffff;
	v4 =	vor.u32 v28, v3  }
0x3e: {  	v23 =	vor.u32 v1, v23;
	s1 =	sand.u32 $0x70, s25;
	v28 =	vor.u32 s0, v0;
	s14 =	sor.u32 $0x1, s0;
	s18 =	sor.u32 $0xF, s0;
	[tilespmem:v33+s29+$0x0] =	vst.idx.msk $0xffff, v10  }
0x3f: {  	v33 =	vor.u32 s1, v0;
	s1 =	sor.u32 $0x2, s0;
	s30 =	sor.u32 $0x4, s0;
	v10 =	vadd.s32 s14, v0;
	s14 =	sor.u32 $0x3, s0;
	v3 =	vadd.s32 s18, v0;
	[tilespmem:v29+s29+$0x0] =	vst.idx.msk $0xffff, v7  }
0x40: {  	s31 =	sor.u32 $0x7, s0;
	v7 =	vshll.u32 v33, $0x5;
	v29 =	vadd.s32 s1, v0;
	s1 =	sor.u32 $0x5, s0;
	s18 =	sor.u32 $0x6, s0;
	v35 =	vand.u32 $0x1F, v3;
	[tilespmem:v26+s29+$0x0] =	vst.idx.msk $0xffff, v8  }
0x41: {  	s19 =	sor.u32 $0xA, s0;
	v8 =	vadd.s32 s14, v0;
	v26 =	vadd.s32 s30, v0;
	s14 =	sor.u32 $0x8, s0;
	s30 =	sor.u32 $0x9, s0;
	v35 =	vor.u32 v35, v7;
	[tilespmem:v24+s29+$0x0] =	vst.idx.msk $0xffff, v6  }
0x42: {  	v36 =	vadd.s32 s31, v0;
	s31 =	sor.u32 $0xD, s0;
	v6 =	vadd.s32 s1, v0;
	v24 =	vadd.s32 s18, v0;
	s1 =	sor.u32 $0xB, s0;
	s18 =	sor.u32 $0xC, s0;
	[tilespmem:v22+s29+$0x0] =	vst.idx.msk $0xffff, v9  }
0x43: {  	v37 =	vadd.s32 s19, v0;
	s0 =	sor.u32 $0xE, s0;
	v9 =	vadd.s32 s14, v0;
	v22 =	vadd.s32 s30, v0;
	[tilespmem:v21+s29+$0x0] =	vst.idx.msk $0xffff, v12  }
0x44: {  	v38 =	vadd.s32 s31, v0;
	v12 =	vadd.s32 s1, v0;
	v21 =	vadd.s32 s18, v0;
	[tilespmem:v20+s29+$0x0] =	vst.idx.msk $0xffff, v14  }
0x45: {  	v39 =	vshll.u32 v3, $0x7;
	v14 =	vand.u32 $0x1F, v10;
	v20 =	vadd.s32 s0, v0;
	[tilespmem:v19+s29+$0x0] =	vst.idx.msk $0xffff, v15  }
0x46: {  	v3 =	vand.u32 v2, v33;
	v15 =	vand.u32 $0x1F, v29;
	v19 =	vld.idx.msk [tilespmem:v35+s28+$0x0], $0xffff;
	v35 =	vand.u32 $0xF80, v39;
	[tilespmem:v32+s29+$0x0] =	vst.idx.msk $0xffff, v11  }
0x47: {  	v11 =	vand.u32 $0x1F, v8;
	v32 =	vand.u32 $0x1F, v26;
	v35 =	vor.u32 v35, v3;
	[tilespmem:v31+s29+$0x0] =	vst.idx.msk $0xffff, v13  }
0x48: {  	v39 =	vand.u32 $0x1F, v36;
	v13 =	vand.u32 $0x1F, v6;
	v31 =	vand.u32 $0x1F, v24;
	[tilespmem:v30+s29+$0x0] =	vst.idx.msk $0xffff, v16  }
0x49: {  	v40 =	vand.u32 $0x1F, v37;
	v16 =	vand.u32 $0x18, v9;
	v30 =	vand.u32 $0x1F, v22;
	[tilespmem:v4+s29+$0x0] =	vst.idx.msk $0xffff, v17  }
0x4a: {  	v41 =	vand.u32 $0x1F, v38;
	v4 =	vand.u32 $0x1F, v12;
	v17 =	vand.u32 $0x1F, v21;
	[tilespmem:v27+s29+$0x0] =	vst.idx.msk $0xffff, v18  }
0x4b: {  	v42 =	vand.u32 $0x1F, v20;
	v18 =	vand.u32 $0x18, v28;
	v27 =	vor.u32 v1, v7;
	[tilespmem:v25+s29+$0x0] =	vst.idx.msk $0xffff, v5  }
0x4c: {  	v14 =	vor.u32 v14, v7;
	v15 =	vor.u32 v15, v7;
	v25 =	vshll.u32 v10, $0x7;
	[tilespmem:v35+s29+$0x0] =	vst.idx.msk $0xffff, v19  }
0x4d: {  	v11 =	vor.u32 v11, v7;
	v13 =	vor.u32 v13, v7;
	v19 =	vor.u32 v32, v7  }
0x4e: {  	v31 =	vor.u32 v31, v7;
	v16 =	vor.u32 v16, v27;
	v32 =	vor.u32 v39, v7  }
0x4f: {  	v30 =	vor.u32 v30, v7;
	v35 =	vor.u32 v40, v7;
	v39 =	vor.u32 v4, v7  }
0x50: {  	v17 =	vor.u32 v17, v7;
	v5 =	vor.u32 v42, v7;
	v40 =	vor.u32 v41, v7  }
0x51: {  	v4 =	vor.u32 v18, v27;
	v18 =	vshll.u32 v8, $0x7;
	v10 =	vld.idx.msk [tilespmem:v14+s28+$0x0], $0xffff;
	v14 =	vshll.u32 v29, $0x7;
	[tilespmem:v23+s29+$0x0] =	vst.idx.msk $0xffff, v34  }
0x52: {  	v24 =	vshll.u32 v24, $0x7;
	v23 =	vshll.u32 v6, $0x7;
	v7 =	vld.idx.msk [tilespmem:v15+s28+$0x0], $0xffff;
	v15 =	vshll.u32 v26, $0x7  }
0x53: {  	v22 =	vshll.u32 v22, $0x7;
	v26 =	vshll.u32 v9, $0x7;
	v8 =	vld.idx.msk [tilespmem:v11+s28+$0x0], $0xffff;
	v11 =	vshll.u32 v36, $0x7  }
0x54: {  	v21 =	vshll.u32 v21, $0x7;
	v27 =	vshll.u32 v12, $0x7;
	v6 =	vld.idx.msk [tilespmem:v19+s28+$0x0], $0xffff;
	v19 =	vshll.u32 v37, $0x7  }
0x55: {  	v20 =	vshll.u32 v20, $0x7;
	v29 =	vshll.u32 v28, $0x7;
	v34 =	vshll.u32 v38, $0x7;
	v9 =	vld.idx.msk [tilespmem:v13+s28+$0x0], $0xffff  }
0x56: {  	v33 =	vand.u32 $0x78, v33;
	v36 =	vand.u32 $0xF80, v25;
	v37 =	vand.u32 $0xF80, v14;
	v12 =	vld.idx.msk [tilespmem:v31+s28+$0x0], $0xffff  }
0x57: {  	v18 =	vand.u32 $0xF80, v18;
	v41 =	vand.u32 $0xF80, v23;
	v38 =	vand.u32 $0xF80, v15;
	v14 =	vld.idx.msk [tilespmem:v32+s28+$0x0], $0xffff  }
0x58: {  	v42 =	vand.u32 $0xF80, v24;
	v44 =	vand.u32 $0xF80, v26;
	v43 =	vand.u32 $0xF80, v11;
	v15 =	vld.idx.msk [tilespmem:v16+s28+$0x0], $0xffff  }
.Ltmp0:
0x59: {  	v31 =	vand.u32 $0xF80, v19;
	v32 =	vand.u32 $0xF80, v22;
	v11 =	vld.idx.msk [tilespmem:v30+s28+$0x0], $0xffff;
	v30 =	vand.u32 $0xF80, v27;
	(pc) =	sbr.rel @p0 .LBB2_3-.Ltmp0, $4  }
0x5a: {  	v28 =	vand.u32 $0xF80, v21;
	v25 =	vand.u32 $0xF80, v20;
	v27 =	vand.u32 $0xF80, v34;
	v13 =	vld.idx.msk [tilespmem:v35+s28+$0x0], $0xffff  }
0x5b: {  	v23 =	vor.u32 v29, v33;
	v33 =	vor.u32 v36, v3;
	v29 =	vor.u32 v37, v3;
	v16 =	vld.idx.msk [tilespmem:v39+s28+$0x0], $0xffff  }
0x5c: {  	v26 =	vor.u32 v18, v3;
	v24 =	vor.u32 v38, v3;
	v22 =	vor.u32 v41, v3;
	v17 =	vld.idx.msk [tilespmem:v17+s28+$0x0], $0xffff  }
0x5d: {  	v21 =	vor.u32 v42, v3;
	v20 =	vor.u32 v43, v3;
	v19 =	vor.u32 v44, v3;
	v18 =	vld.idx.msk [tilespmem:v40+s28+$0x0], $0xffff  }
0x5e: {  	_ =	sdelay $0x3  }
0x5f: {  	[tilespmem:v33+s29+$0x0] =	vst.idx.msk $0xffff, v10  }
0x60: {  	[tilespmem:v29+s29+$0x0] =	vst.idx.msk $0xffff, v7  }
0x61: {  	[tilespmem:v26+s29+$0x0] =	vst.idx.msk $0xffff, v8  }
0x62: {  	v58 =	vor.u32 v32, v3;
	[tilespmem:v24+s29+$0x0] =	vst.idx.msk $0xffff, v6  }
0x63: {  	v59 =	vor.u32 v31, v3;
	[tilespmem:v22+s29+$0x0] =	vst.idx.msk $0xffff, v9  }
0x64: {  	v60 =	vor.u32 v30, v3;
	[tilespmem:v21+s29+$0x0] =	vst.idx.msk $0xffff, v12  }
0x65: {  	v61 =	vor.u32 v28, v3;
	[tilespmem:v20+s29+$0x0] =	vst.idx.msk $0xffff, v14  }
0x66: {  	v62 =	vor.u32 v27, v3;
	[tilespmem:v19+s29+$0x0] =	vst.idx.msk $0xffff, v15  }
0x67: {  	v5 =	vld.idx.msk [tilespmem:v5+s28+$0x0], $0xffff;
	v3 =	vor.u32 v25, v3;
	s0 =	sadd.s32 s23, s6;
	[tilespmem:v58+s29+$0x0] =	vst.idx.msk $0xffff, v11  }
0x68: {  	v4 =	vld.idx.msk [tilespmem:v4+s28+$0x0], $0xffff;
	v63 =	vor.u32 v1, v23;
	s1 =	sshrl.u32 s0, $0x7;
	[tilespmem:v59+s29+$0x0] =	vst.idx.msk $0xffff, v13  }
0x69: {  	s0 =	sshll.u32 s0, $0xA;
	s14 =	sshll.u32 s1, $0x11;
	[tilespmem:v60+s29+$0x0] =	vst.idx.msk $0xffff, v16  }
0x6a: {  	s1 =	sshll.u32 s1, $0x13;
	s0 =	ssub.s32 s0, s14;
	[tilespmem:v61+s29+$0x0] =	vst.idx.msk $0xffff, v17  }
0x6b: {  	s0 =	sadd.s32 s1, s0;
	[tilespmem:v62+s29+$0x0] =	vst.idx.msk $0xffff, v18  }
0x6c: {  	[tilespmem:v3+s29+$0x0] =	vst.idx.msk $0xffff, v5;
	s1 =	sshrl.u32 s0, $0x3  }
0x6d: {  	[tilespmem:v63+s29+$0x0] =	vst.idx.msk $0xffff, v4;
	s25 =	sadd.s32 $0x20000, s0;
	s1 =	sadd.s32 s2, s1  }
0x6e: {  	[hbm4b:s1+s3] =	stream.linear.scatter [tilespmem:s29], [sflag:$0x2], $0x400, $0x38;
	[tilespmem:$0x7400] =	vst v63  }
0x6f: {  	s28 =	sadd.s32 $0x5800, s26;
	s23 =	sadd.s32 $0x1, s23;
	s1 =	sshrl.u32 s25, $0x3  }
0x70: {  	p0 =	sne.s32 s23, $0x68;
	s29 =	sadd.s32 $0x40000, s0;
	s1 =	sadd.s32 s2, s1  }
0x71: {  	[hbm4b:s1+s3] =	stream.linear.scatter [tilespmem:s28], [sflag:$0x2], $0x400, $0x38;
	[tilespmem:$0x7400] =	vst v63  }
.Ltmp1:
0x72: {  	s0 =	sadd.s32 $0x60000, s0;
	s1 =	sshrl.u32 s29, $0x3;
	(pc) =	sbr.rel @p0 .LBB2_2-.Ltmp1, $4  }
0x73: {  	s30 =	sadd.s32 $0x5C00, s26;
	s0 =	sshrl.u32 s0, $0x3;
	s1 =	sadd.s32 s2, s1  }
0x74: {  	[hbm4b:s1+s3] =	stream.linear.scatter [tilespmem:s30], [sflag:$0x2], $0x400, $0x38;
	[tilespmem:$0x7400] =	vst v63  }
0x75: {  	s31 =	sor.u32 $0x6000, s26;
	s0 =	sadd.s32 s2, s0  }
0x76: {  	[hbm4b:s0+s3] =	stream.linear.scatter [tilespmem:s31], [sflag:$0x2], $0x400, $0x38;
	[tilespmem:$0x7400] =	vst v63  }
0x77: {  	s23 =	simm.s32 $0x0;
	s24 =	simm.s32 $0x0  }
0x78: {  	s0 =	sand.u32 $0x10, s23;
	s1 =	sand.u32 $0x70, s24  }
0x79: {  	v9 =	vor.u32 s0, v0;
	s14 =	sor.u32 $0x1, s0;
	s18 =	sor.u32 $0xF, s0;
	v11 =	vor.u32 s1, v0  }
0x7a: {  	s28 =	sor.u32 $0x2, s0;
	s29 =	sor.u32 $0x3, s0;
	s30 =	sor.u32 $0x4, s0;
	v4 =	vadd.s32 s14, v0;
	v3 =	vadd.s32 s18, v0;
	v5 =	vshll.u32 v11, $0x5  }
0x7b: {  	s31 =	sor.u32 $0x5, s0;
	s19 =	sor.u32 $0x6, s0;
	s25 =	sor.u32 $0x7, s0;
	v6 =	vadd.s32 s28, v0;
	v8 =	vadd.s32 s29, v0;
	v12 =	vadd.s32 s30, v0  }
0x7c: {  	s26 =	sor.u32 $0xA, s0;
	v13 =	vadd.s32 s31, v0;
	v14 =	vadd.s32 s19, v0;
	v15 =	vadd.s32 s25, v0  }
0x7d: {  	s18 =	sor.u32 $0x8, s0;
	s28 =	sor.u32 $0x9, s0;
	v18 =	vadd.s32 s26, v0;
	v36 =	vand.u32 $0x18, v9;
	v63 =	vand.u32 $0x78, v11  }
0x7e: {  	s29 =	sor.u32 $0xB, s0;
	s30 =	sor.u32 $0xC, s0;
	s31 =	sor.u32 $0xD, s0;
	v7 =	vand.u32 $0x1F, v3;
	v16 =	vadd.s32 s18, v0;
	v17 =	vadd.s32 s28, v0  }
0x7f: {  	s0 =	sor.u32 $0xE, s0;
	v19 =	vadd.s32 s29, v0;
	v20 =	vadd.s32 s30, v0;
	v21 =	vadd.s32 s31, v0  }
0x80: {  	v10 =	vand.u32 $0x1F, v4;
	v22 =	vadd.s32 s0, v0;
	v23 =	vshll.u32 v3, $0x7  }
0x81: {  	v3 =	vand.u32 v2, v11;
	v24 =	vand.u32 $0x1F, v6;
	v25 =	vand.u32 $0x1F, v8  }
0x82: {  	v26 =	vand.u32 $0x1F, v12;
	v27 =	vand.u32 $0x1F, v13;
	v28 =	vand.u32 $0x1F, v14  }
0x83: {  	v29 =	vand.u32 $0x1F, v15;
	v32 =	vand.u32 $0x1F, v18;
	v37 =	vor.u32 v1, v5  }
0x84: {  	v39 =	vshll.u32 v4, $0x7;
	v60 =	vshll.u32 v6, $0x7;
	v61 =	vshll.u32 v8, $0x7  }
0x85: {  	v13 =	vshll.u32 v13, $0x7;
	v62 =	vshll.u32 v14, $0x7;
	v15 =	vshll.u32 v15, $0x7  }
0x86: {  	v18 =	vshll.u32 v18, $0x7;
	v7 =	vor.u32 v7, v5;
	v23 =	vand.u32 $0xF80, v23  }
0x87: {  	v30 =	vand.u32 $0x18, v16;
	v31 =	vand.u32 $0x1F, v17;
	v10 =	vor.u32 v10, v5  }
0x88: {  	_ =	swait.ge [sflag:s15], $0x1000;
	v33 =	vand.u32 $0x1F, v19;
	v34 =	vand.u32 $0x1F, v20;
	v24 =	vor.u32 v24, v5  }
0x89: {  	[sflag:s15] =	ssyncset.done $0x0;
	v35 =	vand.u32 $0x1F, v21;
	v38 =	vand.u32 $0x1F, v22;
	v25 =	vor.u32 v25, v5  }
0x8a: {  	[sflag:s15] =	ssyncadd.s32 $0xFFFFF000;
	v26 =	vor.u32 v26, v5;
	v27 =	vor.u32 v27, v5;
	v28 =	vor.u32 v28, v5  }
0x8b: {  	v29 =	vor.u32 v29, v5;
	v40 =	vor.u32 v32, v5;
	v4 =	vor.u32 v36, v37;
	v59 =	vld.idx.msk [tilespmem:v7+s16+$0x0], $0xffff  }
0x8c: {  	v16 =	vshll.u32 v16, $0x7;
	v17 =	vshll.u32 v17, $0x7;
	v19 =	vshll.u32 v19, $0x7;
	v10 =	vld.idx.msk [tilespmem:v10+s16+$0x0], $0xffff  }
0x8d: {  	v20 =	vshll.u32 v20, $0x7;
	v21 =	vshll.u32 v21, $0x7;
	v22 =	vshll.u32 v22, $0x7;
	v7 =	vld.idx.msk [tilespmem:v24+s16+$0x0], $0xffff  }
0x8e: {  	v39 =	vand.u32 $0xF80, v39;
	v42 =	vand.u32 $0xF80, v60;
	v36 =	vand.u32 $0xF80, v61;
	v8 =	vld.idx.msk [tilespmem:v25+s16+$0x0], $0xffff  }
0x8f: {  	v44 =	vand.u32 $0xF80, v13;
	v45 =	vand.u32 $0xF80, v15;
	v30 =	vor.u32 v30, v37;
	v6 =	vld.idx.msk [tilespmem:v26+s16+$0x0], $0xffff  }
0x90: {  	v23 =	vor.u32 v23, v3;
	v31 =	vor.u32 v31, v5;
	v26 =	vshll.u32 v9, $0x7;
	v9 =	vld.idx.msk [tilespmem:v27+s16+$0x0], $0xffff  }
0x91: {  	v41 =	vor.u32 v33, v5;
	v34 =	vor.u32 v34, v5;
	v24 =	vshll.u32 v12, $0x7;
	v12 =	vld.idx.msk [tilespmem:v28+s16+$0x0], $0xffff  }
0x92: {  	v35 =	vor.u32 v35, v5;
	v5 =	vor.u32 v38, v5;
	v37 =	vand.u32 $0xF80, v62;
	v14 =	vld.idx.msk [tilespmem:v29+s16+$0x0], $0xffff  }
0x93: {  	v46 =	vand.u32 $0xF80, v16;
	v32 =	vand.u32 $0xF80, v17;
	v33 =	vor.u32 v39, v3;
	v13 =	vld.idx.msk [tilespmem:v40+s16+$0x0], $0xffff  }
0x94: {  	v28 =	vand.u32 $0xF80, v20;
	v27 =	vand.u32 $0xF80, v21;
	v25 =	vand.u32 $0xF80, v22;
	v15 =	vld.idx.msk [tilespmem:v30+s16+$0x0], $0xffff  }
0x95: {  	v29 =	vor.u32 v42, v3;
	v22 =	vor.u32 v44, v3;
	v21 =	vor.u32 v37, v3;
	v11 =	vld.idx.msk [tilespmem:v31+s16+$0x0], $0xffff  }
0x96: {  	v20 =	vor.u32 v45, v3;
	v43 =	vand.u32 $0xF80, v24;
	v31 =	vand.u32 $0xF80, v18;
	v16 =	vld.idx.msk [tilespmem:v41+s16+$0x0], $0xffff  }
0x97: {  	v30 =	vand.u32 $0xF80, v19;
	v24 =	vor.u32 v26, v63;
	v26 =	vor.u32 v36, v3;
	v17 =	vld.idx.msk [tilespmem:v34+s16+$0x0], $0xffff  }
0x98: {  	v19 =	vor.u32 v46, v3;
	v18 =	vld.idx.msk [tilespmem:v35+s16+$0x0], $0xffff;
	[tilespmem:v23+s17+$0x0] =	vst.idx.msk $0xffff, v59;
	v23 =	vor.u32 v43, v3  }
.LBB2_6:
0x99: {  	s23 =	sadd.s32 $0x10, s23;
	v32 =	vor.u32 v32, v3;
	v31 =	vor.u32 v31, v3;
	v30 =	vor.u32 v30, v3;
	v5 =	vld.idx.msk [tilespmem:v5+s16+$0x0], $0xffff  }
0x9a: {  	v27 =	vor.u32 v27, v3;
	v25 =	vor.u32 v25, v3;
	s24 =	sadd.s32 $0x8, s24;
	s0 =	sand.u32 $0x10, s23;
	p0 =	slt.u32 s23, $0xF0;
	v34 =	vld.idx.msk [tilespmem:v4+s16+$0x0], $0xffff;
	v4 =	vor.u32 v28, v3  }
0x9b: {  	v24 =	vor.u32 v1, v24;
	s1 =	sand.u32 $0x70, s24;
	v28 =	vor.u32 s0, v0;
	s14 =	sor.u32 $0x1, s0;
	s18 =	sor.u32 $0xF, s0;
	[tilespmem:v33+s17+$0x0] =	vst.idx.msk $0xffff, v10  }
0x9c: {  	v33 =	vor.u32 s1, v0;
	s1 =	sor.u32 $0x2, s0;
	s19 =	sor.u32 $0x4, s0;
	v10 =	vadd.s32 s14, v0;
	s14 =	sor.u32 $0x3, s0;
	v3 =	vadd.s32 s18, v0;
	[tilespmem:v29+s17+$0x0] =	vst.idx.msk $0xffff, v7  }
0x9d: {  	s25 =	sor.u32 $0x7, s0;
	v7 =	vshll.u32 v33, $0x5;
	v29 =	vadd.s32 s1, v0;
	s1 =	sor.u32 $0x5, s0;
	s18 =	sor.u32 $0x6, s0;
	v35 =	vand.u32 $0x1F, v3;
	[tilespmem:v26+s17+$0x0] =	vst.idx.msk $0xffff, v8  }
0x9e: {  	s26 =	sor.u32 $0xA, s0;
	v8 =	vadd.s32 s14, v0;
	v26 =	vadd.s32 s19, v0;
	s14 =	sor.u32 $0x8, s0;
	s19 =	sor.u32 $0x9, s0;
	v35 =	vor.u32 v35, v7;
	[tilespmem:v23+s17+$0x0] =	vst.idx.msk $0xffff, v6  }
0x9f: {  	v36 =	vadd.s32 s25, v0;
	s25 =	sor.u32 $0xD, s0;
	v6 =	vadd.s32 s1, v0;
	v23 =	vadd.s32 s18, v0;
	s1 =	sor.u32 $0xB, s0;
	s18 =	sor.u32 $0xC, s0;
	[tilespmem:v22+s17+$0x0] =	vst.idx.msk $0xffff, v9  }
0xa0: {  	v37 =	vadd.s32 s26, v0;
	s0 =	sor.u32 $0xE, s0;
	v9 =	vadd.s32 s14, v0;
	v22 =	vadd.s32 s19, v0;
	[tilespmem:v21+s17+$0x0] =	vst.idx.msk $0xffff, v12  }
0xa1: {  	v38 =	vadd.s32 s25, v0;
	v12 =	vadd.s32 s1, v0;
	v21 =	vadd.s32 s18, v0;
	[tilespmem:v20+s17+$0x0] =	vst.idx.msk $0xffff, v14  }
0xa2: {  	v39 =	vshll.u32 v3, $0x7;
	v14 =	vand.u32 $0x1F, v10;
	v20 =	vadd.s32 s0, v0;
	[tilespmem:v19+s17+$0x0] =	vst.idx.msk $0xffff, v15  }
0xa3: {  	v3 =	vand.u32 v2, v33;
	v15 =	vand.u32 $0x1F, v29;
	v19 =	vld.idx.msk [tilespmem:v35+s16+$0x0], $0xffff;
	v35 =	vand.u32 $0xF80, v39;
	[tilespmem:v32+s17+$0x0] =	vst.idx.msk $0xffff, v11  }
0xa4: {  	v11 =	vand.u32 $0x1F, v8;
	v32 =	vand.u32 $0x1F, v26;
	v35 =	vor.u32 v35, v3;
	[tilespmem:v31+s17+$0x0] =	vst.idx.msk $0xffff, v13  }
0xa5: {  	v39 =	vand.u32 $0x1F, v36;
	v13 =	vand.u32 $0x1F, v6;
	v31 =	vand.u32 $0x1F, v23;
	[tilespmem:v30+s17+$0x0] =	vst.idx.msk $0xffff, v16  }
0xa6: {  	v40 =	vand.u32 $0x1F, v37;
	v16 =	vand.u32 $0x18, v9;
	v30 =	vand.u32 $0x1F, v22;
	[tilespmem:v4+s17+$0x0] =	vst.idx.msk $0xffff, v17  }
0xa7: {  	v41 =	vand.u32 $0x1F, v38;
	v4 =	vand.u32 $0x1F, v12;
	v17 =	vand.u32 $0x1F, v21;
	[tilespmem:v27+s17+$0x0] =	vst.idx.msk $0xffff, v18  }
0xa8: {  	v42 =	vand.u32 $0x1F, v20;
	v18 =	vand.u32 $0x18, v28;
	v27 =	vor.u32 v1, v7;
	[tilespmem:v25+s17+$0x0] =	vst.idx.msk $0xffff, v5  }
0xa9: {  	v14 =	vor.u32 v14, v7;
	v15 =	vor.u32 v15, v7;
	v25 =	vshll.u32 v10, $0x7;
	[tilespmem:v35+s17+$0x0] =	vst.idx.msk $0xffff, v19  }
0xaa: {  	v11 =	vor.u32 v11, v7;
	v13 =	vor.u32 v13, v7;
	v19 =	vor.u32 v32, v7  }
0xab: {  	v31 =	vor.u32 v31, v7;
	v16 =	vor.u32 v16, v27;
	v32 =	vor.u32 v39, v7  }
0xac: {  	v30 =	vor.u32 v30, v7;
	v35 =	vor.u32 v40, v7;
	v39 =	vor.u32 v4, v7  }
0xad: {  	v17 =	vor.u32 v17, v7;
	v5 =	vor.u32 v42, v7;
	v40 =	vor.u32 v41, v7  }
0xae: {  	v4 =	vor.u32 v18, v27;
	v18 =	vshll.u32 v8, $0x7;
	v10 =	vld.idx.msk [tilespmem:v14+s16+$0x0], $0xffff;
	v14 =	vshll.u32 v29, $0x7;
	[tilespmem:v24+s17+$0x0] =	vst.idx.msk $0xffff, v34  }
0xaf: {  	v23 =	vshll.u32 v23, $0x7;
	v24 =	vshll.u32 v6, $0x7;
	v7 =	vld.idx.msk [tilespmem:v15+s16+$0x0], $0xffff;
	v15 =	vshll.u32 v26, $0x7  }
0xb0: {  	v22 =	vshll.u32 v22, $0x7;
	v26 =	vshll.u32 v9, $0x7;
	v8 =	vld.idx.msk [tilespmem:v11+s16+$0x0], $0xffff;
	v11 =	vshll.u32 v36, $0x7  }
0xb1: {  	v21 =	vshll.u32 v21, $0x7;
	v27 =	vshll.u32 v12, $0x7;
	v6 =	vld.idx.msk [tilespmem:v19+s16+$0x0], $0xffff;
	v19 =	vshll.u32 v37, $0x7  }
0xb2: {  	v20 =	vshll.u32 v20, $0x7;
	v29 =	vshll.u32 v28, $0x7;
	v34 =	vshll.u32 v38, $0x7;
	v9 =	vld.idx.msk [tilespmem:v13+s16+$0x0], $0xffff  }
0xb3: {  	v33 =	vand.u32 $0x78, v33;
	v36 =	vand.u32 $0xF80, v25;
	v37 =	vand.u32 $0xF80, v14;
	v12 =	vld.idx.msk [tilespmem:v31+s16+$0x0], $0xffff  }
0xb4: {  	v18 =	vand.u32 $0xF80, v18;
	v41 =	vand.u32 $0xF80, v24;
	v38 =	vand.u32 $0xF80, v15;
	v14 =	vld.idx.msk [tilespmem:v32+s16+$0x0], $0xffff  }
0xb5: {  	v42 =	vand.u32 $0xF80, v23;
	v44 =	vand.u32 $0xF80, v26;
	v43 =	vand.u32 $0xF80, v11;
	v15 =	vld.idx.msk [tilespmem:v16+s16+$0x0], $0xffff  }
.Ltmp2:
0xb6: {  	v31 =	vand.u32 $0xF80, v19;
	v32 =	vand.u32 $0xF80, v22;
	v11 =	vld.idx.msk [tilespmem:v30+s16+$0x0], $0xffff;
	v30 =	vand.u32 $0xF80, v27;
	(pc) =	sbr.rel @p0 .LBB2_6-.Ltmp2, $4  }
0xb7: {  	v28 =	vand.u32 $0xF80, v21;
	v25 =	vand.u32 $0xF80, v20;
	v27 =	vand.u32 $0xF80, v34;
	v13 =	vld.idx.msk [tilespmem:v35+s16+$0x0], $0xffff  }
0xb8: {  	v24 =	vor.u32 v29, v33;
	v33 =	vor.u32 v36, v3;
	v29 =	vor.u32 v37, v3;
	v16 =	vld.idx.msk [tilespmem:v39+s16+$0x0], $0xffff  }
0xb9: {  	v26 =	vor.u32 v18, v3;
	v23 =	vor.u32 v38, v3;
	v22 =	vor.u32 v41, v3;
	v17 =	vld.idx.msk [tilespmem:v17+s16+$0x0], $0xffff  }
0xba: {  	v21 =	vor.u32 v42, v3;
	v20 =	vor.u32 v43, v3;
	v19 =	vor.u32 v44, v3;
	v18 =	vld.idx.msk [tilespmem:v40+s16+$0x0], $0xffff  }
0xbb: {  	_ =	sdelay $0x3  }
0xbc: {  	[tilespmem:v33+s17+$0x0] =	vst.idx.msk $0xffff, v10  }
0xbd: {  	[tilespmem:v29+s17+$0x0] =	vst.idx.msk $0xffff, v7  }
0xbe: {  	[tilespmem:v26+s17+$0x0] =	vst.idx.msk $0xffff, v8  }
0xbf: {  	v58 =	vor.u32 v32, v3;
	[tilespmem:v23+s17+$0x0] =	vst.idx.msk $0xffff, v6  }
0xc0: {  	v59 =	vor.u32 v31, v3;
	[tilespmem:v22+s17+$0x0] =	vst.idx.msk $0xffff, v9  }
0xc1: {  	v60 =	vor.u32 v30, v3;
	[tilespmem:v21+s17+$0x0] =	vst.idx.msk $0xffff, v12  }
0xc2: {  	v61 =	vor.u32 v28, v3;
	[tilespmem:v20+s17+$0x0] =	vst.idx.msk $0xffff, v14  }
0xc3: {  	v62 =	vor.u32 v27, v3;
	[tilespmem:v19+s17+$0x0] =	vst.idx.msk $0xffff, v15  }
0xc4: {  	v5 =	vld.idx.msk [tilespmem:v5+s16+$0x0], $0xffff;
	v3 =	vor.u32 v25, v3;
	[tilespmem:v58+s17+$0x0] =	vst.idx.msk $0xffff, v11  }
0xc5: {  	v4 =	vld.idx.msk [tilespmem:v4+s16+$0x0], $0xffff;
	v63 =	vor.u32 v1, v24;
	[tilespmem:v59+s17+$0x0] =	vst.idx.msk $0xffff, v13  }
0xc6: {  	[tilespmem:v60+s17+$0x0] =	vst.idx.msk $0xffff, v16  }
0xc7: {  	[tilespmem:v61+s17+$0x0] =	vst.idx.msk $0xffff, v17  }
0xc8: {  	[tilespmem:v62+s17+$0x0] =	vst.idx.msk $0xffff, v18  }
0xc9: {  	[tilespmem:v3+s17+$0x0] =	vst.idx.msk $0xffff, v5  }
0xca: {  	[tilespmem:v63+s17+$0x0] =	vst.idx.msk $0xffff, v4  }
0xcb: {  	[hbm4b:s7+s3] =	stream.linear.scatter [tilespmem:s17], [sflag:$0x2], $0x400, $0x38;
	[tilespmem:$0x7400] =	vst v63  }
0xcc: {  	s0 =	simm.s32 $0x6800  }
0xcd: {  	[hbm4b:s8+s3] =	stream.linear.scatter [tilespmem:s0], [sflag:$0x2], $0x400, $0x38;
	[tilespmem:$0x7400] =	vst v63  }
0xce: {  	s31 =	simm.s32 $0x6C00  }
0xcf: {  	[hbm4b:s9+s3] =	stream.linear.scatter [tilespmem:s31], [sflag:$0x2], $0x400, $0x38;
	[tilespmem:$0x7400] =	vst v63  }
0xd0: {  	_ = 	snop  }
0xd1: {  	[hbm4b:s10+s3] =	stream.linear.scatter [tilespmem:s20], [sflag:$0x2], $0x400, $0x38;
	[tilespmem:$0x7400] =	vst v63  }
0xd2: {  	_ =	swait.ge [sflag:s21], $0x400  }
0xd3: {  	[sflag:s21] =	ssyncset.done $0x0  }
0xd4: {  	[sflag:s21] =	ssyncadd.s32 $0xFFFFFC00  }
0xd5: {  	_ =	swait.ge [sflag:s21], $0x400  }
0xd6: {  	[sflag:s21] =	ssyncset.done $0x0  }
0xd7: {  	[sflag:s21] =	ssyncadd.s32 $0xFFFFFC00  }
0xd8: {  	_ =	swait.ge [sflag:s21], $0x400  }
0xd9: {  	[sflag:s21] =	ssyncset.done $0x0  }
0xda: {  	[sflag:s21] =	ssyncadd.s32 $0xFFFFFC00  }
0xdb: {  	_ =	swait.ge [sflag:s21], $0x400  }
0xdc: {  	[sflag:s21] =	ssyncset.done $0x0  }
0xdd: {  	[sflag:s21] =	ssyncadd.s32 $0xFFFFFC00  }
0xde: {  	_ =	swait.ge [sflag:s21], $0x400  }
0xdf: {  	[sflag:s21] =	ssyncset.done $0x0  }
0xe0: {  	[sflag:s21] =	ssyncadd.s32 $0xFFFFFC00  }
0xe1: {  	_ =	swait.ge [sflag:s21], $0x400  }
0xe2: {  	[sflag:s21] =	ssyncset.done $0x0  }
0xe3: {  	s22 =	sadd.s32 $0x1, s22;
	[sflag:s21] =	ssyncadd.s32 $0xFFFFFC00  }
0xe4: {  	p0 =	sne.s32 s22, s11;
	_ =	swait.ge [sflag:s21], $0x400  }
.Ltmp3:
0xe5: {  	[sflag:s21] =	ssyncset.done $0x0;
	(pc) =	sbr.rel @p0 .LBB2_1-.Ltmp3, $4  }
0xe6: {  	[sflag:s21] =	ssyncadd.s32 $0xFFFFFC00  }
0xe7: {  	_ =	swait.ge [sflag:s21], $0x400  }
0xe8: {  	[sflag:s21] =	ssyncset.done $0x0  }
0xe9: {  	[sflag:s21] =	ssyncadd.s32 $0xFFFFFC00  }
0xea: {  	_ =	sfence.sel $0x180000  }
0xeb: {  	[bflag:$0x0] =	sbarrier.arrive $0xFFFF  }
0xec: {  	_ =	strace $0x9000004A  }
0xed: {  	s0 =	stileid.u32;
	[bflag:$0x2] =	sbarrier.arrive $0xFFFF  }
0xee: {  	p0 =	sne.s32 s0, $0x0;
	s0 =	rddreg [dreg:$0x2]  }
0xef: {  	s0 =	sadd.s32 @!p0 $0x100000, s0  }
0xf0: {  	[sflag:s0] =	ssyncadd.tile.s32 @!p0 $0x1;
	_ =	shalt  }
.Lfunc_end2:
_tile_overlayer_lowered:
.L_overlay_start_2:
0xf1: {  	(tag) =	ssettag $0x2  }
0xf2: {  	s0 =	rddreg [dreg:$0x0];
	s2 =	stileid.u32  }
0xf3: {  	s1 =	rddreg [dreg:$0x1];
	p0 =	sne.s32 s2, $0x0  }
0xf4: {  	s3 =	rddreg [dreg:$0x2];
	[bflag:$0x3] =	sbarrier.arrive $0xFFFF;
	s2 =	simm.s32 @!p0 $0x1C03  }
0xf5: {  	[timem:s3], [sflag:s2] =	dma.local @!p0 [hbm:s0], s1  }
0xf6: {  	s0 =	simm.s32 @!p0 $0x3  }
0xf7: {  	_ =	swait.ge @!p0 [sflag:s0], s1  }
0xf8: {  	s1 =	ssub.s32 @!p0 $0x0, s1;
	[sflag:s0] =	ssyncset.done @!p0 $0x0  }
0xf9: {  	[sflag:s0] =	ssyncadd.s32 @!p0 s1  }
0xfa: {  	[bflag:$0x3] =	sbarrier.arrive $0xFFFF  }
0xfb: {  	_ =	shalt  }

</sc_bundles>
